<compile_context>
chip_gen: v7x
topology: tpu7x:2x2x1
jax: 0.10.2.dev20260603
libtpu: 0.0.44.dev20260713+nightly
codegen_flags: <defaults>
</compile_context>

<pallas_src>
import functools

import jax
import jax.numpy as jnp
from jax import lax
from jax.experimental import pallas as pl
from jax.experimental.pallas import tpu as pltpu
from jax.experimental.pallas import tpu_sc as plsc

N_BINS = 15
N_ROWS = 16384
N_COLS = 1000
NTILES = 32
N_SC = 8192
N_TC = N_ROWS - N_SC
ROWS_PER_TILE = N_SC // NTILES
CH = 32
NCHUNKS = ROWS_PER_TILE // CH
NVREG = N_COLS // 16
TAIL = N_COLS - NVREG * 16
NEG = -1e30
TC_BLOCK = 1024
TC_STEPS = N_TC // TC_BLOCK


def _row_body(buf, lab_ref, rb, lo16, hi16, lane):
    def allreduce(v, op):
        for k in (8, 4, 2, 1):
            rb[...] = v
            vs = plsc.load_gather(rb, [jnp.bitwise_xor(lane, k)])
            v = op(v, vs)
        return v

    def body(r, carry):
        cnt, csum, asum = carry
        accm = jnp.full((16,), NEG, jnp.float32)
        accs = jnp.zeros((16,), jnp.float32)
        for i in range(NVREG):
            v = buf[r, pl.ds(i * 16, 16)]
            accm = jnp.maximum(accm, v)
            accs = accs + jnp.exp(v)
        vt = buf[r, pl.ds(N_COLS - 16, 16)]
        sel = lane >= (16 - TAIL)
        accm = jnp.maximum(accm, jnp.where(sel, vt, NEG))
        accs = accs + jnp.where(sel, jnp.exp(vt), 0.0)

        m16 = allreduce(accm, jnp.maximum)
        s16 = allreduce(accs, jnp.add)
        conf16 = jnp.exp(m16) / s16

        r16 = jnp.full((16,), r, jnp.int32)
        lab16 = plsc.load_gather(lab_ref, [r16])
        labval16 = plsc.load_gather(buf, [r16, lab16])
        accf16 = jnp.where(labval16 == m16, 1.0, 0.0)

        inb = jnp.logical_and(conf16 > lo16, conf16 <= hi16)
        mask = jnp.where(inb, 1.0, 0.0)
        return (cnt + mask, csum + mask * conf16, asum + mask * accf16)

    return body


def _sc_body(logits_ref, labels_ref, bounds_ref, out_ref,
             buf0, buf1, lab0, lab1, cb, stage, rb,
             semA0, semA1, semB0, semB1):
    wid = lax.axis_index("s") * 2 + lax.axis_index("c")
    base_row = wid * ROWS_PER_TILE
    lane = lax.iota(jnp.int32, 16)

    pltpu.sync_copy(bounds_ref, cb)
    lo16 = cb[0]
    hi16 = cb[1]

    def data_cp(c, bf, sem):
        start = base_row + c * CH
        return pltpu.make_async_copy(
            logits_ref.at[pl.ds(start, CH)], bf, sem)

    def lab_cp(c, lb, sem):
        start = base_row + c * CH
        return pltpu.make_async_copy(
            labels_ref.at[pl.ds(start, CH)], lb, sem)

    data_cp(0, buf0, semA0).start()
    lab_cp(0, lab0, semB0).start()

    bufs = ((buf0, lab0, semA0, semB0), (buf1, lab1, semA1, semB1))

    def pair_body(cp, carry):
        for b in range(2):
            bf, lb, sA, sB = bufs[b]
            obf, olb, osA, osB = bufs[1 - b]
            c = 2 * cp + b
            data_cp(c, bf, sA).wait()
            lab_cp(c, lb, sB).wait()

            @pl.when(c + 1 < NCHUNKS)
            def _prefetch():
                data_cp(c + 1, obf, osA).start()
                lab_cp(c + 1, olb, osB).start()

            carry = lax.fori_loop(
                0, CH, _row_body(bf, lb, rb, lo16, hi16, lane), carry)
        return carry

    zeros = jnp.zeros((16,), jnp.float32)
    cnt, csum, asum = lax.fori_loop(
        0, NCHUNKS // 2, pair_body, (zeros, zeros, zeros))

    stage[0, :] = cnt
    stage[1, :] = csum
    stage[2, :] = asum
    pltpu.sync_copy(stage, out_ref.at[wid])


def _tc_main(logits_ref, labels_ref, lo_ref, hi_ref, part_ref,
             cnt_acc, conf_acc, acc_acc):
    j = pl.program_id(0)

    x = logits_ref[...]
    m = jnp.max(x, axis=1, keepdims=True)
    s = jnp.sum(jnp.exp(x - m), axis=1, keepdims=True)
    conf = 1.0 / s

    col = lax.broadcasted_iota(jnp.int32, x.shape, 1)
    idx = jnp.min(jnp.where(x == m, col, N_COLS), axis=1,
                  keepdims=True)
    acc = (idx == labels_ref[0]).astype(jnp.float32)

    mask = jnp.logical_and(conf > lo_ref[...], conf <= hi_ref[...])
    mask = mask.astype(jnp.float32)

    @pl.when(j == 0)
    def _init():
        cnt_acc[...] = jnp.zeros_like(cnt_acc)
        conf_acc[...] = jnp.zeros_like(conf_acc)
        acc_acc[...] = jnp.zeros_like(acc_acc)

    cnt_acc[...] += mask
    conf_acc[...] += mask * conf
    acc_acc[...] += mask * acc

    @pl.when(j == TC_STEPS - 1)
    def _finish():
        cnt = jnp.sum(cnt_acc[...], axis=0, keepdims=True)
        csum = jnp.sum(conf_acc[...], axis=0, keepdims=True)
        asum = jnp.sum(acc_acc[...], axis=0, keepdims=True)
        pad = jnp.zeros((8 - 3, 16), jnp.float32)
        part_ref[...] = jnp.concatenate([cnt, csum, asum, pad], axis=0)


def _ece_combine(sc_ref, tc_ref, out_ref, *, n_total):
    p = jnp.sum(sc_ref[...], axis=0)
    t = tc_ref[...]
    cnt = p[0] + t[0]
    csum = p[1] + t[1]
    asum = p[2] + t[2]
    prop = cnt / n_total
    denom = jnp.maximum(cnt, 1.0)
    contrib = jnp.abs(csum / denom - asum / denom) * prop
    out_ref[0, 0] = jnp.sum(jnp.where(cnt > 0.0, contrib, 0.0))


@jax.jit
def kernel(logits, labels):
    bounds = jnp.linspace(0.0, 1.0, N_BINS + 1).astype(jnp.float32)
    lo = jnp.concatenate([bounds[:N_BINS], jnp.ones((1,), jnp.float32)])
    hi = jnp.concatenate([bounds[1:], jnp.ones((1,), jnp.float32)])
    bounds2 = jnp.stack([lo, hi])

    sc = pl.kernel(
        _sc_body,
        out_type=jax.ShapeDtypeStruct((NTILES, 3, 16), jnp.float32),
        mesh=plsc.VectorSubcoreMesh(core_axis_name="c", subcore_axis_name="s"),
        compiler_params=pltpu.CompilerParams(needs_layout_passes=False),
        scratch_types=[
            pltpu.VMEM((CH, N_COLS), jnp.float32),
            pltpu.VMEM((CH, N_COLS), jnp.float32),
            pltpu.VMEM((CH,), jnp.int32),
            pltpu.VMEM((CH,), jnp.int32),
            pltpu.VMEM((2, 16), jnp.float32),
            pltpu.VMEM((3, 16), jnp.float32),
            pltpu.VMEM((16,), jnp.float32),
            pltpu.SemaphoreType.DMA,
            pltpu.SemaphoreType.DMA,
            pltpu.SemaphoreType.DMA,
            pltpu.SemaphoreType.DMA,
        ],
    )
    sc_parts = sc(logits, labels, bounds2)

    tc_off = N_SC // TC_BLOCK
    labels3d = labels.reshape(N_ROWS // TC_BLOCK, TC_BLOCK, 1)
    tc_parts = pl.pallas_call(
        _tc_main,
        grid=(TC_STEPS,),
        in_specs=[
            pl.BlockSpec((TC_BLOCK, N_COLS), lambda j: (j + tc_off, 0)),
            pl.BlockSpec((1, TC_BLOCK, 1), lambda j: (j + tc_off, 0, 0)),
            pl.BlockSpec((1, 16), lambda j: (0, 0)),
            pl.BlockSpec((1, 16), lambda j: (0, 0)),
        ],
        out_specs=pl.BlockSpec((8, 16), lambda j: (0, 0)),
        out_shape=jax.ShapeDtypeStruct((8, 16), jnp.float32),
        scratch_shapes=[
            pltpu.VMEM((TC_BLOCK, 16), jnp.float32),
            pltpu.VMEM((TC_BLOCK, 16), jnp.float32),
            pltpu.VMEM((TC_BLOCK, 16), jnp.float32),
        ],
        compiler_params=pltpu.CompilerParams(
            dimension_semantics=("arbitrary",)),
    )(logits, labels3d, lo.reshape(1, 16), hi.reshape(1, 16))

    out = pl.pallas_call(
        functools.partial(_ece_combine, n_total=float(N_ROWS)),
        out_specs=pl.BlockSpec(memory_space=pltpu.SMEM),
        out_shape=jax.ShapeDtypeStruct((1, 1), jnp.float32),
    )(sc_parts, tc_parts)
    return out[0, 0]

# --- scband reference (transcript-rebuilt; emitter-appended) ---
"""Pipeline reference for scband-eceloss-32195074850950 (READ-ONLY COPY).

The authoritative reference and input builder live on the scoring server;
editing this copy changes nothing except your own understanding.
"""

import jax, jax.numpy as jnp
import numpy as np

N_BINS = 15

def setup_inputs(seed: int = 0) -> dict:
    key = jax.random.key(seed)
    k1, k2 = jax.random.split(key)
    logits = jax.random.normal(k1, (16384, 1000), dtype=jnp.float32)
    labels = jax.random.randint(k2, (16384,), 0, 1000, dtype=jnp.int32)
    return {"logits": logits, "labels": labels}

def reference(logits, labels):
    softmaxes = jax.nn.softmax(logits, axis=1)
    confidences = jnp.max(softmaxes, axis=1)
    predictions = jnp.argmax(softmaxes, axis=1).astype(jnp.int32)
    accuracies = (predictions == labels).astype(jnp.float32)
    boundaries = jnp.linspace(0.0, 1.0, N_BINS + 1)
    n = jnp.asarray(confidences.shape[0], dtype=jnp.float32)
    ece = jnp.asarray(0.0, dtype=jnp.float32)
    for i in range(N_BINS):
        lo = boundaries[i]
        hi = boundaries[i + 1]
        in_bin = jnp.logical_and(confidences > lo, confidences <= hi)
        mask = in_bin.astype(jnp.float32)
        cnt = jnp.sum(mask)
        prop_in_bin = cnt / n
        denom = jnp.maximum(cnt, 1.0)
        accuracy_in_bin = jnp.sum(mask * accuracies) / denom
        avg_confidence_in_bin = jnp.sum(mask * confidences) / denom
        contrib = jnp.abs(avg_confidence_in_bin - accuracy_in_bin) * prop_in_bin
        ece = ece + jnp.where(cnt > 0.0, contrib, 0.0)
    return ece

if __name__ == "__main__":
    import jax
    _d = setup_inputs()
    print(jax.jit(kernel)(*tuple(_d.values())))

</pallas_src>

<mosaic_0001>
#map = affine_map<(d0, d1) -> (0, 0)>
#map1 = affine_map<(d0, d1) -> (0)>
#map2 = affine_map<(d0, d1) -> (0, 0, 0)>
module attributes {stable_mosaic.version = 14 : i64} {
  func.func @_sc_body(%arg0: i32, %arg1: i32, %arg2: memref<16384x1000xf32, #tpu.memory_space<hbm>>, %arg3: memref<16384xi32, #tpu.memory_space<hbm>>, %arg4: memref<2x16xf32, #tpu.memory_space<hbm>>, %arg5: memref<32x3x16xf32, #tpu.memory_space<hbm>>, %arg6: memref<32x1000xf32, #tpu.memory_space<vmem>>, %arg7: memref<32x1000xf32, #tpu.memory_space<vmem>>, %arg8: memref<32xi32, #tpu.memory_space<vmem>>, %arg9: memref<32xi32, #tpu.memory_space<vmem>>, %arg10: memref<2x16xf32, #tpu.memory_space<vmem>>, %arg11: memref<3x16xf32, #tpu.memory_space<vmem>>, %arg12: memref<16xf32, #tpu.memory_space<vmem>>, %arg13: memref<!tpu.dma_semaphore, #tpu.memory_space<semaphore_mem>>, %arg14: memref<!tpu.dma_semaphore, #tpu.memory_space<semaphore_mem>>, %arg15: memref<!tpu.dma_semaphore, #tpu.memory_space<semaphore_mem>>, %arg16: memref<!tpu.dma_semaphore, #tpu.memory_space<semaphore_mem>>) attributes {dimension_semantics = [#tpu.dimension_semantics<core_parallel>, #tpu.dimension_semantics<subcore_parallel>], iteration_bounds = array<i64: 2, 16>, scalar_prefetch = 0 : i64, scratch_operands = 11 : i64, tpu.core_type = #tpu.core_type<sc_vector_subcore>, window_params = [{transform_indices = #map}, {transform_indices = #map1}, {transform_indices = #map}, {transform_indices = #map2}]} {
    %mul3A = arith.constant 2 : i32
    %mul3A_0 = arith.muli %arg1, %mul3A : i32
    %add3A = arith.addi %mul3A_0, %arg0 : i32
    %mul3A_1 = arith.constant 256 : i32
    %mul3A_2 = arith.muli %add3A, %mul3A_1 : i32
    %iota3A = tpu.iota {dimensions = array<i32: 0>} : vector<16xi32>
    "tpu.region"() ({
      %run_scoped3A = tpu.sem_alloc : memref<!tpu.dma_semaphore, #tpu.memory_space<semaphore_mem>>
      tpu.enqueue_dma source(%arg4 : memref<2x16xf32, #tpu.memory_space<hbm>>) target(%arg10 : memref<2x16xf32, #tpu.memory_space<vmem>>) target_semaphore(%run_scoped3A : memref<!tpu.dma_semaphore, #tpu.memory_space<semaphore_mem>>)
      tpu.wait_dma2 semaphore(%run_scoped3A : memref<!tpu.dma_semaphore, #tpu.memory_space<semaphore_mem>>) src(%arg4 : memref<2x16xf32, #tpu.memory_space<hbm>>) dst(%arg10 : memref<2x16xf32, #tpu.memory_space<vmem>>)
      tpu.yield
    }) : () -> ()
    %get3A = arith.constant 0 : i32
    %get3A_3 = arith.index_cast %get3A : i32 to index
    %get3A_4 = arith.constant 0 : index
    %get3A_5 = tpu.vector_load %arg10[%get3A_3, %get3A_4] {strides = array<i32>} : memref<2x16xf32, #tpu.memory_space<vmem>>, vector<16xf32>,
    %get3A_6 = arith.constant 1 : i32
    %get3A_7 = arith.index_cast %get3A_6 : i32 to index
    %get3A_8 = arith.constant 0 : index
    %get3A_9 = tpu.vector_load %arg10[%get3A_7, %get3A_8] {strides = array<i32>} : memref<2x16xf32, #tpu.memory_space<vmem>>, vector<16xf32>,
    %add3A_10 = arith.constant 0 : i32
    %add3A_11 = arith.addi %mul3A_2, %add3A_10 : i32
    %dma_start3A = arith.constant 0 : i32
    %dma_start3A_12 = tpu.memref_slice %arg2[%add3A_11, %dma_start3A] : memref<16384x1000xf32, #tpu.memory_space<hbm>> -> memref<32x1000xf32, #tpu.memory_space<hbm>>
    %dma_start3A_13 = arith.constant 0 : i32
    %dma_start3A_14 = tpu.memref_slice %arg2[%add3A_11, %dma_start3A_13] : memref<16384x1000xf32, #tpu.memory_space<hbm>> -> memref<32x1000xf32, #tpu.memory_space<hbm>>
    tpu.enqueue_dma source(%dma_start3A_14 : memref<32x1000xf32, #tpu.memory_space<hbm>>) target(%arg6 : memref<32x1000xf32, #tpu.memory_space<vmem>>) target_semaphore(%arg13 : memref<!tpu.dma_semaphore, #tpu.memory_space<semaphore_mem>>)
    %add3A_15 = arith.constant 0 : i32
    %add3A_16 = arith.addi %mul3A_2, %add3A_15 : i32
    %dma_start3A_17 = tpu.memref_slice %arg3[%add3A_16] : memref<16384xi32, #tpu.memory_space<hbm>> -> memref<32xi32, #tpu.memory_space<hbm>>
    %dma_start3A_18 = tpu.memref_slice %arg3[%add3A_16] : memref<16384xi32, #tpu.memory_space<hbm>> -> memref<32xi32, #tpu.memory_space<hbm>>
    tpu.enqueue_dma source(%dma_start3A_18 : memref<32xi32, #tpu.memory_space<hbm>>) target(%arg8 : memref<32xi32, #tpu.memory_space<vmem>>) target_semaphore(%arg15 : memref<!tpu.dma_semaphore, #tpu.memory_space<semaphore_mem>>)
    %broadcast_in_dim3A = arith.constant 0.000000e+00 : f32
    %broadcast_in_dim3A_19 = vector.broadcast %broadcast_in_dim3A : f32 to vector<16xf32>
    %scan3A = arith.constant 0 : i32
    %scan3A_20 = arith.constant 4 : i32
    %scan3A_21 = arith.addi %scan3A, %scan3A_20 : i32
    %scan3A_22 = arith.constant 1 : i32
    %scan3A_23:3 = scf.for %scan3A_36 = %scan3A to %scan3A_21 step %scan3A_22 iter_args(%scan3A_37 = %broadcast_in_dim3A_19, %scan3A_38 = %broadcast_in_dim3A_19, %scan3A_39 = %broadcast_in_dim3A_19) -> (vector<16xf32>, vector<16xf32>, vector<16xf32>)  : i32 {
      %mul3A_40 = arith.constant 2 : i32
      %mul3A_41 = arith.muli %mul3A_40, %scan3A_36 : i32
      %add3A_42 = arith.constant 0 : i32
      %add3A_43 = arith.addi %mul3A_41, %add3A_42 : i32
      %mul3A_44 = arith.constant 32 : i32
      %mul3A_45 = arith.muli %add3A_43, %mul3A_44 : i32
      %add3A_46 = arith.addi %mul3A_2, %mul3A_45 : i32
      %dma_wait3A = arith.constant 0 : i32
      %dma_wait3A_47 = tpu.memref_slice %arg2[%add3A_46, %dma_wait3A] : memref<16384x1000xf32, #tpu.memory_space<hbm>> -> memref<32x1000xf32, #tpu.memory_space<hbm>>
      %dma_wait3A_48 = arith.constant 0 : i32
      %dma_wait3A_49 = tpu.memref_slice %arg2[%add3A_46, %dma_wait3A_48] : memref<16384x1000xf32, #tpu.memory_space<hbm>> -> memref<32x1000xf32, #tpu.memory_space<hbm>>
      tpu.wait_dma2 semaphore(%arg13 : memref<!tpu.dma_semaphore, #tpu.memory_space<semaphore_mem>>) src(%dma_wait3A_49 : memref<32x1000xf32, #tpu.memory_space<hbm>>) dst(%arg6 : memref<32x1000xf32, #tpu.memory_space<vmem>>)
      %mul3A_50 = arith.constant 32 : i32
      %mul3A_51 = arith.muli %add3A_43, %mul3A_50 : i32
      %add3A_52 = arith.addi %mul3A_2, %mul3A_51 : i32
      %dma_wait3A_53 = tpu.memref_slice %arg3[%add3A_52] : memref<16384xi32, #tpu.memory_space<hbm>> -> memref<32xi32, #tpu.memory_space<hbm>>
      %dma_wait3A_54 = tpu.memref_slice %arg3[%add3A_52] : memref<16384xi32, #tpu.memory_space<hbm>> -> memref<32xi32, #tpu.memory_space<hbm>>
      tpu.wait_dma2 semaphore(%arg15 : memref<!tpu.dma_semaphore, #tpu.memory_space<semaphore_mem>>) src(%dma_wait3A_54 : memref<32xi32, #tpu.memory_space<hbm>>) dst(%arg8 : memref<32xi32, #tpu.memory_space<vmem>>)
      %add3A_55 = arith.constant 1 : i32
      %add3A_56 = arith.addi %add3A_43, %add3A_55 : i32
      %lt3A = arith.constant 8 : i32
      %lt3A_57 = arith.cmpi slt, %add3A_56, %lt3A : i32
      %convert_element_type3A = arith.extui %lt3A_57 : i1 to i32
      %cond3A = arith.constant 0 : i32
      %cond3A_58 = arith.cmpi ne, %convert_element_type3A, %cond3A : i32
      scf.if %cond3A_58 {
        %add3A_94 = arith.constant 1 : i32
        %add3A_95 = arith.addi %add3A_43, %add3A_94 : i32
        %mul3A_96 = arith.constant 32 : i32
        %mul3A_97 = arith.muli %add3A_95, %mul3A_96 : i32
        %add3A_98 = arith.addi %mul3A_2, %mul3A_97 : i32
        %dma_start3A_99 = arith.constant 0 : i32
        %dma_start3A_100 = tpu.memref_slice %arg2[%add3A_98, %dma_start3A_99] : memref<16384x1000xf32, #tpu.memory_space<hbm>> -> memref<32x1000xf32, #tpu.memory_space<hbm>>
        %dma_start3A_101 = arith.constant 0 : i32
        %dma_start3A_102 = tpu.memref_slice %arg2[%add3A_98, %dma_start3A_101] : memref<16384x1000xf32, #tpu.memory_space<hbm>> -> memref<32x1000xf32, #tpu.memory_space<hbm>>
        tpu.enqueue_dma source(%dma_start3A_102 : memref<32x1000xf32, #tpu.memory_space<hbm>>) target(%arg7 : memref<32x1000xf32, #tpu.memory_space<vmem>>) target_semaphore(%arg14 : memref<!tpu.dma_semaphore, #tpu.memory_space<semaphore_mem>>)
        %add3A_103 = arith.constant 1 : i32
        %add3A_104 = arith.addi %add3A_43, %add3A_103 : i32
        %mul3A_105 = arith.constant 32 : i32
        %mul3A_106 = arith.muli %add3A_104, %mul3A_105 : i32
        %add3A_107 = arith.addi %mul3A_2, %mul3A_106 : i32
        %dma_start3A_108 = tpu.memref_slice %arg3[%add3A_107] : memref<16384xi32, #tpu.memory_space<hbm>> -> memref<32xi32, #tpu.memory_space<hbm>>
        %dma_start3A_109 = tpu.memref_slice %arg3[%add3A_107] : memref<16384xi32, #tpu.memory_space<hbm>> -> memref<32xi32, #tpu.memory_space<hbm>>
        tpu.enqueue_dma source(%dma_start3A_109 : memref<32xi32, #tpu.memory_space<hbm>>) target(%arg9 : memref<32xi32, #tpu.memory_space<vmem>>) target_semaphore(%arg16 : memref<!tpu.dma_semaphore, #tpu.memory_space<semaphore_mem>>)
      } else {
      }
      %scan3A_59 = arith.constant 0 : i32
      %scan3A_60 = arith.constant 32 : i32
      %scan3A_61 = arith.addi %scan3A_59, %scan3A_60 : i32
      %scan3A_62 = arith.constant 1 : i32
      %scan3A_63:3 = scf.for %scan3A_94 = %scan3A_59 to %scan3A_61 step %scan3A_62 iter_args(%scan3A_95 = %scan3A_37, %scan3A_96 = %scan3A_38, %scan3A_97 = %scan3A_39) -> (vector<16xf32>, vector<16xf32>, vector<16xf32>)  : i32 {
        %broadcast_in_dim3A_98 = arith.constant -1.000000e+30 : f32
        %broadcast_in_dim3A_99 = vector.broadcast %broadcast_in_dim3A_98 : f32 to vector<16xf32>
        %broadcast_in_dim3A_100 = arith.constant 0.000000e+00 : f32
        %broadcast_in_dim3A_101 = vector.broadcast %broadcast_in_dim3A_100 : f32 to vector<16xf32>
        %get3A_102 = arith.index_cast %scan3A_94 : i32 to index
        %get3A_103 = arith.constant 0 : index
        %get3A_104 = tpu.vector_load %arg6[%get3A_102, %get3A_103] {strides = array<i32>} : memref<32x1000xf32, #tpu.memory_space<vmem>>, vector<16xf32>,
        %max3A = arith.maximumf %broadcast_in_dim3A_99, %get3A_104 : vector<16xf32>
        %exp3A = math.exp %get3A_104 : vector<16xf32>
        %add3A_105 = arith.addf %broadcast_in_dim3A_101, %exp3A : vector<16xf32>
        %get3A_106 = arith.index_cast %scan3A_94 : i32 to index
        %get3A_107 = arith.constant 16 : index
        %get3A_108 = tpu.vector_load %arg6[%get3A_106, %get3A_107] {strides = array<i32>} : memref<32x1000xf32, #tpu.memory_space<vmem>>, vector<16xf32>,
        %max3A_109 = arith.maximumf %max3A, %get3A_108 : vector<16xf32>
        %exp3A_110 = math.exp %get3A_108 : vector<16xf32>
        %add3A_111 = arith.addf %add3A_105, %exp3A_110 : vector<16xf32>
        %get3A_112 = arith.index_cast %scan3A_94 : i32 to index
        %get3A_113 = arith.constant 32 : index
        %get3A_114 = tpu.vector_load %arg6[%get3A_112, %get3A_113] {strides = array<i32>} : memref<32x1000xf32, #tpu.memory_space<vmem>>, vector<16xf32>,
        %max3A_115 = arith.maximumf %max3A_109, %get3A_114 : vector<16xf32>
        %exp3A_116 = math.exp %get3A_114 : vector<16xf32>
        %add3A_117 = arith.addf %add3A_111, %exp3A_116 : vector<16xf32>
        %get3A_118 = arith.index_cast %scan3A_94 : i32 to index
        %get3A_119 = arith.constant 48 : index
        %get3A_120 = tpu.vector_load %arg6[%get3A_118, %get3A_119] {strides = array<i32>} : memref<32x1000xf32, #tpu.memory_space<vmem>>, vector<16xf32>,
        %max3A_121 = arith.maximumf %max3A_115, %get3A_120 : vector<16xf32>
        %exp3A_122 = math.exp %get3A_120 : vector<16xf32>
        %add3A_123 = arith.addf %add3A_117, %exp3A_122 : vector<16xf32>
        %get3A_124 = arith.index_cast %scan3A_94 : i32 to index
        %get3A_125 = arith.constant 64 : index
        %get3A_126 = tpu.vector_load %arg6[%get3A_124, %get3A_125] {strides = array<i32>} : memref<32x1000xf32, #tpu.memory_space<vmem>>, vector<16xf32>,
        %max3A_127 = arith.maximumf %max3A_121, %get3A_126 : vector<16xf32>
        %exp3A_128 = math.exp %get3A_126 : vector<16xf32>
        %add3A_129 = arith.addf %add3A_123, %exp3A_128 : vector<16xf32>
        %get3A_130 = arith.index_cast %scan3A_94 : i32 to index
        %get3A_131 = arith.constant 80 : index
        %get3A_132 = tpu.vector_load %arg6[%get3A_130, %get3A_131] {strides = array<i32>} : memref<32x1000xf32, #tpu.memory_space<vmem>>, vector<16xf32>,
        %max3A_133 = arith.maximumf %max3A_127, %get3A_132 : vector<16xf32>
        %exp3A_134 = math.exp %get3A_132 : vector<16xf32>
        %add3A_135 = arith.addf %add3A_129, %exp3A_134 : vector<16xf32>
        %get3A_136 = arith.index_cast %scan3A_94 : i32 to index
        %get3A_137 = arith.constant 96 : index
        %get3A_138 = tpu.vector_load %arg6[%get3A_136, %get3A_137] {strides = array<i32>} : memref<32x1000xf32, #tpu.memory_space<vmem>>, vector<16xf32>,
        %max3A_139 = arith.maximumf %max3A_133, %get3A_138 : vector<16xf32>
        %exp3A_140 = math.exp %get3A_138 : vector<16xf32>
        %add3A_141 = arith.addf %add3A_135, %exp3A_140 : vector<16xf32>
        %get3A_142 = arith.index_cast %scan3A_94 : i32 to index
        %get3A_143 = arith.constant 112 : index
        %get3A_144 = tpu.vector_load %arg6[%get3A_142, %get3A_143] {strides = array<i32>} : memref<32x1000xf32, #tpu.memory_space<vmem>>, vector<16xf32>,
        %max3A_145 = arith.maximumf %max3A_139, %get3A_144 : vector<16xf32>
        %exp3A_146 = math.exp %get3A_144 : vector<16xf32>
        %add3A_147 = arith.addf %add3A_141, %exp3A_146 : vector<16xf32>
        %get3A_148 = arith.index_cast %scan3A_94 : i32 to index
        %get3A_149 = arith.constant 128 : index
        %get3A_150 = tpu.vector_load %arg6[%get3A_148, %get3A_149] {strides = array<i32>} : memref<32x1000xf32, #tpu.memory_space<vmem>>, vector<16xf32>,
        %max3A_151 = arith.maximumf %max3A_145, %get3A_150 : vector<16xf32>
        %exp3A_152 = math.exp %get3A_150 : vector<16xf32>
        %add3A_153 = arith.addf %add3A_147, %exp3A_152 : vector<16xf32>
        %get3A_154 = arith.index_cast %scan3A_94 : i32 to index
        %get3A_155 = arith.constant 144 : index
        %get3A_156 = tpu.vector_load %arg6[%get3A_154, %get3A_155] {strides = array<i32>} : memref<32x1000xf32, #tpu.memory_space<vmem>>, vector<16xf32>,
        %max3A_157 = arith.maximumf %max3A_151, %get3A_156 : vector<16xf32>
        %exp3A_158 = math.exp %get3A_156 : vector<16xf32>
        %add3A_159 = arith.addf %add3A_153, %exp3A_158 : vector<16xf32>
        %get3A_160 = arith.index_cast %scan3A_94 : i32 to index
        %get3A_161 = arith.constant 160 : index
        %get3A_162 = tpu.vector_load %arg6[%get3A_160, %get3A_161] {strides = array<i32>} : memref<32x1000xf32, #tpu.memory_space<vmem>>, vector<16xf32>,
        %max3A_163 = arith.maximumf %max3A_157, %get3A_162 : vector<16xf32>
        %exp3A_164 = math.exp %get3A_162 : vector<16xf32>
        %add3A_165 = arith.addf %add3A_159, %exp3A_164 : vector<16xf32>
        %get3A_166 = arith.index_cast %scan3A_94 : i32 to index
        %get3A_167 = arith.constant 176 : index
        %get3A_168 = tpu.vector_load %arg6[%get3A_166, %get3A_167] {strides = array<i32>} : memref<32x1000xf32, #tpu.memory_space<vmem>>, vector<16xf32>,
        %max3A_169 = arith.maximumf %max3A_163, %get3A_168 : vector<16xf32>
        %exp3A_170 = math.exp %get3A_168 : vector<16xf32>
        %add3A_171 = arith.addf %add3A_165, %exp3A_170 : vector<16xf32>
        %get3A_172 = arith.index_cast %scan3A_94 : i32 to index
        %get3A_173 = arith.constant 192 : index
        %get3A_174 = tpu.vector_load %arg6[%get3A_172, %get3A_173] {strides = array<i32>} : memref<32x1000xf32, #tpu.memory_space<vmem>>, vector<16xf32>,
        %max3A_175 = arith.maximumf %max3A_169, %get3A_174 : vector<16xf32>
        %exp3A_176 = math.exp %get3A_174 : vector<16xf32>
        %add3A_177 = arith.addf %add3A_171, %exp3A_176 : vector<16xf32>
        %get3A_178 = arith.index_cast %scan3A_94 : i32 to index
        %get3A_179 = arith.constant 208 : index
        %get3A_180 = tpu.vector_load %arg6[%get3A_178, %get3A_179] {strides = array<i32>} : memref<32x1000xf32, #tpu.memory_space<vmem>>, vector<16xf32>,
        %max3A_181 = arith.maximumf %max3A_175, %get3A_180 : vector<16xf32>
        %exp3A_182 = math.exp %get3A_180 : vector<16xf32>
        %add3A_183 = arith.addf %add3A_177, %exp3A_182 : vector<16xf32>
        %get3A_184 = arith.index_cast %scan3A_94 : i32 to index
        %get3A_185 = arith.constant 224 : index
        %get3A_186 = tpu.vector_load %arg6[%get3A_184, %get3A_185] {strides = array<i32>} : memref<32x1000xf32, #tpu.memory_space<vmem>>, vector<16xf32>,
        %max3A_187 = arith.maximumf %max3A_181, %get3A_186 : vector<16xf32>
        %exp3A_188 = math.exp %get3A_186 : vector<16xf32>
        %add3A_189 = arith.addf %add3A_183, %exp3A_188 : vector<16xf32>
        %get3A_190 = arith.index_cast %scan3A_94 : i32 to index
        %get3A_191 = arith.constant 240 : index
        %get3A_192 = tpu.vector_load %arg6[%get3A_190, %get3A_191] {strides = array<i32>} : memref<32x1000xf32, #tpu.memory_space<vmem>>, vector<16xf32>,
        %max3A_193 = arith.maximumf %max3A_187, %get3A_192 : vector<16xf32>
        %exp3A_194 = math.exp %get3A_192 : vector<16xf32>
        %add3A_195 = arith.addf %add3A_189, %exp3A_194 : vector<16xf32>
        %get3A_196 = arith.index_cast %scan3A_94 : i32 to index
        %get3A_197 = arith.constant 256 : index
        %get3A_198 = tpu.vector_load %arg6[%get3A_196, %get3A_197] {strides = array<i32>} : memref<32x1000xf32, #tpu.memory_space<vmem>>, vector<16xf32>,
        %max3A_199 = arith.maximumf %max3A_193, %get3A_198 : vector<16xf32>
        %exp3A_200 = math.exp %get3A_198 : vector<16xf32>
        %add3A_201 = arith.addf %add3A_195, %exp3A_200 : vector<16xf32>
        %get3A_202 = arith.index_cast %scan3A_94 : i32 to index
        %get3A_203 = arith.constant 272 : index
        %get3A_204 = tpu.vector_load %arg6[%get3A_202, %get3A_203] {strides = array<i32>} : memref<32x1000xf32, #tpu.memory_space<vmem>>, vector<16xf32>,
        %max3A_205 = arith.maximumf %max3A_199, %get3A_204 : vector<16xf32>
        %exp3A_206 = math.exp %get3A_204 : vector<16xf32>
        %add3A_207 = arith.addf %add3A_201, %exp3A_206 : vector<16xf32>
        %get3A_208 = arith.index_cast %scan3A_94 : i32 to index
        %get3A_209 = arith.constant 288 : index
        %get3A_210 = tpu.vector_load %arg6[%get3A_208, %get3A_209] {strides = array<i32>} : memref<32x1000xf32, #tpu.memory_space<vmem>>, vector<16xf32>,
        %max3A_211 = arith.maximumf %max3A_205, %get3A_210 : vector<16xf32>
        %exp3A_212 = math.exp %get3A_210 : vector<16xf32>
        %add3A_213 = arith.addf %add3A_207, %exp3A_212 : vector<16xf32>
        %get3A_214 = arith.index_cast %scan3A_94 : i32 to index
        %get3A_215 = arith.constant 304 : index
        %get3A_216 = tpu.vector_load %arg6[%get3A_214, %get3A_215] {strides = array<i32>} : memref<32x1000xf32, #tpu.memory_space<vmem>>, vector<16xf32>,
        %max3A_217 = arith.maximumf %max3A_211, %get3A_216 : vector<16xf32>
        %exp3A_218 = math.exp %get3A_216 : vector<16xf32>
        %add3A_219 = arith.addf %add3A_213, %exp3A_218 : vector<16xf32>
        %get3A_220 = arith.index_cast %scan3A_94 : i32 to index
        %get3A_221 = arith.constant 320 : index
        %get3A_222 = tpu.vector_load %arg6[%get3A_220, %get3A_221] {strides = array<i32>} : memref<32x1000xf32, #tpu.memory_space<vmem>>, vector<16xf32>,
        %max3A_223 = arith.maximumf %max3A_217, %get3A_222 : vector<16xf32>
        %exp3A_224 = math.exp %get3A_222 : vector<16xf32>
        %add3A_225 = arith.addf %add3A_219, %exp3A_224 : vector<16xf32>
        %get3A_226 = arith.index_cast %scan3A_94 : i32 to index
        %get3A_227 = arith.constant 336 : index
        %get3A_228 = tpu.vector_load %arg6[%get3A_226, %get3A_227] {strides = array<i32>} : memref<32x1000xf32, #tpu.memory_space<vmem>>, vector<16xf32>,
        %max3A_229 = arith.maximumf %max3A_223, %get3A_228 : vector<16xf32>
        %exp3A_230 = math.exp %get3A_228 : vector<16xf32>
        %add3A_231 = arith.addf %add3A_225, %exp3A_230 : vector<16xf32>
        %get3A_232 = arith.index_cast %scan3A_94 : i32 to index
        %get3A_233 = arith.constant 352 : index
        %get3A_234 = tpu.vector_load %arg6[%get3A_232, %get3A_233] {strides = array<i32>} : memref<32x1000xf32, #tpu.memory_space<vmem>>, vector<16xf32>,
        %max3A_235 = arith.maximumf %max3A_229, %get3A_234 : vector<16xf32>
        %exp3A_236 = math.exp %get3A_234 : vector<16xf32>
        %add3A_237 = arith.addf %add3A_231, %exp3A_236 : vector<16xf32>
        %get3A_238 = arith.index_cast %scan3A_94 : i32 to index
        %get3A_239 = arith.constant 368 : index
        %get3A_240 = tpu.vector_load %arg6[%get3A_238, %get3A_239] {strides = array<i32>} : memref<32x1000xf32, #tpu.memory_space<vmem>>, vector<16xf32>,
        %max3A_241 = arith.maximumf %max3A_235, %get3A_240 : vector<16xf32>
        %exp3A_242 = math.exp %get3A_240 : vector<16xf32>
        %add3A_243 = arith.addf %add3A_237, %exp3A_242 : vector<16xf32>
        %get3A_244 = arith.index_cast %scan3A_94 : i32 to index
        %get3A_245 = arith.constant 384 : index
        %get3A_246 = tpu.vector_load %arg6[%get3A_244, %get3A_245] {strides = array<i32>} : memref<32x1000xf32, #tpu.memory_space<vmem>>, vector<16xf32>,
        %max3A_247 = arith.maximumf %max3A_241, %get3A_246 : vector<16xf32>
        %exp3A_248 = math.exp %get3A_246 : vector<16xf32>
        %add3A_249 = arith.addf %add3A_243, %exp3A_248 : vector<16xf32>
        %get3A_250 = arith.index_cast %scan3A_94 : i32 to index
        %get3A_251 = arith.constant 400 : index
        %get3A_252 = tpu.vector_load %arg6[%get3A_250, %get3A_251] {strides = array<i32>} : memref<32x1000xf32, #tpu.memory_space<vmem>>, vector<16xf32>,
        %max3A_253 = arith.maximumf %max3A_247, %get3A_252 : vector<16xf32>
        %exp3A_254 = math.exp %get3A_252 : vector<16xf32>
        %add3A_255 = arith.addf %add3A_249, %exp3A_254 : vector<16xf32>
        %get3A_256 = arith.index_cast %scan3A_94 : i32 to index
        %get3A_257 = arith.constant 416 : index
        %get3A_258 = tpu.vector_load %arg6[%get3A_256, %get3A_257] {strides = array<i32>} : memref<32x1000xf32, #tpu.memory_space<vmem>>, vector<16xf32>,
        %max3A_259 = arith.maximumf %max3A_253, %get3A_258 : vector<16xf32>
        %exp3A_260 = math.exp %get3A_258 : vector<16xf32>
        %add3A_261 = arith.addf %add3A_255, %exp3A_260 : vector<16xf32>
        %get3A_262 = arith.index_cast %scan3A_94 : i32 to index
        %get3A_263 = arith.constant 432 : index
        %get3A_264 = tpu.vector_load %arg6[%get3A_262, %get3A_263] {strides = array<i32>} : memref<32x1000xf32, #tpu.memory_space<vmem>>, vector<16xf32>,
        %max3A_265 = arith.maximumf %max3A_259, %get3A_264 : vector<16xf32>
        %exp3A_266 = math.exp %get3A_264 : vector<16xf32>
        %add3A_267 = arith.addf %add3A_261, %exp3A_266 : vector<16xf32>
        %get3A_268 = arith.index_cast %scan3A_94 : i32 to index
        %get3A_269 = arith.constant 448 : index
        %get3A_270 = tpu.vector_load %arg6[%get3A_268, %get3A_269] {strides = array<i32>} : memref<32x1000xf32, #tpu.memory_space<vmem>>, vector<16xf32>,
        %max3A_271 = arith.maximumf %max3A_265, %get3A_270 : vector<16xf32>
        %exp3A_272 = math.exp %get3A_270 : vector<16xf32>
        %add3A_273 = arith.addf %add3A_267, %exp3A_272 : vector<16xf32>
        %get3A_274 = arith.index_cast %scan3A_94 : i32 to index
        %get3A_275 = arith.constant 464 : index
        %get3A_276 = tpu.vector_load %arg6[%get3A_274, %get3A_275] {strides = array<i32>} : memref<32x1000xf32, #tpu.memory_space<vmem>>, vector<16xf32>,
        %max3A_277 = arith.maximumf %max3A_271, %get3A_276 : vector<16xf32>
        %exp3A_278 = math.exp %get3A_276 : vector<16xf32>
        %add3A_279 = arith.addf %add3A_273, %exp3A_278 : vector<16xf32>
        %get3A_280 = arith.index_cast %scan3A_94 : i32 to index
        %get3A_281 = arith.constant 480 : index
        %get3A_282 = tpu.vector_load %arg6[%get3A_280, %get3A_281] {strides = array<i32>} : memref<32x1000xf32, #tpu.memory_space<vmem>>, vector<16xf32>,
        %max3A_283 = arith.maximumf %max3A_277, %get3A_282 : vector<16xf32>
        %exp3A_284 = math.exp %get3A_282 : vector<16xf32>
        %add3A_285 = arith.addf %add3A_279, %exp3A_284 : vector<16xf32>
        %get3A_286 = arith.index_cast %scan3A_94 : i32 to index
        %get3A_287 = arith.constant 496 : index
        %get3A_288 = tpu.vector_load %arg6[%get3A_286, %get3A_287] {strides = array<i32>} : memref<32x1000xf32, #tpu.memory_space<vmem>>, vector<16xf32>,
        %max3A_289 = arith.maximumf %max3A_283, %get3A_288 : vector<16xf32>
        %exp3A_290 = math.exp %get3A_288 : vector<16xf32>
        %add3A_291 = arith.addf %add3A_285, %exp3A_290 : vector<16xf32>
        %get3A_292 = arith.index_cast %scan3A_94 : i32 to index
        %get3A_293 = arith.constant 512 : index
        %get3A_294 = tpu.vector_load %arg6[%get3A_292, %get3A_293] {strides = array<i32>} : memref<32x1000xf32, #tpu.memory_space<vmem>>, vector<16xf32>,
        %max3A_295 = arith.maximumf %max3A_289, %get3A_294 : vector<16xf32>
        %exp3A_296 = math.exp %get3A_294 : vector<16xf32>
        %add3A_297 = arith.addf %add3A_291, %exp3A_296 : vector<16xf32>
        %get3A_298 = arith.index_cast %scan3A_94 : i32 to index
        %get3A_299 = arith.constant 528 : index
        %get3A_300 = tpu.vector_load %arg6[%get3A_298, %get3A_299] {strides = array<i32>} : memref<32x1000xf32, #tpu.memory_space<vmem>>, vector<16xf32>,
        %max3A_301 = arith.maximumf %max3A_295, %get3A_300 : vector<16xf32>
        %exp3A_302 = math.exp %get3A_300 : vector<16xf32>
        %add3A_303 = arith.addf %add3A_297, %exp3A_302 : vector<16xf32>
        %get3A_304 = arith.index_cast %scan3A_94 : i32 to index
        %get3A_305 = arith.constant 544 : index
        %get3A_306 = tpu.vector_load %arg6[%get3A_304, %get3A_305] {strides = array<i32>} : memref<32x1000xf32, #tpu.memory_space<vmem>>, vector<16xf32>,
        %max3A_307 = arith.maximumf %max3A_301, %get3A_306 : vector<16xf32>
        %exp3A_308 = math.exp %get3A_306 : vector<16xf32>
        %add3A_309 = arith.addf %add3A_303, %exp3A_308 : vector<16xf32>
        %get3A_310 = arith.index_cast %scan3A_94 : i32 to index
        %get3A_311 = arith.constant 560 : index
        %get3A_312 = tpu.vector_load %arg6[%get3A_310, %get3A_311] {strides = array<i32>} : memref<32x1000xf32, #tpu.memory_space<vmem>>, vector<16xf32>,
        %max3A_313 = arith.maximumf %max3A_307, %get3A_312 : vector<16xf32>
        %exp3A_314 = math.exp %get3A_312 : vector<16xf32>
        %add3A_315 = arith.addf %add3A_309, %exp3A_314 : vector<16xf32>
        %get3A_316 = arith.index_cast %scan3A_94 : i32 to index
        %get3A_317 = arith.constant 576 : index
        %get3A_318 = tpu.vector_load %arg6[%get3A_316, %get3A_317] {strides = array<i32>} : memref<32x1000xf32, #tpu.memory_space<vmem>>, vector<16xf32>,
        %max3A_319 = arith.maximumf %max3A_313, %get3A_318 : vector<16xf32>
        %exp3A_320 = math.exp %get3A_318 : vector<16xf32>
        %add3A_321 = arith.addf %add3A_315, %exp3A_320 : vector<16xf32>
        %get3A_322 = arith.index_cast %scan3A_94 : i32 to index
        %get3A_323 = arith.constant 592 : index
        %get3A_324 = tpu.vector_load %arg6[%get3A_322, %get3A_323] {strides = array<i32>} : memref<32x1000xf32, #tpu.memory_space<vmem>>, vector<16xf32>,
        %max3A_325 = arith.maximumf %max3A_319, %get3A_324 : vector<16xf32>
        %exp3A_326 = math.exp %get3A_324 : vector<16xf32>
        %add3A_327 = arith.addf %add3A_321, %exp3A_326 : vector<16xf32>
        %get3A_328 = arith.index_cast %scan3A_94 : i32 to index
        %get3A_329 = arith.constant 608 : index
        %get3A_330 = tpu.vector_load %arg6[%get3A_328, %get3A_329] {strides = array<i32>} : memref<32x1000xf32, #tpu.memory_space<vmem>>, vector<16xf32>,
        %max3A_331 = arith.maximumf %max3A_325, %get3A_330 : vector<16xf32>
        %exp3A_332 = math.exp %get3A_330 : vector<16xf32>
        %add3A_333 = arith.addf %add3A_327, %exp3A_332 : vector<16xf32>
        %get3A_334 = arith.index_cast %scan3A_94 : i32 to index
        %get3A_335 = arith.constant 624 : index
        %get3A_336 = tpu.vector_load %arg6[%get3A_334, %get3A_335] {strides = array<i32>} : memref<32x1000xf32, #tpu.memory_space<vmem>>, vector<16xf32>,
        %max3A_337 = arith.maximumf %max3A_331, %get3A_336 : vector<16xf32>
        %exp3A_338 = math.exp %get3A_336 : vector<16xf32>
        %add3A_339 = arith.addf %add3A_333, %exp3A_338 : vector<16xf32>
        %get3A_340 = arith.index_cast %scan3A_94 : i32 to index
        %get3A_341 = arith.constant 640 : index
        %get3A_342 = tpu.vector_load %arg6[%get3A_340, %get3A_341] {strides = array<i32>} : memref<32x1000xf32, #tpu.memory_space<vmem>>, vector<16xf32>,
        %max3A_343 = arith.maximumf %max3A_337, %get3A_342 : vector<16xf32>
        %exp3A_344 = math.exp %get3A_342 : vector<16xf32>
        %add3A_345 = arith.addf %add3A_339, %exp3A_344 : vector<16xf32>
        %get3A_346 = arith.index_cast %scan3A_94 : i32 to index
        %get3A_347 = arith.constant 656 : index
        %get3A_348 = tpu.vector_load %arg6[%get3A_346, %get3A_347] {strides = array<i32>} : memref<32x1000xf32, #tpu.memory_space<vmem>>, vector<16xf32>,
        %max3A_349 = arith.maximumf %max3A_343, %get3A_348 : vector<16xf32>
        %exp3A_350 = math.exp %get3A_348 : vector<16xf32>
        %add3A_351 = arith.addf %add3A_345, %exp3A_350 : vector<16xf32>
        %get3A_352 = arith.index_cast %scan3A_94 : i32 to index
        %get3A_353 = arith.constant 672 : index
        %get3A_354 = tpu.vector_load %arg6[%get3A_352, %get3A_353] {strides = array<i32>} : memref<32x1000xf32, #tpu.memory_space<vmem>>, vector<16xf32>,
        %max3A_355 = arith.maximumf %max3A_349, %get3A_354 : vector<16xf32>
        %exp3A_356 = math.exp %get3A_354 : vector<16xf32>
        %add3A_357 = arith.addf %add3A_351, %exp3A_356 : vector<16xf32>
        %get3A_358 = arith.index_cast %scan3A_94 : i32 to index
        %get3A_359 = arith.constant 688 : index
        %get3A_360 = tpu.vector_load %arg6[%get3A_358, %get3A_359] {strides = array<i32>} : memref<32x1000xf32, #tpu.memory_space<vmem>>, vector<16xf32>,
        %max3A_361 = arith.maximumf %max3A_355, %get3A_360 : vector<16xf32>
        %exp3A_362 = math.exp %get3A_360 : vector<16xf32>
        %add3A_363 = arith.addf %add3A_357, %exp3A_362 : vector<16xf32>
        %get3A_364 = arith.index_cast %scan3A_94 : i32 to index
        %get3A_365 = arith.constant 704 : index
        %get3A_366 = tpu.vector_load %arg6[%get3A_364, %get3A_365] {strides = array<i32>} : memref<32x1000xf32, #tpu.memory_space<vmem>>, vector<16xf32>,
        %max3A_367 = arith.maximumf %max3A_361, %get3A_366 : vector<16xf32>
        %exp3A_368 = math.exp %get3A_366 : vector<16xf32>
        %add3A_369 = arith.addf %add3A_363, %exp3A_368 : vector<16xf32>
        %get3A_370 = arith.index_cast %scan3A_94 : i32 to index
        %get3A_371 = arith.constant 720 : index
        %get3A_372 = tpu.vector_load %arg6[%get3A_370, %get3A_371] {strides = array<i32>} : memref<32x1000xf32, #tpu.memory_space<vmem>>, vector<16xf32>,
        %max3A_373 = arith.maximumf %max3A_367, %get3A_372 : vector<16xf32>
        %exp3A_374 = math.exp %get3A_372 : vector<16xf32>
        %add3A_375 = arith.addf %add3A_369, %exp3A_374 : vector<16xf32>
        %get3A_376 = arith.index_cast %scan3A_94 : i32 to index
        %get3A_377 = arith.constant 736 : index
        %get3A_378 = tpu.vector_load %arg6[%get3A_376, %get3A_377] {strides = array<i32>} : memref<32x1000xf32, #tpu.memory_space<vmem>>, vector<16xf32>,
        %max3A_379 = arith.maximumf %max3A_373, %get3A_378 : vector<16xf32>
        %exp3A_380 = math.exp %get3A_378 : vector<16xf32>
        %add3A_381 = arith.addf %add3A_375, %exp3A_380 : vector<16xf32>
        %get3A_382 = arith.index_cast %scan3A_94 : i32 to index
        %get3A_383 = arith.constant 752 : index
        %get3A_384 = tpu.vector_load %arg6[%get3A_382, %get3A_383] {strides = array<i32>} : memref<32x1000xf32, #tpu.memory_space<vmem>>, vector<16xf32>,
        %max3A_385 = arith.maximumf %max3A_379, %get3A_384 : vector<16xf32>
        %exp3A_386 = math.exp %get3A_384 : vector<16xf32>
        %add3A_387 = arith.addf %add3A_381, %exp3A_386 : vector<16xf32>
        %get3A_388 = arith.index_cast %scan3A_94 : i32 to index
        %get3A_389 = arith.constant 768 : index
        %get3A_390 = tpu.vector_load %arg6[%get3A_388, %get3A_389] {strides = array<i32>} : memref<32x1000xf32, #tpu.memory_space<vmem>>, vector<16xf32>,
        %max3A_391 = arith.maximumf %max3A_385, %get3A_390 : vector<16xf32>
        %exp3A_392 = math.exp %get3A_390 : vector<16xf32>
        %add3A_393 = arith.addf %add3A_387, %exp3A_392 : vector<16xf32>
        %get3A_394 = arith.index_cast %scan3A_94 : i32 to index
        %get3A_395 = arith.constant 784 : index
        %get3A_396 = tpu.vector_load %arg6[%get3A_394, %get3A_395] {strides = array<i32>} : memref<32x1000xf32, #tpu.memory_space<vmem>>, vector<16xf32>,
        %max3A_397 = arith.maximumf %max3A_391, %get3A_396 : vector<16xf32>
        %exp3A_398 = math.exp %get3A_396 : vector<16xf32>
        %add3A_399 = arith.addf %add3A_393, %exp3A_398 : vector<16xf32>
        %get3A_400 = arith.index_cast %scan3A_94 : i32 to index
        %get3A_401 = arith.constant 800 : index
        %get3A_402 = tpu.vector_load %arg6[%get3A_400, %get3A_401] {strides = array<i32>} : memref<32x1000xf32, #tpu.memory_space<vmem>>, vector<16xf32>,
        %max3A_403 = arith.maximumf %max3A_397, %get3A_402 : vector<16xf32>
        %exp3A_404 = math.exp %get3A_402 : vector<16xf32>
        %add3A_405 = arith.addf %add3A_399, %exp3A_404 : vector<16xf32>
        %get3A_406 = arith.index_cast %scan3A_94 : i32 to index
        %get3A_407 = arith.constant 816 : index
        %get3A_408 = tpu.vector_load %arg6[%get3A_406, %get3A_407] {strides = array<i32>} : memref<32x1000xf32, #tpu.memory_space<vmem>>, vector<16xf32>,
        %max3A_409 = arith.maximumf %max3A_403, %get3A_408 : vector<16xf32>
        %exp3A_410 = math.exp %get3A_408 : vector<16xf32>
        %add3A_411 = arith.addf %add3A_405, %exp3A_410 : vector<16xf32>
        %get3A_412 = arith.index_cast %scan3A_94 : i32 to index
        %get3A_413 = arith.constant 832 : index
        %get3A_414 = tpu.vector_load %arg6[%get3A_412, %get3A_413] {strides = array<i32>} : memref<32x1000xf32, #tpu.memory_space<vmem>>, vector<16xf32>,
        %max3A_415 = arith.maximumf %max3A_409, %get3A_414 : vector<16xf32>
        %exp3A_416 = math.exp %get3A_414 : vector<16xf32>
        %add3A_417 = arith.addf %add3A_411, %exp3A_416 : vector<16xf32>
        %get3A_418 = arith.index_cast %scan3A_94 : i32 to index
        %get3A_419 = arith.constant 848 : index
        %get3A_420 = tpu.vector_load %arg6[%get3A_418, %get3A_419] {strides = array<i32>} : memref<32x1000xf32, #tpu.memory_space<vmem>>, vector<16xf32>,
        %max3A_421 = arith.maximumf %max3A_415, %get3A_420 : vector<16xf32>
        %exp3A_422 = math.exp %get3A_420 : vector<16xf32>
        %add3A_423 = arith.addf %add3A_417, %exp3A_422 : vector<16xf32>
        %get3A_424 = arith.index_cast %scan3A_94 : i32 to index
        %get3A_425 = arith.constant 864 : index
        %get3A_426 = tpu.vector_load %arg6[%get3A_424, %get3A_425] {strides = array<i32>} : memref<32x1000xf32, #tpu.memory_space<vmem>>, vector<16xf32>,
        %max3A_427 = arith.maximumf %max3A_421, %get3A_426 : vector<16xf32>
        %exp3A_428 = math.exp %get3A_426 : vector<16xf32>
        %add3A_429 = arith.addf %add3A_423, %exp3A_428 : vector<16xf32>
        %get3A_430 = arith.index_cast %scan3A_94 : i32 to index
        %get3A_431 = arith.constant 880 : index
        %get3A_432 = tpu.vector_load %arg6[%get3A_430, %get3A_431] {strides = array<i32>} : memref<32x1000xf32, #tpu.memory_space<vmem>>, vector<16xf32>,
        %max3A_433 = arith.maximumf %max3A_427, %get3A_432 : vector<16xf32>
        %exp3A_434 = math.exp %get3A_432 : vector<16xf32>
        %add3A_435 = arith.addf %add3A_429, %exp3A_434 : vector<16xf32>
        %get3A_436 = arith.index_cast %scan3A_94 : i32 to index
        %get3A_437 = arith.constant 896 : index
        %get3A_438 = tpu.vector_load %arg6[%get3A_436, %get3A_437] {strides = array<i32>} : memref<32x1000xf32, #tpu.memory_space<vmem>>, vector<16xf32>,
        %max3A_439 = arith.maximumf %max3A_433, %get3A_438 : vector<16xf32>
        %exp3A_440 = math.exp %get3A_438 : vector<16xf32>
        %add3A_441 = arith.addf %add3A_435, %exp3A_440 : vector<16xf32>
        %get3A_442 = arith.index_cast %scan3A_94 : i32 to index
        %get3A_443 = arith.constant 912 : index
        %get3A_444 = tpu.vector_load %arg6[%get3A_442, %get3A_443] {strides = array<i32>} : memref<32x1000xf32, #tpu.memory_space<vmem>>, vector<16xf32>,
        %max3A_445 = arith.maximumf %max3A_439, %get3A_444 : vector<16xf32>
        %exp3A_446 = math.exp %get3A_444 : vector<16xf32>
        %add3A_447 = arith.addf %add3A_441, %exp3A_446 : vector<16xf32>
        %get3A_448 = arith.index_cast %scan3A_94 : i32 to index
        %get3A_449 = arith.constant 928 : index
        %get3A_450 = tpu.vector_load %arg6[%get3A_448, %get3A_449] {strides = array<i32>} : memref<32x1000xf32, #tpu.memory_space<vmem>>, vector<16xf32>,
        %max3A_451 = arith.maximumf %max3A_445, %get3A_450 : vector<16xf32>
        %exp3A_452 = math.exp %get3A_450 : vector<16xf32>
        %add3A_453 = arith.addf %add3A_447, %exp3A_452 : vector<16xf32>
        %get3A_454 = arith.index_cast %scan3A_94 : i32 to index
        %get3A_455 = arith.constant 944 : index
        %get3A_456 = tpu.vector_load %arg6[%get3A_454, %get3A_455] {strides = array<i32>} : memref<32x1000xf32, #tpu.memory_space<vmem>>, vector<16xf32>,
        %max3A_457 = arith.maximumf %max3A_451, %get3A_456 : vector<16xf32>
        %exp3A_458 = math.exp %get3A_456 : vector<16xf32>
        %add3A_459 = arith.addf %add3A_453, %exp3A_458 : vector<16xf32>
        %get3A_460 = arith.index_cast %scan3A_94 : i32 to index
        %get3A_461 = arith.constant 960 : index
        %get3A_462 = tpu.vector_load %arg6[%get3A_460, %get3A_461] {strides = array<i32>} : memref<32x1000xf32, #tpu.memory_space<vmem>>, vector<16xf32>,
        %max3A_463 = arith.maximumf %max3A_457, %get3A_462 : vector<16xf32>
        %exp3A_464 = math.exp %get3A_462 : vector<16xf32>
        %add3A_465 = arith.addf %add3A_459, %exp3A_464 : vector<16xf32>
        %get3A_466 = arith.index_cast %scan3A_94 : i32 to index
        %get3A_467 = arith.constant 976 : index
        %get3A_468 = tpu.vector_load %arg6[%get3A_466, %get3A_467] {strides = array<i32>} : memref<32x1000xf32, #tpu.memory_space<vmem>>, vector<16xf32>,
        %max3A_469 = arith.maximumf %max3A_463, %get3A_468 : vector<16xf32>
        %exp3A_470 = math.exp %get3A_468 : vector<16xf32>
        %add3A_471 = arith.addf %add3A_465, %exp3A_470 : vector<16xf32>
        %get3A_472 = arith.index_cast %scan3A_94 : i32 to index
        %get3A_473 = arith.constant 984 : index
        %get3A_474 = tpu.vector_load %arg6[%get3A_472, %get3A_473] {strides = array<i32>} : memref<32x1000xf32, #tpu.memory_space<vmem>>, vector<16xf32>,
        %ge3A = arith.constant 8 : i32
        %ge3A_475 = vector.broadcast %ge3A : i32 to vector<16xi32>
        %ge3A_476 = arith.cmpi sge, %iota3A, %ge3A_475 : vector<16xi32>
        %jit3A = arith.constant -1.000000e+30 : f32
        %broadcast_in_dim3A_477 = vector.broadcast %jit3A : f32 to vector<16xf32>
        %select_n3A = arith.select %ge3A_476, %get3A_474, %broadcast_in_dim3A_477 : vector<16xi1>, vector<16xf32>
        %max3A_478 = arith.maximumf %max3A_469, %select_n3A : vector<16xf32>
        %exp3A_479 = math.exp %get3A_474 : vector<16xf32>
        %jit3A_480 = arith.constant 0.000000e+00 : f32
        %broadcast_in_dim3A_481 = vector.broadcast %jit3A_480 : f32 to vector<16xf32>
        %select_n3A_482 = arith.select %ge3A_476, %exp3A_479, %broadcast_in_dim3A_481 : vector<16xi1>, vector<16xf32>
        %add3A_483 = arith.addf %add3A_471, %select_n3A_482 : vector<16xf32>
        %swap3A_484 = arith.constant 0 : index
        %swap3A_485 = tpu.vector_load %arg12[%swap3A_484] {strides = array<i32>} : memref<16xf32, #tpu.memory_space<vmem>>, vector<16xf32>,
        tpu.vector_store %arg12[%swap3A_484], %max3A_478 {strides = array<i32>} : memref<16xf32, #tpu.memory_space<vmem>>, vector<16xf32>,
        %xor3A = arith.constant 8 : i32
        %xor3A_486 = vector.broadcast %xor3A : i32 to vector<16xi32>
        %xor3A_487 = arith.xori %iota3A, %xor3A_486 : vector<16xi32>
        %gather3A = tpu.vector_load_idx %arg12[%xor3A_487] : memref<16xf32, #tpu.memory_space<vmem>>[vector<16xi32>], vector<16xf32>,
        %max3A_488 = arith.maximumf %max3A_478, %gather3A : vector<16xf32>
        %swap3A_489 = arith.constant 0 : index
        %swap3A_490 = tpu.vector_load %arg12[%swap3A_489] {strides = array<i32>} : memref<16xf32, #tpu.memory_space<vmem>>, vector<16xf32>,
        tpu.vector_store %arg12[%swap3A_489], %max3A_488 {strides = array<i32>} : memref<16xf32, #tpu.memory_space<vmem>>, vector<16xf32>,
        %xor3A_491 = arith.constant 4 : i32
        %xor3A_492 = vector.broadcast %xor3A_491 : i32 to vector<16xi32>
        %xor3A_493 = arith.xori %iota3A, %xor3A_492 : vector<16xi32>
        %gather3A_494 = tpu.vector_load_idx %arg12[%xor3A_493] : memref<16xf32, #tpu.memory_space<vmem>>[vector<16xi32>], vector<16xf32>,
        %max3A_495 = arith.maximumf %max3A_488, %gather3A_494 : vector<16xf32>
        %swap3A_496 = arith.constant 0 : index
        %swap3A_497 = tpu.vector_load %arg12[%swap3A_496] {strides = array<i32>} : memref<16xf32, #tpu.memory_space<vmem>>, vector<16xf32>,
        tpu.vector_store %arg12[%swap3A_496], %max3A_495 {strides = array<i32>} : memref<16xf32, #tpu.memory_space<vmem>>, vector<16xf32>,
        %xor3A_498 = arith.constant 2 : i32
        %xor3A_499 = vector.broadcast %xor3A_498 : i32 to vector<16xi32>
        %xor3A_500 = arith.xori %iota3A, %xor3A_499 : vector<16xi32>
        %gather3A_501 = tpu.vector_load_idx %arg12[%xor3A_500] : memref<16xf32, #tpu.memory_space<vmem>>[vector<16xi32>], vector<16xf32>,
        %max3A_502 = arith.maximumf %max3A_495, %gather3A_501 : vector<16xf32>
        %swap3A_503 = arith.constant 0 : index
        %swap3A_504 = tpu.vector_load %arg12[%swap3A_503] {strides = array<i32>} : memref<16xf32, #tpu.memory_space<vmem>>, vector<16xf32>,
        tpu.vector_store %arg12[%swap3A_503], %max3A_502 {strides = array<i32>} : memref<16xf32, #tpu.memory_space<vmem>>, vector<16xf32>,
        %xor3A_505 = arith.constant 1 : i32
        %xor3A_506 = vector.broadcast %xor3A_505 : i32 to vector<16xi32>
        %xor3A_507 = arith.xori %iota3A, %xor3A_506 : vector<16xi32>
        %gather3A_508 = tpu.vector_load_idx %arg12[%xor3A_507] : memref<16xf32, #tpu.memory_space<vmem>>[vector<16xi32>], vector<16xf32>,
        %max3A_509 = arith.maximumf %max3A_502, %gather3A_508 : vector<16xf32>
        %swap3A_510 = arith.constant 0 : index
        %swap3A_511 = tpu.vector_load %arg12[%swap3A_510] {strides = array<i32>} : memref<16xf32, #tpu.memory_space<vmem>>, vector<16xf32>,
        tpu.vector_store %arg12[%swap3A_510], %add3A_483 {strides = array<i32>} : memref<16xf32, #tpu.memory_space<vmem>>, vector<16xf32>,
        %xor3A_512 = arith.constant 8 : i32
        %xor3A_513 = vector.broadcast %xor3A_512 : i32 to vector<16xi32>
        %xor3A_514 = arith.xori %iota3A, %xor3A_513 : vector<16xi32>
        %gather3A_515 = tpu.vector_load_idx %arg12[%xor3A_514] : memref<16xf32, #tpu.memory_space<vmem>>[vector<16xi32>], vector<16xf32>,
        %add3A_516 = arith.addf %add3A_483, %gather3A_515 : vector<16xf32>
        %swap3A_517 = arith.constant 0 : index
        %swap3A_518 = tpu.vector_load %arg12[%swap3A_517] {strides = array<i32>} : memref<16xf32, #tpu.memory_space<vmem>>, vector<16xf32>,
        tpu.vector_store %arg12[%swap3A_517], %add3A_516 {strides = array<i32>} : memref<16xf32, #tpu.memory_space<vmem>>, vector<16xf32>,
        %xor3A_519 = arith.constant 4 : i32
        %xor3A_520 = vector.broadcast %xor3A_519 : i32 to vector<16xi32>
        %xor3A_521 = arith.xori %iota3A, %xor3A_520 : vector<16xi32>
        %gather3A_522 = tpu.vector_load_idx %arg12[%xor3A_521] : memref<16xf32, #tpu.memory_space<vmem>>[vector<16xi32>], vector<16xf32>,
        %add3A_523 = arith.addf %add3A_516, %gather3A_522 : vector<16xf32>
        %swap3A_524 = arith.constant 0 : index
        %swap3A_525 = tpu.vector_load %arg12[%swap3A_524] {strides = array<i32>} : memref<16xf32, #tpu.memory_space<vmem>>, vector<16xf32>,
        tpu.vector_store %arg12[%swap3A_524], %add3A_523 {strides = array<i32>} : memref<16xf32, #tpu.memory_space<vmem>>, vector<16xf32>,
        %xor3A_526 = arith.constant 2 : i32
        %xor3A_527 = vector.broadcast %xor3A_526 : i32 to vector<16xi32>
        %xor3A_528 = arith.xori %iota3A, %xor3A_527 : vector<16xi32>
        %gather3A_529 = tpu.vector_load_idx %arg12[%xor3A_528] : memref<16xf32, #tpu.memory_space<vmem>>[vector<16xi32>], vector<16xf32>,
        %add3A_530 = arith.addf %add3A_523, %gather3A_529 : vector<16xf32>
        %swap3A_531 = arith.constant 0 : index
        %swap3A_532 = tpu.vector_load %arg12[%swap3A_531] {strides = array<i32>} : memref<16xf32, #tpu.memory_space<vmem>>, vector<16xf32>,
        tpu.vector_store %arg12[%swap3A_531], %add3A_530 {strides = array<i32>} : memref<16xf32, #tpu.memory_space<vmem>>, vector<16xf32>,
        %xor3A_533 = arith.constant 1 : i32
        %xor3A_534 = vector.broadcast %xor3A_533 : i32 to vector<16xi32>
        %xor3A_535 = arith.xori %iota3A, %xor3A_534 : vector<16xi32>
        %gather3A_536 = tpu.vector_load_idx %arg12[%xor3A_535] : memref<16xf32, #tpu.memory_space<vmem>>[vector<16xi32>], vector<16xf32>,
        %add3A_537 = arith.addf %add3A_530, %gather3A_536 : vector<16xf32>
        %exp3A_538 = math.exp %max3A_509 : vector<16xf32>
        %div3A = arith.divf %exp3A_538, %add3A_537 : vector<16xf32>
        %broadcast_in_dim3A_539 = vector.broadcast %scan3A_94 : i32 to vector<16xi32>
        %gather3A_540 = tpu.vector_load_idx %arg8[%broadcast_in_dim3A_539] : memref<32xi32, #tpu.memory_space<vmem>>[vector<16xi32>], vector<16xi32>,
        %gather3A_541 = tpu.vector_load_idx %arg6[%broadcast_in_dim3A_539, %gather3A_540] : memref<32x1000xf32, #tpu.memory_space<vmem>>[vector<16xi32>, vector<16xi32>], vector<16xf32>,
        %eq3A = arith.cmpf oeq, %gather3A_541, %max3A_509 : vector<16xf32>
        %jit3A_542 = arith.constant 1.000000e+00 : f32
        %jit3A_543 = arith.constant 0.000000e+00 : f32
        %broadcast_in_dim3A_544 = vector.broadcast %jit3A_542 : f32 to vector<16xf32>
        %broadcast_in_dim3A_545 = vector.broadcast %jit3A_543 : f32 to vector<16xf32>
        %select_n3A_546 = arith.select %eq3A, %broadcast_in_dim3A_544, %broadcast_in_dim3A_545 : vector<16xi1>, vector<16xf32>
        %gt3A = arith.cmpf ogt, %div3A, %get3A_5 : vector<16xf32>
        %le3A = arith.cmpf ole, %div3A, %get3A_9 : vector<16xf32>
        %and3A = arith.andi %gt3A, %le3A : vector<16xi1>
        %jit3A_547 = arith.constant 1.000000e+00 : f32
        %jit3A_548 = arith.constant 0.000000e+00 : f32
        %broadcast_in_dim3A_549 = vector.broadcast %jit3A_547 : f32 to vector<16xf32>
        %broadcast_in_dim3A_550 = vector.broadcast %jit3A_548 : f32 to vector<16xf32>
        %select_n3A_551 = arith.select %and3A, %broadcast_in_dim3A_549, %broadcast_in_dim3A_550 : vector<16xi1>, vector<16xf32>
        %add3A_552 = arith.addf %scan3A_95, %select_n3A_551 : vector<16xf32>
        %mul3A_553 = arith.mulf %select_n3A_551, %div3A : vector<16xf32>
        %add3A_554 = arith.addf %scan3A_96, %mul3A_553 : vector<16xf32>
        %mul3A_555 = arith.mulf %select_n3A_551, %select_n3A_546 : vector<16xf32>
        %add3A_556 = arith.addf %scan3A_97, %mul3A_555 : vector<16xf32>
        scf.yield %add3A_552, %add3A_554, %add3A_556 : vector<16xf32>, vector<16xf32>, vector<16xf32>
      }
      %scan3A_64 = arith.constant 32 : i32
      %mul3A_65 = arith.constant 2 : i32
      %mul3A_66 = arith.muli %mul3A_65, %scan3A_36 : i32
      %add3A_67 = arith.constant 1 : i32
      %add3A_68 = arith.addi %mul3A_66, %add3A_67 : i32
      %mul3A_69 = arith.constant 32 : i32
      %mul3A_70 = arith.muli %add3A_68, %mul3A_69 : i32
      %add3A_71 = arith.addi %mul3A_2, %mul3A_70 : i32
      %dma_wait3A_72 = arith.constant 0 : i32
      %dma_wait3A_73 = tpu.memref_slice %arg2[%add3A_71, %dma_wait3A_72] : memref<16384x1000xf32, #tpu.memory_space<hbm>> -> memref<32x1000xf32, #tpu.memory_space<hbm>>
      %dma_wait3A_74 = arith.constant 0 : i32
      %dma_wait3A_75 = tpu.memref_slice %arg2[%add3A_71, %dma_wait3A_74] : memref<16384x1000xf32, #tpu.memory_space<hbm>> -> memref<32x1000xf32, #tpu.memory_space<hbm>>
      tpu.wait_dma2 semaphore(%arg14 : memref<!tpu.dma_semaphore, #tpu.memory_space<semaphore_mem>>) src(%dma_wait3A_75 : memref<32x1000xf32, #tpu.memory_space<hbm>>) dst(%arg7 : memref<32x1000xf32, #tpu.memory_space<vmem>>)
      %mul3A_76 = arith.constant 32 : i32
      %mul3A_77 = arith.muli %add3A_68, %mul3A_76 : i32
      %add3A_78 = arith.addi %mul3A_2, %mul3A_77 : i32
      %dma_wait3A_79 = tpu.memref_slice %arg3[%add3A_78] : memref<16384xi32, #tpu.memory_space<hbm>> -> memref<32xi32, #tpu.memory_space<hbm>>
      %dma_wait3A_80 = tpu.memref_slice %arg3[%add3A_78] : memref<16384xi32, #tpu.memory_space<hbm>> -> memref<32xi32, #tpu.memory_space<hbm>>
      tpu.wait_dma2 semaphore(%arg16 : memref<!tpu.dma_semaphore, #tpu.memory_space<semaphore_mem>>) src(%dma_wait3A_80 : memref<32xi32, #tpu.memory_space<hbm>>) dst(%arg9 : memref<32xi32, #tpu.memory_space<vmem>>)
      %add3A_81 = arith.constant 1 : i32
      %add3A_82 = arith.addi %add3A_68, %add3A_81 : i32
      %lt3A_83 = arith.constant 8 : i32
      %lt3A_84 = arith.cmpi slt, %add3A_82, %lt3A_83 : i32
      %convert_element_type3A_85 = arith.extui %lt3A_84 : i1 to i32
      %cond3A_86 = arith.constant 0 : i32
      %cond3A_87 = arith.cmpi ne, %convert_element_type3A_85, %cond3A_86 : i32
      scf.if %cond3A_87 {
        %add3A_94 = arith.constant 1 : i32
        %add3A_95 = arith.addi %add3A_68, %add3A_94 : i32
        %mul3A_96 = arith.constant 32 : i32
        %mul3A_97 = arith.muli %add3A_95, %mul3A_96 : i32
        %add3A_98 = arith.addi %mul3A_2, %mul3A_97 : i32
        %dma_start3A_99 = arith.constant 0 : i32
        %dma_start3A_100 = tpu.memref_slice %arg2[%add3A_98, %dma_start3A_99] : memref<16384x1000xf32, #tpu.memory_space<hbm>> -> memref<32x1000xf32, #tpu.memory_space<hbm>>
        %dma_start3A_101 = arith.constant 0 : i32
        %dma_start3A_102 = tpu.memref_slice %arg2[%add3A_98, %dma_start3A_101] : memref<16384x1000xf32, #tpu.memory_space<hbm>> -> memref<32x1000xf32, #tpu.memory_space<hbm>>
        tpu.enqueue_dma source(%dma_start3A_102 : memref<32x1000xf32, #tpu.memory_space<hbm>>) target(%arg6 : memref<32x1000xf32, #tpu.memory_space<vmem>>) target_semaphore(%arg13 : memref<!tpu.dma_semaphore, #tpu.memory_space<semaphore_mem>>)
        %add3A_103 = arith.constant 1 : i32
        %add3A_104 = arith.addi %add3A_68, %add3A_103 : i32
        %mul3A_105 = arith.constant 32 : i32
        %mul3A_106 = arith.muli %add3A_104, %mul3A_105 : i32
        %add3A_107 = arith.addi %mul3A_2, %mul3A_106 : i32
        %dma_start3A_108 = tpu.memref_slice %arg3[%add3A_107] : memref<16384xi32, #tpu.memory_space<hbm>> -> memref<32xi32, #tpu.memory_space<hbm>>
        %dma_start3A_109 = tpu.memref_slice %arg3[%add3A_107] : memref<16384xi32, #tpu.memory_space<hbm>> -> memref<32xi32, #tpu.memory_space<hbm>>
        tpu.enqueue_dma source(%dma_start3A_109 : memref<32xi32, #tpu.memory_space<hbm>>) target(%arg8 : memref<32xi32, #tpu.memory_space<vmem>>) target_semaphore(%arg15 : memref<!tpu.dma_semaphore, #tpu.memory_space<semaphore_mem>>)
      } else {
      }
      %scan3A_88 = arith.constant 0 : i32
      %scan3A_89 = arith.constant 32 : i32
      %scan3A_90 = arith.addi %scan3A_88, %scan3A_89 : i32
      %scan3A_91 = arith.constant 1 : i32
      %scan3A_92:3 = scf.for %scan3A_94 = %scan3A_88 to %scan3A_90 step %scan3A_91 iter_args(%scan3A_95 = %scan3A_63#0, %scan3A_96 = %scan3A_63#1, %scan3A_97 = %scan3A_63#2) -> (vector<16xf32>, vector<16xf32>, vector<16xf32>)  : i32 {
        %broadcast_in_dim3A_98 = arith.constant -1.000000e+30 : f32
        %broadcast_in_dim3A_99 = vector.broadcast %broadcast_in_dim3A_98 : f32 to vector<16xf32>
        %broadcast_in_dim3A_100 = arith.constant 0.000000e+00 : f32
        %broadcast_in_dim3A_101 = vector.broadcast %broadcast_in_dim3A_100 : f32 to vector<16xf32>
        %get3A_102 = arith.index_cast %scan3A_94 : i32 to index
        %get3A_103 = arith.constant 0 : index
        %get3A_104 = tpu.vector_load %arg7[%get3A_102, %get3A_103] {strides = array<i32>} : memref<32x1000xf32, #tpu.memory_space<vmem>>, vector<16xf32>,
        %max3A = arith.maximumf %broadcast_in_dim3A_99, %get3A_104 : vector<16xf32>
        %exp3A = math.exp %get3A_104 : vector<16xf32>
        %add3A_105 = arith.addf %broadcast_in_dim3A_101, %exp3A : vector<16xf32>
        %get3A_106 = arith.index_cast %scan3A_94 : i32 to index
        %get3A_107 = arith.constant 16 : index
        %get3A_108 = tpu.vector_load %arg7[%get3A_106, %get3A_107] {strides = array<i32>} : memref<32x1000xf32, #tpu.memory_space<vmem>>, vector<16xf32>,
        %max3A_109 = arith.maximumf %max3A, %get3A_108 : vector<16xf32>
        %exp3A_110 = math.exp %get3A_108 : vector<16xf32>
        %add3A_111 = arith.addf %add3A_105, %exp3A_110 : vector<16xf32>
        %get3A_112 = arith.index_cast %scan3A_94 : i32 to index
        %get3A_113 = arith.constant 32 : index
        %get3A_114 = tpu.vector_load %arg7[%get3A_112, %get3A_113] {strides = array<i32>} : memref<32x1000xf32, #tpu.memory_space<vmem>>, vector<16xf32>,
        %max3A_115 = arith.maximumf %max3A_109, %get3A_114 : vector<16xf32>
        %exp3A_116 = math.exp %get3A_114 : vector<16xf32>
        %add3A_117 = arith.addf %add3A_111, %exp3A_116 : vector<16xf32>
        %get3A_118 = arith.index_cast %scan3A_94 : i32 to index
        %get3A_119 = arith.constant 48 : index
        %get3A_120 = tpu.vector_load %arg7[%get3A_118, %get3A_119] {strides = array<i32>} : memref<32x1000xf32, #tpu.memory_space<vmem>>, vector<16xf32>,
        %max3A_121 = arith.maximumf %max3A_115, %get3A_120 : vector<16xf32>
        %exp3A_122 = math.exp %get3A_120 : vector<16xf32>
        %add3A_123 = arith.addf %add3A_117, %exp3A_122 : vector<16xf32>
        %get3A_124 = arith.index_cast %scan3A_94 : i32 to index
        %get3A_125 = arith.constant 64 : index
        %get3A_126 = tpu.vector_load %arg7[%get3A_124, %get3A_125] {strides = array<i32>} : memref<32x1000xf32, #tpu.memory_space<vmem>>, vector<16xf32>,
        %max3A_127 = arith.maximumf %max3A_121, %get3A_126 : vector<16xf32>
        %exp3A_128 = math.exp %get3A_126 : vector<16xf32>
        %add3A_129 = arith.addf %add3A_123, %exp3A_128 : vector<16xf32>
        %get3A_130 = arith.index_cast %scan3A_94 : i32 to index
        %get3A_131 = arith.constant 80 : index
        %get3A_132 = tpu.vector_load %arg7[%get3A_130, %get3A_131] {strides = array<i32>} : memref<32x1000xf32, #tpu.memory_space<vmem>>, vector<16xf32>,
        %max3A_133 = arith.maximumf %max3A_127, %get3A_132 : vector<16xf32>
        %exp3A_134 = math.exp %get3A_132 : vector<16xf32>
        %add3A_135 = arith.addf %add3A_129, %exp3A_134 : vector<16xf32>
        %get3A_136 = arith.index_cast %scan3A_94 : i32 to index
        %get3A_137 = arith.constant 96 : index
        %get3A_138 = tpu.vector_load %arg7[%get3A_136, %get3A_137] {strides = array<i32>} : memref<32x1000xf32, #tpu.memory_space<vmem>>, vector<16xf32>,
        %max3A_139 = arith.maximumf %max3A_133, %get3A_138 : vector<16xf32>
        %exp3A_140 = math.exp %get3A_138 : vector<16xf32>
        %add3A_141 = arith.addf %add3A_135, %exp3A_140 : vector<16xf32>
        %get3A_142 = arith.index_cast %scan3A_94 : i32 to index
        %get3A_143 = arith.constant 112 : index
        %get3A_144 = tpu.vector_load %arg7[%get3A_142, %get3A_143] {strides = array<i32>} : memref<32x1000xf32, #tpu.memory_space<vmem>>, vector<16xf32>,
        %max3A_145 = arith.maximumf %max3A_139, %get3A_144 : vector<16xf32>
        %exp3A_146 = math.exp %get3A_144 : vector<16xf32>
        %add3A_147 = arith.addf %add3A_141, %exp3A_146 : vector<16xf32>
        %get3A_148 = arith.index_cast %scan3A_94 : i32 to index
        %get3A_149 = arith.constant 128 : index
        %get3A_150 = tpu.vector_load %arg7[%get3A_148, %get3A_149] {strides = array<i32>} : memref<32x1000xf32, #tpu.memory_space<vmem>>, vector<16xf32>,
        %max3A_151 = arith.maximumf %max3A_145, %get3A_150 : vector<16xf32>
        %exp3A_152 = math.exp %get3A_150 : vector<16xf32>
        %add3A_153 = arith.addf %add3A_147, %exp3A_152 : vector<16xf32>
        %get3A_154 = arith.index_cast %scan3A_94 : i32 to index
        %get3A_155 = arith.constant 144 : index
        %get3A_156 = tpu.vector_load %arg7[%get3A_154, %get3A_155] {strides = array<i32>} : memref<32x1000xf32, #tpu.memory_space<vmem>>, vector<16xf32>,
        %max3A_157 = arith.maximumf %max3A_151, %get3A_156 : vector<16xf32>
        %exp3A_158 = math.exp %get3A_156 : vector<16xf32>
        %add3A_159 = arith.addf %add3A_153, %exp3A_158 : vector<16xf32>
        %get3A_160 = arith.index_cast %scan3A_94 : i32 to index
        %get3A_161 = arith.constant 160 : index
        %get3A_162 = tpu.vector_load %arg7[%get3A_160, %get3A_161] {strides = array<i32>} : memref<32x1000xf32, #tpu.memory_space<vmem>>, vector<16xf32>,
        %max3A_163 = arith.maximumf %max3A_157, %get3A_162 : vector<16xf32>
        %exp3A_164 = math.exp %get3A_162 : vector<16xf32>
        %add3A_165 = arith.addf %add3A_159, %exp3A_164 : vector<16xf32>
        %get3A_166 = arith.index_cast %scan3A_94 : i32 to index
        %get3A_167 = arith.constant 176 : index
        %get3A_168 = tpu.vector_load %arg7[%get3A_166, %get3A_167] {strides = array<i32>} : memref<32x1000xf32, #tpu.memory_space<vmem>>, vector<16xf32>,
        %max3A_169 = arith.maximumf %max3A_163, %get3A_168 : vector<16xf32>
        %exp3A_170 = math.exp %get3A_168 : vector<16xf32>
        %add3A_171 = arith.addf %add3A_165, %exp3A_170 : vector<16xf32>
        %get3A_172 = arith.index_cast %scan3A_94 : i32 to index
        %get3A_173 = arith.constant 192 : index
        %get3A_174 = tpu.vector_load %arg7[%get3A_172, %get3A_173] {strides = array<i32>} : memref<32x1000xf32, #tpu.memory_space<vmem>>, vector<16xf32>,
        %max3A_175 = arith.maximumf %max3A_169, %get3A_174 : vector<16xf32>
        %exp3A_176 = math.exp %get3A_174 : vector<16xf32>
        %add3A_177 = arith.addf %add3A_171, %exp3A_176 : vector<16xf32>
        %get3A_178 = arith.index_cast %scan3A_94 : i32 to index
        %get3A_179 = arith.constant 208 : index
        %get3A_180 = tpu.vector_load %arg7[%get3A_178, %get3A_179] {strides = array<i32>} : memref<32x1000xf32, #tpu.memory_space<vmem>>, vector<16xf32>,
        %max3A_181 = arith.maximumf %max3A_175, %get3A_180 : vector<16xf32>
        %exp3A_182 = math.exp %get3A_180 : vector<16xf32>
        %add3A_183 = arith.addf %add3A_177, %exp3A_182 : vector<16xf32>
        %get3A_184 = arith.index_cast %scan3A_94 : i32 to index
        %get3A_185 = arith.constant 224 : index
        %get3A_186 = tpu.vector_load %arg7[%get3A_184, %get3A_185] {strides = array<i32>} : memref<32x1000xf32, #tpu.memory_space<vmem>>, vector<16xf32>,
        %max3A_187 = arith.maximumf %max3A_181, %get3A_186 : vector<16xf32>
        %exp3A_188 = math.exp %get3A_186 : vector<16xf32>
        %add3A_189 = arith.addf %add3A_183, %exp3A_188 : vector<16xf32>
        %get3A_190 = arith.index_cast %scan3A_94 : i32 to index
        %get3A_191 = arith.constant 240 : index
        %get3A_192 = tpu.vector_load %arg7[%get3A_190, %get3A_191] {strides = array<i32>} : memref<32x1000xf32, #tpu.memory_space<vmem>>, vector<16xf32>,
        %max3A_193 = arith.maximumf %max3A_187, %get3A_192 : vector<16xf32>
        %exp3A_194 = math.exp %get3A_192 : vector<16xf32>
        %add3A_195 = arith.addf %add3A_189, %exp3A_194 : vector<16xf32>
        %get3A_196 = arith.index_cast %scan3A_94 : i32 to index
        %get3A_197 = arith.constant 256 : index
        %get3A_198 = tpu.vector_load %arg7[%get3A_196, %get3A_197] {strides = array<i32>} : memref<32x1000xf32, #tpu.memory_space<vmem>>, vector<16xf32>,
        %max3A_199 = arith.maximumf %max3A_193, %get3A_198 : vector<16xf32>
        %exp3A_200 = math.exp %get3A_198 : vector<16xf32>
        %add3A_201 = arith.addf %add3A_195, %exp3A_200 : vector<16xf32>
        %get3A_202 = arith.index_cast %scan3A_94 : i32 to index
        %get3A_203 = arith.constant 272 : index
        %get3A_204 = tpu.vector_load %arg7[%get3A_202, %get3A_203] {strides = array<i32>} : memref<32x1000xf32, #tpu.memory_space<vmem>>, vector<16xf32>,
        %max3A_205 = arith.maximumf %max3A_199, %get3A_204 : vector<16xf32>
        %exp3A_206 = math.exp %get3A_204 : vector<16xf32>
        %add3A_207 = arith.addf %add3A_201, %exp3A_206 : vector<16xf32>
        %get3A_208 = arith.index_cast %scan3A_94 : i32 to index
        %get3A_209 = arith.constant 288 : index
        %get3A_210 = tpu.vector_load %arg7[%get3A_208, %get3A_209] {strides = array<i32>} : memref<32x1000xf32, #tpu.memory_space<vmem>>, vector<16xf32>,
        %max3A_211 = arith.maximumf %max3A_205, %get3A_210 : vector<16xf32>
        %exp3A_212 = math.exp %get3A_210 : vector<16xf32>
        %add3A_213 = arith.addf %add3A_207, %exp3A_212 : vector<16xf32>
        %get3A_214 = arith.index_cast %scan3A_94 : i32 to index
        %get3A_215 = arith.constant 304 : index
        %get3A_216 = tpu.vector_load %arg7[%get3A_214, %get3A_215] {strides = array<i32>} : memref<32x1000xf32, #tpu.memory_space<vmem>>, vector<16xf32>,
        %max3A_217 = arith.maximumf %max3A_211, %get3A_216 : vector<16xf32>
        %exp3A_218 = math.exp %get3A_216 : vector<16xf32>
        %add3A_219 = arith.addf %add3A_213, %exp3A_218 : vector<16xf32>
        %get3A_220 = arith.index_cast %scan3A_94 : i32 to index
        %get3A_221 = arith.constant 320 : index
        %get3A_222 = tpu.vector_load %arg7[%get3A_220, %get3A_221] {strides = array<i32>} : memref<32x1000xf32, #tpu.memory_space<vmem>>, vector<16xf32>,
        %max3A_223 = arith.maximumf %max3A_217, %get3A_222 : vector<16xf32>
        %exp3A_224 = math.exp %get3A_222 : vector<16xf32>
        %add3A_225 = arith.addf %add3A_219, %exp3A_224 : vector<16xf32>
        %get3A_226 = arith.index_cast %scan3A_94 : i32 to index
        %get3A_227 = arith.constant 336 : index
        %get3A_228 = tpu.vector_load %arg7[%get3A_226, %get3A_227] {strides = array<i32>} : memref<32x1000xf32, #tpu.memory_space<vmem>>, vector<16xf32>,
        %max3A_229 = arith.maximumf %max3A_223, %get3A_228 : vector<16xf32>
        %exp3A_230 = math.exp %get3A_228 : vector<16xf32>
        %add3A_231 = arith.addf %add3A_225, %exp3A_230 : vector<16xf32>
        %get3A_232 = arith.index_cast %scan3A_94 : i32 to index
        %get3A_233 = arith.constant 352 : index
        %get3A_234 = tpu.vector_load %arg7[%get3A_232, %get3A_233] {strides = array<i32>} : memref<32x1000xf32, #tpu.memory_space<vmem>>, vector<16xf32>,
        %max3A_235 = arith.maximumf %max3A_229, %get3A_234 : vector<16xf32>
        %exp3A_236 = math.exp %get3A_234 : vector<16xf32>
        %add3A_237 = arith.addf %add3A_231, %exp3A_236 : vector<16xf32>
        %get3A_238 = arith.index_cast %scan3A_94 : i32 to index
        %get3A_239 = arith.constant 368 : index
        %get3A_240 = tpu.vector_load %arg7[%get3A_238, %get3A_239] {strides = array<i32>} : memref<32x1000xf32, #tpu.memory_space<vmem>>, vector<16xf32>,
        %max3A_241 = arith.maximumf %max3A_235, %get3A_240 : vector<16xf32>
        %exp3A_242 = math.exp %get3A_240 : vector<16xf32>
        %add3A_243 = arith.addf %add3A_237, %exp3A_242 : vector<16xf32>
        %get3A_244 = arith.index_cast %scan3A_94 : i32 to index
        %get3A_245 = arith.constant 384 : index
        %get3A_246 = tpu.vector_load %arg7[%get3A_244, %get3A_245] {strides = array<i32>} : memref<32x1000xf32, #tpu.memory_space<vmem>>, vector<16xf32>,
        %max3A_247 = arith.maximumf %max3A_241, %get3A_246 : vector<16xf32>
        %exp3A_248 = math.exp %get3A_246 : vector<16xf32>
        %add3A_249 = arith.addf %add3A_243, %exp3A_248 : vector<16xf32>
        %get3A_250 = arith.index_cast %scan3A_94 : i32 to index
        %get3A_251 = arith.constant 400 : index
        %get3A_252 = tpu.vector_load %arg7[%get3A_250, %get3A_251] {strides = array<i32>} : memref<32x1000xf32, #tpu.memory_space<vmem>>, vector<16xf32>,
        %max3A_253 = arith.maximumf %max3A_247, %get3A_252 : vector<16xf32>
        %exp3A_254 = math.exp %get3A_252 : vector<16xf32>
        %add3A_255 = arith.addf %add3A_249, %exp3A_254 : vector<16xf32>
        %get3A_256 = arith.index_cast %scan3A_94 : i32 to index
        %get3A_257 = arith.constant 416 : index
        %get3A_258 = tpu.vector_load %arg7[%get3A_256, %get3A_257] {strides = array<i32>} : memref<32x1000xf32, #tpu.memory_space<vmem>>, vector<16xf32>,
        %max3A_259 = arith.maximumf %max3A_253, %get3A_258 : vector<16xf32>
        %exp3A_260 = math.exp %get3A_258 : vector<16xf32>
        %add3A_261 = arith.addf %add3A_255, %exp3A_260 : vector<16xf32>
        %get3A_262 = arith.index_cast %scan3A_94 : i32 to index
        %get3A_263 = arith.constant 432 : index
        %get3A_264 = tpu.vector_load %arg7[%get3A_262, %get3A_263] {strides = array<i32>} : memref<32x1000xf32, #tpu.memory_space<vmem>>, vector<16xf32>,
        %max3A_265 = arith.maximumf %max3A_259, %get3A_264 : vector<16xf32>
        %exp3A_266 = math.exp %get3A_264 : vector<16xf32>
        %add3A_267 = arith.addf %add3A_261, %exp3A_266 : vector<16xf32>
        %get3A_268 = arith.index_cast %scan3A_94 : i32 to index
        %get3A_269 = arith.constant 448 : index
        %get3A_270 = tpu.vector_load %arg7[%get3A_268, %get3A_269] {strides = array<i32>} : memref<32x1000xf32, #tpu.memory_space<vmem>>, vector<16xf32>,
        %max3A_271 = arith.maximumf %max3A_265, %get3A_270 : vector<16xf32>
        %exp3A_272 = math.exp %get3A_270 : vector<16xf32>
        %add3A_273 = arith.addf %add3A_267, %exp3A_272 : vector<16xf32>
        %get3A_274 = arith.index_cast %scan3A_94 : i32 to index
        %get3A_275 = arith.constant 464 : index
        %get3A_276 = tpu.vector_load %arg7[%get3A_274, %get3A_275] {strides = array<i32>} : memref<32x1000xf32, #tpu.memory_space<vmem>>, vector<16xf32>,
        %max3A_277 = arith.maximumf %max3A_271, %get3A_276 : vector<16xf32>
        %exp3A_278 = math.exp %get3A_276 : vector<16xf32>
        %add3A_279 = arith.addf %add3A_273, %exp3A_278 : vector<16xf32>
        %get3A_280 = arith.index_cast %scan3A_94 : i32 to index
        %get3A_281 = arith.constant 480 : index
        %get3A_282 = tpu.vector_load %arg7[%get3A_280, %get3A_281] {strides = array<i32>} : memref<32x1000xf32, #tpu.memory_space<vmem>>, vector<16xf32>,
        %max3A_283 = arith.maximumf %max3A_277, %get3A_282 : vector<16xf32>
        %exp3A_284 = math.exp %get3A_282 : vector<16xf32>
        %add3A_285 = arith.addf %add3A_279, %exp3A_284 : vector<16xf32>
        %get3A_286 = arith.index_cast %scan3A_94 : i32 to index
        %get3A_287 = arith.constant 496 : index
        %get3A_288 = tpu.vector_load %arg7[%get3A_286, %get3A_287] {strides = array<i32>} : memref<32x1000xf32, #tpu.memory_space<vmem>>, vector<16xf32>,
        %max3A_289 = arith.maximumf %max3A_283, %get3A_288 : vector<16xf32>
        %exp3A_290 = math.exp %get3A_288 : vector<16xf32>
        %add3A_291 = arith.addf %add3A_285, %exp3A_290 : vector<16xf32>
        %get3A_292 = arith.index_cast %scan3A_94 : i32 to index
        %get3A_293 = arith.constant 512 : index
        %get3A_294 = tpu.vector_load %arg7[%get3A_292, %get3A_293] {strides = array<i32>} : memref<32x1000xf32, #tpu.memory_space<vmem>>, vector<16xf32>,
        %max3A_295 = arith.maximumf %max3A_289, %get3A_294 : vector<16xf32>
        %exp3A_296 = math.exp %get3A_294 : vector<16xf32>
        %add3A_297 = arith.addf %add3A_291, %exp3A_296 : vector<16xf32>
        %get3A_298 = arith.index_cast %scan3A_94 : i32 to index
        %get3A_299 = arith.constant 528 : index
        %get3A_300 = tpu.vector_load %arg7[%get3A_298, %get3A_299] {strides = array<i32>} : memref<32x1000xf32, #tpu.memory_space<vmem>>, vector<16xf32>,
        %max3A_301 = arith.maximumf %max3A_295, %get3A_300 : vector<16xf32>
        %exp3A_302 = math.exp %get3A_300 : vector<16xf32>
        %add3A_303 = arith.addf %add3A_297, %exp3A_302 : vector<16xf32>
        %get3A_304 = arith.index_cast %scan3A_94 : i32 to index
        %get3A_305 = arith.constant 544 : index
        %get3A_306 = tpu.vector_load %arg7[%get3A_304, %get3A_305] {strides = array<i32>} : memref<32x1000xf32, #tpu.memory_space<vmem>>, vector<16xf32>,
        %max3A_307 = arith.maximumf %max3A_301, %get3A_306 : vector<16xf32>
        %exp3A_308 = math.exp %get3A_306 : vector<16xf32>
        %add3A_309 = arith.addf %add3A_303, %exp3A_308 : vector<16xf32>
        %get3A_310 = arith.index_cast %scan3A_94 : i32 to index
        %get3A_311 = arith.constant 560 : index
        %get3A_312 = tpu.vector_load %arg7[%get3A_310, %get3A_311] {strides = array<i32>} : memref<32x1000xf32, #tpu.memory_space<vmem>>, vector<16xf32>,
        %max3A_313 = arith.maximumf %max3A_307, %get3A_312 : vector<16xf32>
        %exp3A_314 = math.exp %get3A_312 : vector<16xf32>
        %add3A_315 = arith.addf %add3A_309, %exp3A_314 : vector<16xf32>
        %get3A_316 = arith.index_cast %scan3A_94 : i32 to index
        %get3A_317 = arith.constant 576 : index
        %get3A_318 = tpu.vector_load %arg7[%get3A_316, %get3A_317] {strides = array<i32>} : memref<32x1000xf32, #tpu.memory_space<vmem>>, vector<16xf32>,
        %max3A_319 = arith.maximumf %max3A_313, %get3A_318 : vector<16xf32>
        %exp3A_320 = math.exp %get3A_318 : vector<16xf32>
        %add3A_321 = arith.addf %add3A_315, %exp3A_320 : vector<16xf32>
        %get3A_322 = arith.index_cast %scan3A_94 : i32 to index
        %get3A_323 = arith.constant 592 : index
        %get3A_324 = tpu.vector_load %arg7[%get3A_322, %get3A_323] {strides = array<i32>} : memref<32x1000xf32, #tpu.memory_space<vmem>>, vector<16xf32>,
        %max3A_325 = arith.maximumf %max3A_319, %get3A_324 : vector<16xf32>
        %exp3A_326 = math.exp %get3A_324 : vector<16xf32>
        %add3A_327 = arith.addf %add3A_321, %exp3A_326 : vector<16xf32>
        %get3A_328 = arith.index_cast %scan3A_94 : i32 to index
        %get3A_329 = arith.constant 608 : index
        %get3A_330 = tpu.vector_load %arg7[%get3A_328, %get3A_329] {strides = array<i32>} : memref<32x1000xf32, #tpu.memory_space<vmem>>, vector<16xf32>,
        %max3A_331 = arith.maximumf %max3A_325, %get3A_330 : vector<16xf32>
        %exp3A_332 = math.exp %get3A_330 : vector<16xf32>
        %add3A_333 = arith.addf %add3A_327, %exp3A_332 : vector<16xf32>
        %get3A_334 = arith.index_cast %scan3A_94 : i32 to index
        %get3A_335 = arith.constant 624 : index
        %get3A_336 = tpu.vector_load %arg7[%get3A_334, %get3A_335] {strides = array<i32>} : memref<32x1000xf32, #tpu.memory_space<vmem>>, vector<16xf32>,
        %max3A_337 = arith.maximumf %max3A_331, %get3A_336 : vector<16xf32>
        %exp3A_338 = math.exp %get3A_336 : vector<16xf32>
        %add3A_339 = arith.addf %add3A_333, %exp3A_338 : vector<16xf32>
        %get3A_340 = arith.index_cast %scan3A_94 : i32 to index
        %get3A_341 = arith.constant 640 : index
        %get3A_342 = tpu.vector_load %arg7[%get3A_340, %get3A_341] {strides = array<i32>} : memref<32x1000xf32, #tpu.memory_space<vmem>>, vector<16xf32>,
        %max3A_343 = arith.maximumf %max3A_337, %get3A_342 : vector<16xf32>
        %exp3A_344 = math.exp %get3A_342 : vector<16xf32>
        %add3A_345 = arith.addf %add3A_339, %exp3A_344 : vector<16xf32>
        %get3A_346 = arith.index_cast %scan3A_94 : i32 to index
        %get3A_347 = arith.constant 656 : index
        %get3A_348 = tpu.vector_load %arg7[%get3A_346, %get3A_347] {strides = array<i32>} : memref<32x1000xf32, #tpu.memory_space<vmem>>, vector<16xf32>,
        %max3A_349 = arith.maximumf %max3A_343, %get3A_348 : vector<16xf32>
        %exp3A_350 = math.exp %get3A_348 : vector<16xf32>
        %add3A_351 = arith.addf %add3A_345, %exp3A_350 : vector<16xf32>
        %get3A_352 = arith.index_cast %scan3A_94 : i32 to index
        %get3A_353 = arith.constant 672 : index
        %get3A_354 = tpu.vector_load %arg7[%get3A_352, %get3A_353] {strides = array<i32>} : memref<32x1000xf32, #tpu.memory_space<vmem>>, vector<16xf32>,
        %max3A_355 = arith.maximumf %max3A_349, %get3A_354 : vector<16xf32>
        %exp3A_356 = math.exp %get3A_354 : vector<16xf32>
        %add3A_357 = arith.addf %add3A_351, %exp3A_356 : vector<16xf32>
        %get3A_358 = arith.index_cast %scan3A_94 : i32 to index
        %get3A_359 = arith.constant 688 : index
        %get3A_360 = tpu.vector_load %arg7[%get3A_358, %get3A_359] {strides = array<i32>} : memref<32x1000xf32, #tpu.memory_space<vmem>>, vector<16xf32>,
        %max3A_361 = arith.maximumf %max3A_355, %get3A_360 : vector<16xf32>
        %exp3A_362 = math.exp %get3A_360 : vector<16xf32>
        %add3A_363 = arith.addf %add3A_357, %exp3A_362 : vector<16xf32>
        %get3A_364 = arith.index_cast %scan3A_94 : i32 to index
        %get3A_365 = arith.constant 704 : index
        %get3A_366 = tpu.vector_load %arg7[%get3A_364, %get3A_365] {strides = array<i32>} : memref<32x1000xf32, #tpu.memory_space<vmem>>, vector<16xf32>,
        %max3A_367 = arith.maximumf %max3A_361, %get3A_366 : vector<16xf32>
        %exp3A_368 = math.exp %get3A_366 : vector<16xf32>
        %add3A_369 = arith.addf %add3A_363, %exp3A_368 : vector<16xf32>
        %get3A_370 = arith.index_cast %scan3A_94 : i32 to index
        %get3A_371 = arith.constant 720 : index
        %get3A_372 = tpu.vector_load %arg7[%get3A_370, %get3A_371] {strides = array<i32>} : memref<32x1000xf32, #tpu.memory_space<vmem>>, vector<16xf32>,
        %max3A_373 = arith.maximumf %max3A_367, %get3A_372 : vector<16xf32>
        %exp3A_374 = math.exp %get3A_372 : vector<16xf32>
        %add3A_375 = arith.addf %add3A_369, %exp3A_374 : vector<16xf32>
        %get3A_376 = arith.index_cast %scan3A_94 : i32 to index
        %get3A_377 = arith.constant 736 : index
        %get3A_378 = tpu.vector_load %arg7[%get3A_376, %get3A_377] {strides = array<i32>} : memref<32x1000xf32, #tpu.memory_space<vmem>>, vector<16xf32>,
        %max3A_379 = arith.maximumf %max3A_373, %get3A_378 : vector<16xf32>
        %exp3A_380 = math.exp %get3A_378 : vector<16xf32>
        %add3A_381 = arith.addf %add3A_375, %exp3A_380 : vector<16xf32>
        %get3A_382 = arith.index_cast %scan3A_94 : i32 to index
        %get3A_383 = arith.constant 752 : index
        %get3A_384 = tpu.vector_load %arg7[%get3A_382, %get3A_383] {strides = array<i32>} : memref<32x1000xf32, #tpu.memory_space<vmem>>, vector<16xf32>,
        %max3A_385 = arith.maximumf %max3A_379, %get3A_384 : vector<16xf32>
        %exp3A_386 = math.exp %get3A_384 : vector<16xf32>
        %add3A_387 = arith.addf %add3A_381, %exp3A_386 : vector<16xf32>
        %get3A_388 = arith.index_cast %scan3A_94 : i32 to index
        %get3A_389 = arith.constant 768 : index
        %get3A_390 = tpu.vector_load %arg7[%get3A_388, %get3A_389] {strides = array<i32>} : memref<32x1000xf32, #tpu.memory_space<vmem>>, vector<16xf32>,
        %max3A_391 = arith.maximumf %max3A_385, %get3A_390 : vector<16xf32>
        %exp3A_392 = math.exp %get3A_390 : vector<16xf32>
        %add3A_393 = arith.addf %add3A_387, %exp3A_392 : vector<16xf32>
        %get3A_394 = arith.index_cast %scan3A_94 : i32 to index
        %get3A_395 = arith.constant 784 : index
        %get3A_396 = tpu.vector_load %arg7[%get3A_394, %get3A_395] {strides = array<i32>} : memref<32x1000xf32, #tpu.memory_space<vmem>>, vector<16xf32>,
        %max3A_397 = arith.maximumf %max3A_391, %get3A_396 : vector<16xf32>
        %exp3A_398 = math.exp %get3A_396 : vector<16xf32>
        %add3A_399 = arith.addf %add3A_393, %exp3A_398 : vector<16xf32>
        %get3A_400 = arith.index_cast %scan3A_94 : i32 to index
        %get3A_401 = arith.constant 800 : index
        %get3A_402 = tpu.vector_load %arg7[%get3A_400, %get3A_401] {strides = array<i32>} : memref<32x1000xf32, #tpu.memory_space<vmem>>, vector<16xf32>,
        %max3A_403 = arith.maximumf %max3A_397, %get3A_402 : vector<16xf32>
        %exp3A_404 = math.exp %get3A_402 : vector<16xf32>
        %add3A_405 = arith.addf %add3A_399, %exp3A_404 : vector<16xf32>
        %get3A_406 = arith.index_cast %scan3A_94 : i32 to index
        %get3A_407 = arith.constant 816 : index
        %get3A_408 = tpu.vector_load %arg7[%get3A_406, %get3A_407] {strides = array<i32>} : memref<32x1000xf32, #tpu.memory_space<vmem>>, vector<16xf32>,
        %max3A_409 = arith.maximumf %max3A_403, %get3A_408 : vector<16xf32>
        %exp3A_410 = math.exp %get3A_408 : vector<16xf32>
        %add3A_411 = arith.addf %add3A_405, %exp3A_410 : vector<16xf32>
        %get3A_412 = arith.index_cast %scan3A_94 : i32 to index
        %get3A_413 = arith.constant 832 : index
        %get3A_414 = tpu.vector_load %arg7[%get3A_412, %get3A_413] {strides = array<i32>} : memref<32x1000xf32, #tpu.memory_space<vmem>>, vector<16xf32>,
        %max3A_415 = arith.maximumf %max3A_409, %get3A_414 : vector<16xf32>
        %exp3A_416 = math.exp %get3A_414 : vector<16xf32>
        %add3A_417 = arith.addf %add3A_411, %exp3A_416 : vector<16xf32>
        %get3A_418 = arith.index_cast %scan3A_94 : i32 to index
        %get3A_419 = arith.constant 848 : index
        %get3A_420 = tpu.vector_load %arg7[%get3A_418, %get3A_419] {strides = array<i32>} : memref<32x1000xf32, #tpu.memory_space<vmem>>, vector<16xf32>,
        %max3A_421 = arith.maximumf %max3A_415, %get3A_420 : vector<16xf32>
        %exp3A_422 = math.exp %get3A_420 : vector<16xf32>
        %add3A_423 = arith.addf %add3A_417, %exp3A_422 : vector<16xf32>
        %get3A_424 = arith.index_cast %scan3A_94 : i32 to index
        %get3A_425 = arith.constant 864 : index
        %get3A_426 = tpu.vector_load %arg7[%get3A_424, %get3A_425] {strides = array<i32>} : memref<32x1000xf32, #tpu.memory_space<vmem>>, vector<16xf32>,
        %max3A_427 = arith.maximumf %max3A_421, %get3A_426 : vector<16xf32>
        %exp3A_428 = math.exp %get3A_426 : vector<16xf32>
        %add3A_429 = arith.addf %add3A_423, %exp3A_428 : vector<16xf32>
        %get3A_430 = arith.index_cast %scan3A_94 : i32 to index
        %get3A_431 = arith.constant 880 : index
        %get3A_432 = tpu.vector_load %arg7[%get3A_430, %get3A_431] {strides = array<i32>} : memref<32x1000xf32, #tpu.memory_space<vmem>>, vector<16xf32>,
        %max3A_433 = arith.maximumf %max3A_427, %get3A_432 : vector<16xf32>
        %exp3A_434 = math.exp %get3A_432 : vector<16xf32>
        %add3A_435 = arith.addf %add3A_429, %exp3A_434 : vector<16xf32>
        %get3A_436 = arith.index_cast %scan3A_94 : i32 to index
        %get3A_437 = arith.constant 896 : index
        %get3A_438 = tpu.vector_load %arg7[%get3A_436, %get3A_437] {strides = array<i32>} : memref<32x1000xf32, #tpu.memory_space<vmem>>, vector<16xf32>,
        %max3A_439 = arith.maximumf %max3A_433, %get3A_438 : vector<16xf32>
        %exp3A_440 = math.exp %get3A_438 : vector<16xf32>
        %add3A_441 = arith.addf %add3A_435, %exp3A_440 : vector<16xf32>
        %get3A_442 = arith.index_cast %scan3A_94 : i32 to index
        %get3A_443 = arith.constant 912 : index
        %get3A_444 = tpu.vector_load %arg7[%get3A_442, %get3A_443] {strides = array<i32>} : memref<32x1000xf32, #tpu.memory_space<vmem>>, vector<16xf32>,
        %max3A_445 = arith.maximumf %max3A_439, %get3A_444 : vector<16xf32>
        %exp3A_446 = math.exp %get3A_444 : vector<16xf32>
        %add3A_447 = arith.addf %add3A_441, %exp3A_446 : vector<16xf32>
        %get3A_448 = arith.index_cast %scan3A_94 : i32 to index
        %get3A_449 = arith.constant 928 : index
        %get3A_450 = tpu.vector_load %arg7[%get3A_448, %get3A_449] {strides = array<i32>} : memref<32x1000xf32, #tpu.memory_space<vmem>>, vector<16xf32>,
        %max3A_451 = arith.maximumf %max3A_445, %get3A_450 : vector<16xf32>
        %exp3A_452 = math.exp %get3A_450 : vector<16xf32>
        %add3A_453 = arith.addf %add3A_447, %exp3A_452 : vector<16xf32>
        %get3A_454 = arith.index_cast %scan3A_94 : i32 to index
        %get3A_455 = arith.constant 944 : index
        %get3A_456 = tpu.vector_load %arg7[%get3A_454, %get3A_455] {strides = array<i32>} : memref<32x1000xf32, #tpu.memory_space<vmem>>, vector<16xf32>,
        %max3A_457 = arith.maximumf %max3A_451, %get3A_456 : vector<16xf32>
        %exp3A_458 = math.exp %get3A_456 : vector<16xf32>
        %add3A_459 = arith.addf %add3A_453, %exp3A_458 : vector<16xf32>
        %get3A_460 = arith.index_cast %scan3A_94 : i32 to index
        %get3A_461 = arith.constant 960 : index
        %get3A_462 = tpu.vector_load %arg7[%get3A_460, %get3A_461] {strides = array<i32>} : memref<32x1000xf32, #tpu.memory_space<vmem>>, vector<16xf32>,
        %max3A_463 = arith.maximumf %max3A_457, %get3A_462 : vector<16xf32>
        %exp3A_464 = math.exp %get3A_462 : vector<16xf32>
        %add3A_465 = arith.addf %add3A_459, %exp3A_464 : vector<16xf32>
        %get3A_466 = arith.index_cast %scan3A_94 : i32 to index
        %get3A_467 = arith.constant 976 : index
        %get3A_468 = tpu.vector_load %arg7[%get3A_466, %get3A_467] {strides = array<i32>} : memref<32x1000xf32, #tpu.memory_space<vmem>>, vector<16xf32>,
        %max3A_469 = arith.maximumf %max3A_463, %get3A_468 : vector<16xf32>
        %exp3A_470 = math.exp %get3A_468 : vector<16xf32>
        %add3A_471 = arith.addf %add3A_465, %exp3A_470 : vector<16xf32>
        %get3A_472 = arith.index_cast %scan3A_94 : i32 to index
        %get3A_473 = arith.constant 984 : index
        %get3A_474 = tpu.vector_load %arg7[%get3A_472, %get3A_473] {strides = array<i32>} : memref<32x1000xf32, #tpu.memory_space<vmem>>, vector<16xf32>,
        %ge3A = arith.constant 8 : i32
        %ge3A_475 = vector.broadcast %ge3A : i32 to vector<16xi32>
        %ge3A_476 = arith.cmpi sge, %iota3A, %ge3A_475 : vector<16xi32>
        %jit3A = arith.constant -1.000000e+30 : f32
        %broadcast_in_dim3A_477 = vector.broadcast %jit3A : f32 to vector<16xf32>
        %select_n3A = arith.select %ge3A_476, %get3A_474, %broadcast_in_dim3A_477 : vector<16xi1>, vector<16xf32>
        %max3A_478 = arith.maximumf %max3A_469, %select_n3A : vector<16xf32>
        %exp3A_479 = math.exp %get3A_474 : vector<16xf32>
        %jit3A_480 = arith.constant 0.000000e+00 : f32
        %broadcast_in_dim3A_481 = vector.broadcast %jit3A_480 : f32 to vector<16xf32>
        %select_n3A_482 = arith.select %ge3A_476, %exp3A_479, %broadcast_in_dim3A_481 : vector<16xi1>, vector<16xf32>
        %add3A_483 = arith.addf %add3A_471, %select_n3A_482 : vector<16xf32>
        %swap3A_484 = arith.constant 0 : index
        %swap3A_485 = tpu.vector_load %arg12[%swap3A_484] {strides = array<i32>} : memref<16xf32, #tpu.memory_space<vmem>>, vector<16xf32>,
        tpu.vector_store %arg12[%swap3A_484], %max3A_478 {strides = array<i32>} : memref<16xf32, #tpu.memory_space<vmem>>, vector<16xf32>,
        %xor3A = arith.constant 8 : i32
        %xor3A_486 = vector.broadcast %xor3A : i32 to vector<16xi32>
        %xor3A_487 = arith.xori %iota3A, %xor3A_486 : vector<16xi32>
        %gather3A = tpu.vector_load_idx %arg12[%xor3A_487] : memref<16xf32, #tpu.memory_space<vmem>>[vector<16xi32>], vector<16xf32>,
        %max3A_488 = arith.maximumf %max3A_478, %gather3A : vector<16xf32>
        %swap3A_489 = arith.constant 0 : index
        %swap3A_490 = tpu.vector_load %arg12[%swap3A_489] {strides = array<i32>} : memref<16xf32, #tpu.memory_space<vmem>>, vector<16xf32>,
        tpu.vector_store %arg12[%swap3A_489], %max3A_488 {strides = array<i32>} : memref<16xf32, #tpu.memory_space<vmem>>, vector<16xf32>,
        %xor3A_491 = arith.constant 4 : i32
        %xor3A_492 = vector.broadcast %xor3A_491 : i32 to vector<16xi32>
        %xor3A_493 = arith.xori %iota3A, %xor3A_492 : vector<16xi32>
        %gather3A_494 = tpu.vector_load_idx %arg12[%xor3A_493] : memref<16xf32, #tpu.memory_space<vmem>>[vector<16xi32>], vector<16xf32>,
        %max3A_495 = arith.maximumf %max3A_488, %gather3A_494 : vector<16xf32>
        %swap3A_496 = arith.constant 0 : index
        %swap3A_497 = tpu.vector_load %arg12[%swap3A_496] {strides = array<i32>} : memref<16xf32, #tpu.memory_space<vmem>>, vector<16xf32>,
        tpu.vector_store %arg12[%swap3A_496], %max3A_495 {strides = array<i32>} : memref<16xf32, #tpu.memory_space<vmem>>, vector<16xf32>,
        %xor3A_498 = arith.constant 2 : i32
        %xor3A_499 = vector.broadcast %xor3A_498 : i32 to vector<16xi32>
        %xor3A_500 = arith.xori %iota3A, %xor3A_499 : vector<16xi32>
        %gather3A_501 = tpu.vector_load_idx %arg12[%xor3A_500] : memref<16xf32, #tpu.memory_space<vmem>>[vector<16xi32>], vector<16xf32>,
        %max3A_502 = arith.maximumf %max3A_495, %gather3A_501 : vector<16xf32>
        %swap3A_503 = arith.constant 0 : index
        %swap3A_504 = tpu.vector_load %arg12[%swap3A_503] {strides = array<i32>} : memref<16xf32, #tpu.memory_space<vmem>>, vector<16xf32>,
        tpu.vector_store %arg12[%swap3A_503], %max3A_502 {strides = array<i32>} : memref<16xf32, #tpu.memory_space<vmem>>, vector<16xf32>,
        %xor3A_505 = arith.constant 1 : i32
        %xor3A_506 = vector.broadcast %xor3A_505 : i32 to vector<16xi32>
        %xor3A_507 = arith.xori %iota3A, %xor3A_506 : vector<16xi32>
        %gather3A_508 = tpu.vector_load_idx %arg12[%xor3A_507] : memref<16xf32, #tpu.memory_space<vmem>>[vector<16xi32>], vector<16xf32>,
        %max3A_509 = arith.maximumf %max3A_502, %gather3A_508 : vector<16xf32>
        %swap3A_510 = arith.constant 0 : index
        %swap3A_511 = tpu.vector_load %arg12[%swap3A_510] {strides = array<i32>} : memref<16xf32, #tpu.memory_space<vmem>>, vector<16xf32>,
        tpu.vector_store %arg12[%swap3A_510], %add3A_483 {strides = array<i32>} : memref<16xf32, #tpu.memory_space<vmem>>, vector<16xf32>,
        %xor3A_512 = arith.constant 8 : i32
        %xor3A_513 = vector.broadcast %xor3A_512 : i32 to vector<16xi32>
        %xor3A_514 = arith.xori %iota3A, %xor3A_513 : vector<16xi32>
        %gather3A_515 = tpu.vector_load_idx %arg12[%xor3A_514] : memref<16xf32, #tpu.memory_space<vmem>>[vector<16xi32>], vector<16xf32>,
        %add3A_516 = arith.addf %add3A_483, %gather3A_515 : vector<16xf32>
        %swap3A_517 = arith.constant 0 : index
        %swap3A_518 = tpu.vector_load %arg12[%swap3A_517] {strides = array<i32>} : memref<16xf32, #tpu.memory_space<vmem>>, vector<16xf32>,
        tpu.vector_store %arg12[%swap3A_517], %add3A_516 {strides = array<i32>} : memref<16xf32, #tpu.memory_space<vmem>>, vector<16xf32>,
        %xor3A_519 = arith.constant 4 : i32
        %xor3A_520 = vector.broadcast %xor3A_519 : i32 to vector<16xi32>
        %xor3A_521 = arith.xori %iota3A, %xor3A_520 : vector<16xi32>
        %gather3A_522 = tpu.vector_load_idx %arg12[%xor3A_521] : memref<16xf32, #tpu.memory_space<vmem>>[vector<16xi32>], vector<16xf32>,
        %add3A_523 = arith.addf %add3A_516, %gather3A_522 : vector<16xf32>
        %swap3A_524 = arith.constant 0 : index
        %swap3A_525 = tpu.vector_load %arg12[%swap3A_524] {strides = array<i32>} : memref<16xf32, #tpu.memory_space<vmem>>, vector<16xf32>,
        tpu.vector_store %arg12[%swap3A_524], %add3A_523 {strides = array<i32>} : memref<16xf32, #tpu.memory_space<vmem>>, vector<16xf32>,
        %xor3A_526 = arith.constant 2 : i32
        %xor3A_527 = vector.broadcast %xor3A_526 : i32 to vector<16xi32>
        %xor3A_528 = arith.xori %iota3A, %xor3A_527 : vector<16xi32>
        %gather3A_529 = tpu.vector_load_idx %arg12[%xor3A_528] : memref<16xf32, #tpu.memory_space<vmem>>[vector<16xi32>], vector<16xf32>,
        %add3A_530 = arith.addf %add3A_523, %gather3A_529 : vector<16xf32>
        %swap3A_531 = arith.constant 0 : index
        %swap3A_532 = tpu.vector_load %arg12[%swap3A_531] {strides = array<i32>} : memref<16xf32, #tpu.memory_space<vmem>>, vector<16xf32>,
        tpu.vector_store %arg12[%swap3A_531], %add3A_530 {strides = array<i32>} : memref<16xf32, #tpu.memory_space<vmem>>, vector<16xf32>,
        %xor3A_533 = arith.constant 1 : i32
        %xor3A_534 = vector.broadcast %xor3A_533 : i32 to vector<16xi32>
        %xor3A_535 = arith.xori %iota3A, %xor3A_534 : vector<16xi32>
        %gather3A_536 = tpu.vector_load_idx %arg12[%xor3A_535] : memref<16xf32, #tpu.memory_space<vmem>>[vector<16xi32>], vector<16xf32>,
        %add3A_537 = arith.addf %add3A_530, %gather3A_536 : vector<16xf32>
        %exp3A_538 = math.exp %max3A_509 : vector<16xf32>
        %div3A = arith.divf %exp3A_538, %add3A_537 : vector<16xf32>
        %broadcast_in_dim3A_539 = vector.broadcast %scan3A_94 : i32 to vector<16xi32>
        %gather3A_540 = tpu.vector_load_idx %arg9[%broadcast_in_dim3A_539] : memref<32xi32, #tpu.memory_space<vmem>>[vector<16xi32>], vector<16xi32>,
        %gather3A_541 = tpu.vector_load_idx %arg7[%broadcast_in_dim3A_539, %gather3A_540] : memref<32x1000xf32, #tpu.memory_space<vmem>>[vector<16xi32>, vector<16xi32>], vector<16xf32>,
        %eq3A = arith.cmpf oeq, %gather3A_541, %max3A_509 : vector<16xf32>
        %jit3A_542 = arith.constant 1.000000e+00 : f32
        %jit3A_543 = arith.constant 0.000000e+00 : f32
        %broadcast_in_dim3A_544 = vector.broadcast %jit3A_542 : f32 to vector<16xf32>
        %broadcast_in_dim3A_545 = vector.broadcast %jit3A_543 : f32 to vector<16xf32>
        %select_n3A_546 = arith.select %eq3A, %broadcast_in_dim3A_544, %broadcast_in_dim3A_545 : vector<16xi1>, vector<16xf32>
        %gt3A = arith.cmpf ogt, %div3A, %get3A_5 : vector<16xf32>
        %le3A = arith.cmpf ole, %div3A, %get3A_9 : vector<16xf32>
        %and3A = arith.andi %gt3A, %le3A : vector<16xi1>
        %jit3A_547 = arith.constant 1.000000e+00 : f32
        %jit3A_548 = arith.constant 0.000000e+00 : f32
        %broadcast_in_dim3A_549 = vector.broadcast %jit3A_547 : f32 to vector<16xf32>
        %broadcast_in_dim3A_550 = vector.broadcast %jit3A_548 : f32 to vector<16xf32>
        %select_n3A_551 = arith.select %and3A, %broadcast_in_dim3A_549, %broadcast_in_dim3A_550 : vector<16xi1>, vector<16xf32>
        %add3A_552 = arith.addf %scan3A_95, %select_n3A_551 : vector<16xf32>
        %mul3A_553 = arith.mulf %select_n3A_551, %div3A : vector<16xf32>
        %add3A_554 = arith.addf %scan3A_96, %mul3A_553 : vector<16xf32>
        %mul3A_555 = arith.mulf %select_n3A_551, %select_n3A_546 : vector<16xf32>
        %add3A_556 = arith.addf %scan3A_97, %mul3A_555 : vector<16xf32>
        scf.yield %add3A_552, %add3A_554, %add3A_556 : vector<16xf32>, vector<16xf32>, vector<16xf32>
      }
      %scan3A_93 = arith.constant 32 : i32
      scf.yield %scan3A_92#0, %scan3A_92#1, %scan3A_92#2 : vector<16xf32>, vector<16xf32>, vector<16xf32>
    }
    %scan3A_24 = arith.constant 4 : i32
    %swap3A = arith.constant 0 : i32
    %swap3A_25 = arith.index_cast %swap3A : i32 to index
    %swap3A_26 = arith.constant 0 : index
    %swap3A_27 = tpu.vector_load %arg11[%swap3A_25, %swap3A_26] {strides = array<i32>} : memref<3x16xf32, #tpu.memory_space<vmem>>, vector<16xf32>,
    tpu.vector_store %arg11[%swap3A_25, %swap3A_26], %scan3A_23#0 {strides = array<i32>} : memref<3x16xf32, #tpu.memory_space<vmem>>, vector<16xf32>,
    %swap3A_28 = arith.constant 1 : i32
    %swap3A_29 = arith.index_cast %swap3A_28 : i32 to index
    %swap3A_30 = arith.constant 0 : index
    %swap3A_31 = tpu.vector_load %arg11[%swap3A_29, %swap3A_30] {strides = array<i32>} : memref<3x16xf32, #tpu.memory_space<vmem>>, vector<16xf32>,
    tpu.vector_store %arg11[%swap3A_29, %swap3A_30], %scan3A_23#1 {strides = array<i32>} : memref<3x16xf32, #tpu.memory_space<vmem>>, vector<16xf32>,
    %swap3A_32 = arith.constant 2 : i32
    %swap3A_33 = arith.index_cast %swap3A_32 : i32 to index
    %swap3A_34 = arith.constant 0 : index
    %swap3A_35 = tpu.vector_load %arg11[%swap3A_33, %swap3A_34] {strides = array<i32>} : memref<3x16xf32, #tpu.memory_space<vmem>>, vector<16xf32>,
    tpu.vector_store %arg11[%swap3A_33, %swap3A_34], %scan3A_23#2 {strides = array<i32>} : memref<3x16xf32, #tpu.memory_space<vmem>>, vector<16xf32>,
    "tpu.region"() ({
      %run_scoped3A = tpu.sem_alloc : memref<!tpu.dma_semaphore, #tpu.memory_space<semaphore_mem>>
      %dma_start3A_36 = arith.constant 0 : i32
      %dma_start3A_37 = arith.constant 0 : i32
      %dma_start3A_38 = tpu.memref_slice %arg5[%add3A, %dma_start3A_36, %dma_start3A_37] : memref<32x3x16xf32, #tpu.memory_space<hbm>> -> memref<1x3x16xf32, #tpu.memory_space<hbm>>
      %dma_start3A_39 = tpu.memref_squeeze %dma_start3A_38 : memref<1x3x16xf32, #tpu.memory_space<hbm>> -> memref<3x16xf32, #tpu.memory_space<hbm>>
      %dma_start3A_40 = arith.constant 0 : i32
      %dma_start3A_41 = arith.constant 0 : i32
      %dma_start3A_42 = tpu.memref_slice %arg5[%add3A, %dma_start3A_40, %dma_start3A_41] : memref<32x3x16xf32, #tpu.memory_space<hbm>> -> memref<1x3x16xf32, #tpu.memory_space<hbm>>
      %dma_start3A_43 = tpu.memref_squeeze %dma_start3A_42 : memref<1x3x16xf32, #tpu.memory_space<hbm>> -> memref<3x16xf32, #tpu.memory_space<hbm>>
      tpu.enqueue_dma source(%arg11 : memref<3x16xf32, #tpu.memory_space<vmem>>) target(%dma_start3A_43 : memref<3x16xf32, #tpu.memory_space<hbm>>) target_semaphore(%run_scoped3A : memref<!tpu.dma_semaphore, #tpu.memory_space<semaphore_mem>>)
      %dma_wait3A = arith.constant 0 : i32
      %dma_wait3A_44 = arith.constant 0 : i32
      %dma_wait3A_45 = tpu.memref_slice %arg5[%add3A, %dma_wait3A, %dma_wait3A_44] : memref<32x3x16xf32, #tpu.memory_space<hbm>> -> memref<1x3x16xf32, #tpu.memory_space<hbm>>
      %dma_wait3A_46 = tpu.memref_squeeze %dma_wait3A_45 : memref<1x3x16xf32, #tpu.memory_space<hbm>> -> memref<3x16xf32, #tpu.memory_space<hbm>>
      %dma_wait3A_47 = arith.constant 0 : i32
      %dma_wait3A_48 = arith.constant 0 : i32
      %dma_wait3A_49 = tpu.memref_slice %arg5[%add3A, %dma_wait3A_47, %dma_wait3A_48] : memref<32x3x16xf32, #tpu.memory_space<hbm>> -> memref<1x3x16xf32, #tpu.memory_space<hbm>>
      %dma_wait3A_50 = tpu.memref_squeeze %dma_wait3A_49 : memref<1x3x16xf32, #tpu.memory_space<hbm>> -> memref<3x16xf32, #tpu.memory_space<hbm>>
      tpu.wait_dma2 semaphore(%run_scoped3A : memref<!tpu.dma_semaphore, #tpu.memory_space<semaphore_mem>>) src(%arg11 : memref<3x16xf32, #tpu.memory_space<vmem>>) dst(%dma_wait3A_50 : memref<3x16xf32, #tpu.memory_space<hbm>>)
      tpu.yield
    }) : () -> ()
    return
  }
}

module attributes {stable_mosaic.version = 14 : i64} {
  func.func @_tc_main(%arg0: i32, %arg1: memref<1024x1000xf32, #tpu.memory_space<vmem>>, %arg2: memref<1x1024x1xi32, #tpu.memory_space<vmem>>, %arg3: memref<1x16xf32, #tpu.memory_space<vmem>>, %arg4: memref<1x16xf32, #tpu.memory_space<vmem>>, %arg5: memref<8x16xf32, #tpu.memory_space<vmem>>, %arg6: memref<1024x16xf32, #tpu.memory_space<vmem>>, %arg7: memref<1024x16xf32, #tpu.memory_space<vmem>>, %arg8: memref<1024x16xf32, #tpu.memory_space<vmem>>) attributes {dimension_semantics = [#tpu.dimension_semantics<arbitrary>], iteration_bounds = array<i64: 8>, scalar_prefetch = 0 : i64, scratch_operands = 3 : i64, tpu.core_type = #tpu.core_type<tc>, window_params = [{transform_indices = @transform_0, window_bounds = array<i64: 1024, 1000>}, {transform_indices = @transform_1, window_bounds = array<i64: 1, 1024, 1>}, {pipeline_mode = #tpu.pipeline_mode<synchronous>, transform_indices = @transform_2, window_bounds = array<i64: 1, 16>}, {pipeline_mode = #tpu.pipeline_mode<synchronous>, transform_indices = @transform_3, window_bounds = array<i64: 1, 16>}, {pipeline_mode = #tpu.pipeline_mode<synchronous>, transform_indices = @transform_4, window_bounds = array<i64: 8, 16>}]} {
    %get3A = arith.constant 0 : index
    %get3A_0 = arith.constant 0 : index
    %get3A_1 = vector.load %arg1[%get3A, %get3A_0] : memref<1024x1000xf32, #tpu.memory_space<vmem>>, vector<1024x1000xf32>
    %reduce_max3A = arith.constant dense<0xFF800000> : vector<1024xf32>
    %reduce_max3A_2 = vector.multi_reduction <maximumf>, %get3A_1, %reduce_max3A [1] : vector<1024x1000xf32> to vector<1024xf32>
    %broadcast_in_dim3A = vector.shape_cast %reduce_max3A_2 : vector<1024xf32> to vector<1024x1xf32>
    %sub3A = vector.broadcast %broadcast_in_dim3A : vector<1024x1xf32> to vector<1024x1000xf32>
    %sub3A_3 = arith.subf %get3A_1, %sub3A : vector<1024x1000xf32>
    %exp3A = math.exp %sub3A_3 : vector<1024x1000xf32>
    %reduce_sum3A = arith.constant dense<0.000000e+00> : vector<1024xf32>
    %reduce_sum3A_4 = vector.multi_reduction <add>, %exp3A, %reduce_sum3A [1] : vector<1024x1000xf32> to vector<1024xf32>
    %broadcast_in_dim3A_5 = vector.shape_cast %reduce_sum3A_4 : vector<1024xf32> to vector<1024x1xf32>
    %div3A = arith.constant 1.000000e+00 : f32
    %div3A_6 = vector.broadcast %div3A : f32 to vector<1024x1xf32>
    %div3A_7 = arith.divf %div3A_6, %broadcast_in_dim3A_5 : vector<1024x1xf32>
    %iota3A = tpu.iota {dimensions = array<i32: 1>} : vector<1024x1000xi32>
    %eq3A = vector.broadcast %broadcast_in_dim3A : vector<1024x1xf32> to vector<1024x1000xf32>
    %eq3A_8 = arith.cmpf oeq, %get3A_1, %eq3A : vector<1024x1000xf32>
    %jit3A = arith.constant 1000 : i32
    %broadcast_in_dim3A_9 = vector.broadcast %jit3A : i32 to vector<1024x1000xi32>
    %select_n3A = arith.select %eq3A_8, %iota3A, %broadcast_in_dim3A_9 : vector<1024x1000xi1>, vector<1024x1000xi32>
    %reduce_min3A = arith.constant dense<2147483647> : vector<1024xi32>
    %reduce_min3A_10 = vector.multi_reduction <minsi>, %select_n3A, %reduce_min3A [1] : vector<1024x1000xi32> to vector<1024xi32>
    %broadcast_in_dim3A_11 = vector.shape_cast %reduce_min3A_10 : vector<1024xi32> to vector<1024x1xi32>
    %get3A_12 = arith.constant 0 : index
    %get3A_13 = arith.constant 0 : index
    %get3A_14 = arith.constant 0 : index
    %get3A_15 = vector.load %arg2[%get3A_12, %get3A_13, %get3A_14] : memref<1x1024x1xi32, #tpu.memory_space<vmem>>, vector<1x1024x1xi32>
    %get3A_16 = vector.shape_cast %get3A_15 : vector<1x1024x1xi32> to vector<1024x1xi32>
    %eq3A_17 = arith.cmpi eq, %broadcast_in_dim3A_11, %get3A_16 : vector<1024x1xi32>
    %convert_element_type3A = arith.extui %eq3A_17 : vector<1024x1xi1> to vector<1024x1xi32>
    %convert_element_type3A_18 = arith.sitofp %convert_element_type3A : vector<1024x1xi32> to vector<1024x1xf32>
    %get3A_19 = arith.constant 0 : index
    %get3A_20 = arith.constant 0 : index
    %get3A_21 = vector.load %arg3[%get3A_19, %get3A_20] : memref<1x16xf32, #tpu.memory_space<vmem>>, vector<1x16xf32>
    %gt3A = vector.broadcast %div3A_7 : vector<1024x1xf32> to vector<1024x16xf32>
    %gt3A_22 = vector.broadcast %get3A_21 : vector<1x16xf32> to vector<1024x16xf32>
    %gt3A_23 = arith.cmpf ogt, %gt3A, %gt3A_22 : vector<1024x16xf32>
    %get3A_24 = arith.constant 0 : index
    %get3A_25 = arith.constant 0 : index
    %get3A_26 = vector.load %arg4[%get3A_24, %get3A_25] : memref<1x16xf32, #tpu.memory_space<vmem>>, vector<1x16xf32>
    %le3A = vector.broadcast %div3A_7 : vector<1024x1xf32> to vector<1024x16xf32>
    %le3A_27 = vector.broadcast %get3A_26 : vector<1x16xf32> to vector<1024x16xf32>
    %le3A_28 = arith.cmpf ole, %le3A, %le3A_27 : vector<1024x16xf32>
    %and3A = arith.andi %gt3A_23, %le3A_28 : vector<1024x16xi1>
    %convert_element_type3A_29 = arith.extui %and3A : vector<1024x16xi1> to vector<1024x16xi32>
    %convert_element_type3A_30 = arith.sitofp %convert_element_type3A_29 : vector<1024x16xi32> to vector<1024x16xf32>
    %eq3A_31 = arith.constant 0 : i32
    %eq3A_32 = arith.cmpi eq, %arg0, %eq3A_31 : i32
    %convert_element_type3A_33 = arith.extui %eq3A_32 : i1 to i32
    %cond3A = arith.constant 0 : i32
    %cond3A_34 = arith.cmpi ne, %convert_element_type3A_33, %cond3A : i32
    scf.if %cond3A_34 {
      %broadcast_in_dim3A_62 = arith.constant 0.000000e+00 : f32
      %broadcast_in_dim3A_63 = vector.broadcast %broadcast_in_dim3A_62 : f32 to vector<1024x16xf32>
      %swap3A_64 = arith.constant 0 : index
      %swap3A_65 = arith.constant 0 : index
      %swap3A_66 = vector.load %arg6[%swap3A_64, %swap3A_65] : memref<1024x16xf32, #tpu.memory_space<vmem>>, vector<1024x16xf32>
      tpu.vector_store %arg6[%swap3A_64, %swap3A_65], %broadcast_in_dim3A_63 {strides = array<i32>} : memref<1024x16xf32, #tpu.memory_space<vmem>>, vector<1024x16xf32>,
      %broadcast_in_dim3A_67 = arith.constant 0.000000e+00 : f32
      %broadcast_in_dim3A_68 = vector.broadcast %broadcast_in_dim3A_67 : f32 to vector<1024x16xf32>
      %swap3A_69 = arith.constant 0 : index
      %swap3A_70 = arith.constant 0 : index
      %swap3A_71 = vector.load %arg7[%swap3A_69, %swap3A_70] : memref<1024x16xf32, #tpu.memory_space<vmem>>, vector<1024x16xf32>
      tpu.vector_store %arg7[%swap3A_69, %swap3A_70], %broadcast_in_dim3A_68 {strides = array<i32>} : memref<1024x16xf32, #tpu.memory_space<vmem>>, vector<1024x16xf32>,
      %broadcast_in_dim3A_72 = arith.constant 0.000000e+00 : f32
      %broadcast_in_dim3A_73 = vector.broadcast %broadcast_in_dim3A_72 : f32 to vector<1024x16xf32>
      %swap3A_74 = arith.constant 0 : index
      %swap3A_75 = arith.constant 0 : index
      %swap3A_76 = vector.load %arg8[%swap3A_74, %swap3A_75] : memref<1024x16xf32, #tpu.memory_space<vmem>>, vector<1024x16xf32>
      tpu.vector_store %arg8[%swap3A_74, %swap3A_75], %broadcast_in_dim3A_73 {strides = array<i32>} : memref<1024x16xf32, #tpu.memory_space<vmem>>, vector<1024x16xf32>,
    } else {
    }
    %get3A_35 = arith.constant 0 : index
    %get3A_36 = arith.constant 0 : index
    %get3A_37 = vector.load %arg6[%get3A_35, %get3A_36] : memref<1024x16xf32, #tpu.memory_space<vmem>>, vector<1024x16xf32>
    %add3A = arith.addf %get3A_37, %convert_element_type3A_30 : vector<1024x16xf32>
    %swap3A = arith.constant 0 : index
    %swap3A_38 = arith.constant 0 : index
    %swap3A_39 = vector.load %arg6[%swap3A, %swap3A_38] : memref<1024x16xf32, #tpu.memory_space<vmem>>, vector<1024x16xf32>
    tpu.vector_store %arg6[%swap3A, %swap3A_38], %add3A {strides = array<i32>} : memref<1024x16xf32, #tpu.memory_space<vmem>>, vector<1024x16xf32>,
    %get3A_40 = arith.constant 0 : index
    %get3A_41 = arith.constant 0 : index
    %get3A_42 = vector.load %arg7[%get3A_40, %get3A_41] : memref<1024x16xf32, #tpu.memory_space<vmem>>, vector<1024x16xf32>
    %mul3A = vector.broadcast %div3A_7 : vector<1024x1xf32> to vector<1024x16xf32>
    %mul3A_43 = arith.mulf %convert_element_type3A_30, %mul3A : vector<1024x16xf32>
    %add3A_44 = arith.addf %get3A_42, %mul3A_43 : vector<1024x16xf32>
    %swap3A_45 = arith.constant 0 : index
    %swap3A_46 = arith.constant 0 : index
    %swap3A_47 = vector.load %arg7[%swap3A_45, %swap3A_46] : memref<1024x16xf32, #tpu.memory_space<vmem>>, vector<1024x16xf32>
    tpu.vector_store %arg7[%swap3A_45, %swap3A_46], %add3A_44 {strides = array<i32>} : memref<1024x16xf32, #tpu.memory_space<vmem>>, vector<1024x16xf32>,
    %get3A_48 = arith.constant 0 : index
    %get3A_49 = arith.constant 0 : index
    %get3A_50 = vector.load %arg8[%get3A_48, %get3A_49] : memref<1024x16xf32, #tpu.memory_space<vmem>>, vector<1024x16xf32>
    %mul3A_51 = vector.broadcast %convert_element_type3A_18 : vector<1024x1xf32> to vector<1024x16xf32>
    %mul3A_52 = arith.mulf %convert_element_type3A_30, %mul3A_51 : vector<1024x16xf32>
    %add3A_53 = arith.addf %get3A_50, %mul3A_52 : vector<1024x16xf32>
    %swap3A_54 = arith.constant 0 : index
    %swap3A_55 = arith.constant 0 : index
    %swap3A_56 = vector.load %arg8[%swap3A_54, %swap3A_55] : memref<1024x16xf32, #tpu.memory_space<vmem>>, vector<1024x16xf32>
    tpu.vector_store %arg8[%swap3A_54, %swap3A_55], %add3A_53 {strides = array<i32>} : memref<1024x16xf32, #tpu.memory_space<vmem>>, vector<1024x16xf32>,
    %eq3A_57 = arith.constant 7 : i32
    %eq3A_58 = arith.cmpi eq, %arg0, %eq3A_57 : i32
    %convert_element_type3A_59 = arith.extui %eq3A_58 : i1 to i32
    %cond3A_60 = arith.constant 0 : i32
    %cond3A_61 = arith.cmpi ne, %convert_element_type3A_59, %cond3A_60 : i32
    scf.if %cond3A_61 {
      %get3A_62 = arith.constant 0 : index
      %get3A_63 = arith.constant 0 : index
      %get3A_64 = vector.load %arg6[%get3A_62, %get3A_63] : memref<1024x16xf32, #tpu.memory_space<vmem>>, vector<1024x16xf32>
      %reduce_sum3A_65 = arith.constant dense<0.000000e+00> : vector<16xf32>
      %reduce_sum3A_66 = vector.multi_reduction <add>, %get3A_64, %reduce_sum3A_65 [0] : vector<1024x16xf32> to vector<16xf32>
      %broadcast_in_dim3A_67 = vector.shape_cast %reduce_sum3A_66 : vector<16xf32> to vector<1x16xf32>
      %get3A_68 = arith.constant 0 : index
      %get3A_69 = arith.constant 0 : index
      %get3A_70 = vector.load %arg7[%get3A_68, %get3A_69] : memref<1024x16xf32, #tpu.memory_space<vmem>>, vector<1024x16xf32>
      %reduce_sum3A_71 = arith.constant dense<0.000000e+00> : vector<16xf32>
      %reduce_sum3A_72 = vector.multi_reduction <add>, %get3A_70, %reduce_sum3A_71 [0] : vector<1024x16xf32> to vector<16xf32>
      %broadcast_in_dim3A_73 = vector.shape_cast %reduce_sum3A_72 : vector<16xf32> to vector<1x16xf32>
      %get3A_74 = arith.constant 0 : index
      %get3A_75 = arith.constant 0 : index
      %get3A_76 = vector.load %arg8[%get3A_74, %get3A_75] : memref<1024x16xf32, #tpu.memory_space<vmem>>, vector<1024x16xf32>
      %reduce_sum3A_77 = arith.constant dense<0.000000e+00> : vector<16xf32>
      %reduce_sum3A_78 = vector.multi_reduction <add>, %get3A_76, %reduce_sum3A_77 [0] : vector<1024x16xf32> to vector<16xf32>
      %broadcast_in_dim3A_79 = vector.shape_cast %reduce_sum3A_78 : vector<16xf32> to vector<1x16xf32>
      %broadcast_in_dim3A_80 = arith.constant 0.000000e+00 : f32
      %broadcast_in_dim3A_81 = vector.broadcast %broadcast_in_dim3A_80 : f32 to vector<5x16xf32>
      %concatenate3A = tpu.concatenate %broadcast_in_dim3A_67, %broadcast_in_dim3A_73, %broadcast_in_dim3A_79, %broadcast_in_dim3A_81 in 0 : vector<1x16xf32>, vector<1x16xf32>, vector<1x16xf32>, vector<5x16xf32> -> vector<8x16xf32>
      %swap3A_82 = arith.constant 0 : index
      %swap3A_83 = arith.constant 0 : index
      %swap3A_84 = vector.load %arg5[%swap3A_82, %swap3A_83] : memref<8x16xf32, #tpu.memory_space<vmem>>, vector<8x16xf32>
      tpu.vector_store %arg5[%swap3A_82, %swap3A_83], %concatenate3A {strides = array<i32>} : memref<8x16xf32, #tpu.memory_space<vmem>>, vector<8x16xf32>,
    } else {
    }
    return
  }
  func.func @transform_0(%arg0: i32) -> (i32, i32) {
    %add3A = arith.constant 8 : i32
    %add3A_0 = arith.addi %arg0, %add3A : i32
    %c0_i32 = arith.constant 0 : i32
    %c0_i32_1 = arith.constant 0 : i32
    return %add3A_0, %c0_i32 : i32, i32
  }
  func.func @transform_1(%arg0: i32) -> (i32, i32, i32) {
    %add3A = arith.constant 8 : i32
    %add3A_0 = arith.addi %arg0, %add3A : i32
    %c0_i32 = arith.constant 0 : i32
    %c0_i32_1 = arith.constant 0 : i32
    %c0_i32_2 = arith.constant 0 : i32
    return %add3A_0, %c0_i32, %c0_i32_1 : i32, i32, i32
  }
  func.func @transform_2(%arg0: i32) -> (i32, i32) {
    %c0_i32 = arith.constant 0 : i32
    %c0_i32_0 = arith.constant 0 : i32
    %c0_i32_1 = arith.constant 0 : i32
    return %c0_i32, %c0_i32_0 : i32, i32
  }
  func.func @transform_3(%arg0: i32) -> (i32, i32) {
    %c0_i32 = arith.constant 0 : i32
    %c0_i32_0 = arith.constant 0 : i32
    %c0_i32_1 = arith.constant 0 : i32
    return %c0_i32, %c0_i32_0 : i32, i32
  }
  func.func @transform_4(%arg0: i32) -> (i32, i32) {
    %c0_i32 = arith.constant 0 : i32
    %c0_i32_0 = arith.constant 0 : i32
    %c0_i32_1 = arith.constant 0 : i32
    return %c0_i32, %c0_i32_0 : i32, i32
  }
}

module attributes {stable_mosaic.version = 14 : i64} {
  func.func @_ece_combine(%arg0: memref<32x3x16xf32, #tpu.memory_space<vmem>>, %arg1: memref<8x16xf32, #tpu.memory_space<vmem>>, %arg2: memref<1x1xf32, #tpu.memory_space<smem>>) attributes {dimension_semantics = [], scalar_prefetch = 0 : i64, scratch_operands = 0 : i64, tpu.core_type = #tpu.core_type<tc>} {
    %get3A = arith.constant 0 : index
    %get3A_0 = arith.constant 0 : index
    %get3A_1 = arith.constant 0 : index
    %get3A_2 = vector.load %arg0[%get3A, %get3A_0, %get3A_1] : memref<32x3x16xf32, #tpu.memory_space<vmem>>, vector<32x3x16xf32>
    %reduce_sum3A = arith.constant dense<0.000000e+00> : vector<3x16xf32>
    %reduce_sum3A_3 = vector.multi_reduction <add>, %get3A_2, %reduce_sum3A [0] : vector<32x3x16xf32> to vector<3x16xf32>
    %get3A_4 = arith.constant 0 : index
    %get3A_5 = arith.constant 0 : index
    %get3A_6 = vector.load %arg1[%get3A_4, %get3A_5] : memref<8x16xf32, #tpu.memory_space<vmem>>, vector<8x16xf32>
    %slice3A = vector.extract_strided_slice %reduce_sum3A_3 {offsets = [0, 0], sizes = [1, 16], strides = [1, 1]} : vector<3x16xf32> to vector<1x16xf32>
    %squeeze3A = vector.shape_cast %slice3A : vector<1x16xf32> to vector<16xf32>
    %slice3A_7 = vector.extract_strided_slice %get3A_6 {offsets = [0, 0], sizes = [1, 16], strides = [1, 1]} : vector<8x16xf32> to vector<1x16xf32>
    %squeeze3A_8 = vector.shape_cast %slice3A_7 : vector<1x16xf32> to vector<16xf32>
    %add3A = arith.addf %squeeze3A, %squeeze3A_8 : vector<16xf32>
    %slice3A_9 = vector.extract_strided_slice %reduce_sum3A_3 {offsets = [1, 0], sizes = [1, 16], strides = [1, 1]} : vector<3x16xf32> to vector<1x16xf32>
    %squeeze3A_10 = vector.shape_cast %slice3A_9 : vector<1x16xf32> to vector<16xf32>
    %slice3A_11 = vector.extract_strided_slice %get3A_6 {offsets = [1, 0], sizes = [1, 16], strides = [1, 1]} : vector<8x16xf32> to vector<1x16xf32>
    %squeeze3A_12 = vector.shape_cast %slice3A_11 : vector<1x16xf32> to vector<16xf32>
    %add3A_13 = arith.addf %squeeze3A_10, %squeeze3A_12 : vector<16xf32>
    %slice3A_14 = vector.extract_strided_slice %reduce_sum3A_3 {offsets = [2, 0], sizes = [1, 16], strides = [1, 1]} : vector<3x16xf32> to vector<1x16xf32>
    %squeeze3A_15 = vector.shape_cast %slice3A_14 : vector<1x16xf32> to vector<16xf32>
    %slice3A_16 = vector.extract_strided_slice %get3A_6 {offsets = [2, 0], sizes = [1, 16], strides = [1, 1]} : vector<8x16xf32> to vector<1x16xf32>
    %squeeze3A_17 = vector.shape_cast %slice3A_16 : vector<1x16xf32> to vector<16xf32>
    %add3A_18 = arith.addf %squeeze3A_15, %squeeze3A_17 : vector<16xf32>
    %div3A = arith.constant 1.638400e+04 : f32
    %div3A_19 = vector.broadcast %div3A : f32 to vector<16xf32>
    %div3A_20 = arith.divf %add3A, %div3A_19 : vector<16xf32>
    %max3A = arith.constant 1.000000e+00 : f32
    %max3A_21 = vector.broadcast %max3A : f32 to vector<16xf32>
    %max3A_22 = arith.maximumf %add3A, %max3A_21 : vector<16xf32>
    %div3A_23 = arith.divf %add3A_13, %max3A_22 : vector<16xf32>
    %div3A_24 = arith.divf %add3A_18, %max3A_22 : vector<16xf32>
    %sub3A = arith.subf %div3A_23, %div3A_24 : vector<16xf32>
    %abs3A = math.absf %sub3A : vector<16xf32>
    %mul3A = arith.mulf %abs3A, %div3A_20 : vector<16xf32>
    %gt3A = arith.constant 0.000000e+00 : f32
    %gt3A_25 = vector.broadcast %gt3A : f32 to vector<16xf32>
    %gt3A_26 = arith.cmpf ogt, %add3A, %gt3A_25 : vector<16xf32>
    %jit3A = arith.constant 0.000000e+00 : f32
    %broadcast_in_dim3A = vector.broadcast %jit3A : f32 to vector<16xf32>
    %select_n3A = arith.select %gt3A_26, %mul3A, %broadcast_in_dim3A : vector<16xi1>, vector<16xf32>
    %reduce_sum3A_27 = vector.shape_cast %select_n3A : vector<16xf32> to vector<1x16xf32>
    %reduce_sum3A_28 = arith.constant dense<0.000000e+00> : vector<1xf32>
    %reduce_sum3A_29 = vector.multi_reduction <add>, %reduce_sum3A_27, %reduce_sum3A_28 [1] : vector<1x16xf32> to vector<1xf32>
    %reduce_sum3A_30 = vector.shape_cast %reduce_sum3A_29 : vector<1xf32> to vector<1x1xf32>
    %reduce_sum3A_31 = vector.extract %reduce_sum3A_30[0, 0] : f32 from vector<1x1xf32>
    %swap3A = arith.constant 0 : index
    %swap3A_32 = arith.constant 0 : index
    %swap3A_33 = memref.load %arg2[%swap3A, %swap3A_32] : memref<1x1xf32, #tpu.memory_space<smem>>
    memref.store %reduce_sum3A_31, %arg2[%swap3A, %swap3A_32] : memref<1x1xf32, #tpu.memory_space<smem>>
    return
  }
}

</mosaic_0001>

<sc_bundles>
// kernel: kernel.5.cloned.1.call-start
scs
__scs_entry_jumppad:
0x0: {  	(pc) =	sbr.rel $0x88, $3  }
0x1: {  	(tag) =	ssettag $0x0;
	lr =	simm.s32 $0x1  }
0x2: {  	[smem:$0x3F9F] =	sst lr;
	_ =	strace $0xD0000000  }
0x3: {  	_ = 	snop  }
0x4: {  	_ = 	snop  }
0x5: {  	_ = 	snop  }
0x6: {  	_ = 	snop  }
0x7: {  	_ = 	snop  }
__scs_overlays_trampoline_lowered:
0x8: {  	[smem:$0x3FAE] =	sst s0  }
0x9: {  	[smem:$0x3FAF] =	sst s1  }
0xa: {  	[smem:$0x3FB0] =	sst s2  }
0xb: {  	[smem:$0x3FB1] =	sst s3  }
0xc: {  	[smem:$0x3FB2] =	sst s4  }
0xd: {  	[smem:$0x3FB3] =	sst s5  }
0xe: {  	[smem:$0x3FB4] =	sst s6  }
0xf: {  	[smem:$0x3FB5] =	sst s7  }
0x10: {  	[smem:$0x3FB6] =	sst s8  }
0x11: {  	[smem:$0x3FB7] =	sst s9;
	s0 =	simm.s32 @!p0 $0x0  }
0x12: {  	s1 =	sld [smem:$0x3F9D];
	s0 =	simm.s32 @p0 $0x1  }
0x13: {  	[smem:$0x3FB8] =	sst s0;
	s0 =	simm.s32 @!p1 $0x0  }
0x14: {  	s2 =	sld [smem:$0x3F9C];
	s0 =	simm.s32 @p1 $0x1  }
0x15: {  	[smem:$0x3FB9] =	sst s0;
	s0 =	simm.s32 @!p2 $0x0  }
0x16: {  	s3 =	sld [smem:$0x3FDB];
	s0 =	simm.s32 @p2 $0x1  }
0x17: {  	s4 =	simm.s32 $0x1BF5;
	[smem:$0x3FBB] =	sst s0  }
0x18: {  	s0 =	sld [smem:$0x3F9E];
	_ =	swait.ge [sflag:s4], $0x0  }
0x19: {  	s7 =	sld [smem:$0x3F9F]  }
0x1a: {  	s8 =	sadd.s32 $0xFFFFE003, lr  }
0x1b: {  	s9 =	sadd.s32 $0xFFFFFEF7, lr;
	s5 =	simm.s32 $0xFFFFFFFF;
	p2 =	slt.u32 s8, $0xFFFFF086  }
0x1c: {  	p1 =	slt.u32 s9, $0xF7A;
	s5 =	simm.s32 @!p2 $0x0  }
0x1d: {  	s5 =	simm.s32 @p1 $0x1;
	p0 =	seq.s32 s7, s2  }
0x1e: {  	s7 =	smul.u32 @!p0 $0xF7A, s2;
	p2 =	seq.s32 @!p0 s5, $0x0  }
0x1f: {  	s9 =	smul.u32 $0xF7A, s1;
	s8 =	simm.s32 @!p0 $0x1BF5;
	p2 =	por !p2, p0  }
0x20: {  	[sflag:s8] =	ssyncset.s32 @!p0 $0xFFFFF086;
	s6 =	sadd.s32 @!p0 s3, s7;
	s7 =	simm.s32 @!p0 $0x108  }
0x21: {  	s3 =	sadd.s32 s3, s9;
	s6 =	sadd.s32 @!p0 $0x88, s6;
	s7 =	simm.s32 @p2 $0x1082  }
0x22: {  	[simem:s7], [sflag:s8] =	dma.local @!p0 [hbm:s6], $0xF7A  }
0x23: {  	s9 =	sor.u32 $0xD0000000, s2;
	s6 =	simm.s32 $0x108;
	_ =	swait.ge @!p0 [sflag:s8], $0x0  }
0x24: {  	s3 =	sadd.s32 $0x88, s3;
	s6 =	simm.s32 @!p1 $0x1082;
	[sflag:s4] =	ssyncset.s32 $0xFFFFF086  }
0x25: {  	[simem:s6], [sflag:s4] =	dma.local [hbm:s3], $0xF7A  }
0x26: {  	[smem:$0x3F9F] =	sst s1;
	(tag) =	ssettag s2;
	_ =	strace s9  }
0x27: {  	s1 =	sld [smem:$0x3FAF]  }
0x28: {  	s2 =	sld [smem:$0x3FB0]  }
0x29: {  	s4 =	sld [smem:$0x3FB2]  }
0x2a: {  	p0 =	seq.s32 s5, $0x0;
	s5 =	sld [smem:$0x3FB3]  }
0x2b: {  	s6 =	sld [smem:$0x3FB4]  }
0x2c: {  	s7 =	sld [smem:$0x3FB5]  }
0x2d: {  	s3 =	simm.s32 $0x108;
	s8 =	sld [smem:$0x3FB6]  }
0x2e: {  	s3 =	simm.s32 @!p0 $0x1082;
	s9 =	sld [smem:$0x3FB7]  }
0x2f: {  	lr =	sadd.s32 s0, s3;
	s0 =	sld [smem:$0x3FAE]  }
0x30: {  	s3 =	sld [smem:$0x3FB1]  }
0x31: {  	[smem:$0x3FBA] =	sst s10  }
0x32: {  	s10 =	sld [smem:$0x3FB8];
	_ =	sdelay $0x3  }
0x33: {  	p0 =	seq.s32 s10, $0x1;
	s10 =	sld [smem:$0x3FBA];
	_ =	sdelay $0x3  }
0x34: {  	[smem:$0x3FBA] =	sst s10  }
0x35: {  	s10 =	sld [smem:$0x3FB9];
	_ =	sdelay $0x3  }
0x36: {  	p1 =	seq.s32 s10, $0x1;
	s10 =	sld [smem:$0x3FBA];
	_ =	sdelay $0x3  }
0x37: {  	[smem:$0x3FBA] =	sst s10  }
0x38: {  	s10 =	sld [smem:$0x3FBB]  }
0x39: {  	_ = 	snop;
	(pc) =	sbr.ind lr, $3  }
0x3a: {  	_ = 	snop  }
0x3b: {  	_ = 	snop  }
0x3c: {  	p2 =	seq.s32 s10, $0x1;
	s10 =	sld [smem:$0x3FBA]  }
0x3d: {  	_ =	shalt  }
0x3e: {  	_ =	shalt  }
0x3f: {  	_ =	shalt  }
0x40: {  	_ =	shalt  }
0x41: {  	_ =	shalt  }
0x42: {  	_ =	shalt  }
0x43: {  	_ =	shalt  }
0x44: {  	_ =	shalt  }
0x45: {  	_ =	shalt  }
0x46: {  	_ =	shalt  }
0x47: {  	_ =	shalt  }
0x48: {  	_ =	shalt  }
0x49: {  	_ =	shalt  }
0x4a: {  	_ =	shalt  }
0x4b: {  	_ =	shalt  }
0x4c: {  	_ =	shalt  }
0x4d: {  	_ =	shalt  }
0x4e: {  	_ =	shalt  }
0x4f: {  	_ =	shalt  }
0x50: {  	_ =	shalt  }
0x51: {  	_ =	shalt  }
0x52: {  	_ =	shalt  }
0x53: {  	_ =	shalt  }
0x54: {  	_ =	shalt  }
0x55: {  	_ =	shalt  }
0x56: {  	_ =	shalt  }
0x57: {  	_ =	shalt  }
0x58: {  	_ =	shalt  }
0x59: {  	_ =	shalt  }
0x5a: {  	_ =	shalt  }
0x5b: {  	_ =	shalt  }
0x5c: {  	_ =	shalt  }
0x5d: {  	_ =	shalt  }
0x5e: {  	_ =	shalt  }
0x5f: {  	_ =	shalt  }
0x60: {  	_ =	shalt  }
0x61: {  	_ =	shalt  }
0x62: {  	_ =	shalt  }
0x63: {  	_ =	shalt  }
0x64: {  	_ =	shalt  }
0x65: {  	_ =	shalt  }
0x66: {  	_ =	shalt  }
0x67: {  	_ =	shalt  }
0x68: {  	_ =	shalt  }
0x69: {  	_ =	shalt  }
0x6a: {  	_ =	shalt  }
0x6b: {  	_ =	shalt  }
0x6c: {  	_ =	shalt  }
0x6d: {  	_ =	shalt  }
0x6e: {  	_ =	shalt  }
0x6f: {  	_ =	shalt  }
0x70: {  	_ =	shalt  }
0x71: {  	_ =	shalt  }
0x72: {  	_ =	shalt  }
0x73: {  	_ =	shalt  }
0x74: {  	_ =	shalt  }
0x75: {  	_ =	shalt  }
0x76: {  	_ =	shalt  }
0x77: {  	_ =	shalt  }
0x78: {  	_ =	shalt  }
0x79: {  	_ =	shalt  }
0x7a: {  	_ =	shalt  }
0x7b: {  	_ =	shalt  }
0x7c: {  	_ =	shalt  }
0x7d: {  	_ =	shalt  }
0x7e: {  	_ =	shalt  }
0x7f: {  	_ =	shalt  }
0x80: {  	_ =	shalt  }
0x81: {  	_ =	shalt  }
0x82: {  	_ =	shalt  }
0x83: {  	_ =	shalt  }
0x84: {  	_ =	shalt  }
0x85: {  	_ =	shalt  }
0x86: {  	_ =	shalt  }
0x87: {  	_ =	shalt  }
.Lfunc_end0:
.L_simem_size_0:
called_computation_lowered:
.L_overlay_start_0:
0x88: {  	s2 =	sld [smem:$0x3FD9]  }
0x89: {  	s3 =	sld [smem:$0x3FFE];
	_ =	sdelay $0x1  }
0x8a: {  	s1 =	srdreg.scid  }
0x8b: {  	s0 =	sand.u32 $0x1, s1  }
0x8c: {  	s17 =	sshll.u32 s0, $0xA;
	s2 =	sadd.s32 s3, s2  }
0x8d: {  	s2 =	sadd.s32 s2, s17  }
0x8e: {  	[smem:$0x3FC6] =	sst s2  }
0x8f: {  	_ = 	snop  }
0x90: {  	s2 =	sld [smem:$0x3FC8];
	(tm) =	ssettm $0x1  }
0x91: {  	s18 =	sld [smem:$0x3FFB];
	_ =	sdelay $0x3  }
0x92: {  	_ =	strace s18  }
0x93: {  	s3 =	sld [smem:$0x3FFC];
	_ =	sdelay $0x3  }
0x94: {  	_ =	strace s3  }
0x95: {  	s3 =	sld [smem:$0x3FFD];
	_ =	sdelay $0x3  }
0x96: {  	_ =	strace s3  }
0x97: {  	_ =	strace $0x8FFFFFFF  }
0x98: {  	s19 =	sld [smem:$0x3FDB];
	_ =	sdelay $0x1  }
0x99: {  	s4 =	simm.s32 $_scs_section_size  }
0x9a: {  	s5 =	simm.s32 $_size__tile_overlayer_lowered;
	s6 =	simm.s32 $_tile_overlayer_lowered  }
0x9b: {  	s22 =	simm.s32 $0x1BFF;
	s21 =	sshll.u32 s6, $0x1;
	s3 =	sadd.s32 s4, s19  }
0x9c: {  	s7 =	simm.s32 $0x0;
	s20 =	sshll.u32 s5, $0x1;
	s5 =	sadd.s32 s21, s3  }
0x9d: {  	[timem:s7], [sflag:s22] =	dma.local [hbm:s5], s20  }
0x9e: {  	_ =	swait.ge [sflag:s22], s20  }
0x9f: {  	s4 =	ssub.s32 $0x0, s20;
	[sflag:s22] =	ssyncset.done $0x0  }
0xa0: {  	[sflag:s22] =	ssyncadd.s32 s4;
	_ =	sdelay $0x1  }
0xa1: {  	s23 =	simm.s32 $0x1B8B  }
0xa2: {  	_ =	swait.ge [sflag:s23], $0x1  }
0xa3: {  	[sflag:s23] =	ssyncset.done $0x0  }
0xa4: {  	s25 =	simm.s32 $0x1B8E;
	s24 =	sld [smem:$0x3FFE];
	[sflag:s23] =	ssyncadd.s32 $0xFFFFFFFF  }
0xa5: {  	s26 =	simm.s32 $execute0_lowered;
	[smem:$0x3FD2] =	sst s25  }
0xa6: {  	s5 =	sshll.u32 s26, $0x1;
	_ =	strace $0x80000046;
	[dreg:$0x1] =	wrdreg $0xFFFFFFFF  }
0xa7: {  	s28 =	simm.s32 $_size_execute0_lowered;
	s3 =	sadd.s32 s3, s5;
	[dreg:$0x0] =	wrdreg $0x0  }
0xa8: {  	s5 =	sshll.u32 s28, $0x1;
	[dreg:$0x2] =	wrdreg s3  }
0xa9: {  	[dreg:$0x3] =	wrdreg s5  }
0xaa: {  	[dreg:$0x4] =	wrdreg $0xC0  }
0xab: {  	_ =	task [dreg:s7], $0x5FFFF  }
0xac: {  	[dreg:$0x1] =	wrdreg $0xFFFFFFFF  }
0xad: {  	[dreg:$0x0] =	wrdreg $0x60  }
0xae: {  	[dreg:$0x2] =	wrdreg s24  }
0xaf: {  	[dreg:$0x3] =	wrdreg s2  }
0xb0: {  	[dreg:$0x4] =	wrdreg $0x9  }
0xb1: {  	_ =	task.clear_ibuf [dreg:s7], $0x5FFFF;
	_ =	strace $0x90000046  }
0xb2: {  	s29 =	simm.s32 $0x9;
	_ =	strace $0x80000048  }
0xb3: {  	_ =	swait.ge [sflag:s29], $0x1  }
0xb4: {  	[sflag:s29] =	ssyncadd.s32 $0xFFFFFFFF  }
0xb5: {  	_ =	strace $0x90000048  }
0xb6: {  	_ =	sfence  }
0xb7: {  	s30 =	sld [smem:$0x0];
	_ =	sdelay $0x2  }
0xb8: {  	s31 =	sshll.u32 s1, $0xD;
	s1 =	sshrl.u32 s1, $0x2  }
0xb9: {  	s3 =	sand.u32 $0x4000, s31;
	s1 =	sadd.s32 s1, s30  }
0xba: {  	s0 =	sor.u32 s3, s0;
	s1 =	sshll.u32 s1, $0x11  }
0xbb: {  	s0 =	sor.u32 s1, s0  }
0xbc: {  	s0 =	sadd.s32 $0x8F2B, s0  }
0xbd: {  	[sflag:s0] =	ssyncadd.remote.s32 $0x1  }
0xbe: {  	_ =	sfence.sel $0xFFFF  }
0xbf: {  	[dreg:$0x0] =	wrdreg $0xFFFFFFFF;
	(pc) =	sbr.abs _section_cstart, $3  }
0xc0: {  	[dreg:$0x1] =	wrdreg $0xFFFFFFFF  }
0xc1: {  	_ =	task.clear_ibuf [dreg:s7], $0x2FFFF;
	_ =	strace $0x9FFFFFFF  }
0xc2: {  	(tm) =	ssettm $0x7FFFFFFF  }
0xc3: {  	_ =	shalt  }
tec
execute0_lowered:
.L_overlay_start_1:
0x0: {  	(tag) =	ssettag $0x1  }
0x1: {  	s0 =	rddreg [dreg:$0x0]  }
0x2: {  	s1 =	rddreg [dreg:$0x1];
	s2 =	simm.s32 $0x0;
	v0 =	vimm.s32 $0xFEDCBA98;
	v1 =	vimm.s32 $0x76543210;
	v2 =	vimm.s32 $0xBA98FEDC  }
0x3: {  	s3 =	srdreg.scid;
	s5 =	stileid.u32;
	v3 =	vimm.s32 $0x32107654;
	v4 =	vimm.s32 $0xDCFE98BA;
	v5 =	vimm.s32 $0x54761032;
	s13 =	simm.s32 $0x5  }
0x4: {  	v6 =	vimm.s32 $0xEFCDAB89;
	v7 =	vimm.s32 $0x67452301;
	s14 =	simm.s32 $0x10000;
	s15 =	simm.s32 $0x1;
	s16 =	simm.s32 $0x3  }
0x5: {  	s17 =	simm.s32 $0x8000;
	s18 =	simm.s32 $0x10080;
	s19 =	simm.s32 $0x10400;
	v0 =	vunpack.c.l.s4.s8 v0;
	v1 =	vunpack.c.l.s4.s8 v1;
	v2 =	vunpack.c.l.s4.s8 v2  }
0x6: {  	s20 =	simm.s32 $0x2;
	s21 =	simm.s32 $0x4;
	s23 =	simm.s32 $0x0;
	v3 =	vunpack.c.l.s4.s8 v3;
	v4 =	vunpack.c.l.s4.s8 v4;
	v5 =	vunpack.c.l.s4.s8 v5  }
0x7: {  	[smem:$0x7FF] =	sst s2;
	s3 =	sand.u32 $0x1, s3;
	s5 =	sshll.u32 s5, $0x1;
	v6 =	vunpack.c.l.s4.s8 v6;
	v7 =	vunpack.c.l.s4.s8 v7;
	v0 =	vunpack.c.0.s8.s32 v0  }
0x8: {  	s4 =	sadd.s32 $0xA00, s0;
	_ =	strace $0x80000047;
	s6 =	sor.u32 s3, s5;
	v2 =	vunpack.c.0.s8.s32 v2;
	v3 =	vunpack.c.0.s8.s32 v3;
	v4 =	vunpack.c.0.s8.s32 v4  }
0x9: {  	s3 =	ssub.s32 $0x2, s3;
	s5 =	sadd.s32 $0x200A00, s0;
	s7 =	sshll.u32 s6, $0x6;
	v5 =	vunpack.c.0.s8.s32 v5;
	v6 =	vunpack.c.0.s8.s32 v6;
	v7 =	vunpack.c.0.s8.s32 v7  }
0xa: {  	s8 =	sshrl.u32 s3, $0x1;
	s11 =	sshll.u32 s6, $0x8;
	s30 =	sshll.u32 s6, $0xF;
	v1 =	vunpack.c.0.s8.s32 v1;
	v2 =	vcombine.low v3, v2  }
0xb: {  	s31 =	sshll.u32 s6, $0x5;
	s0 =	sadd.s32 s7, s0;
	s3 =	ssub.s32 s3, s8;
	v3 =	vcombine.low v5, v4;
	v4 =	vand.u32 $0xF, v0;
	v5 =	vcombine.low v7, v6  }
0xc: {  	vm0 =	vmmov $0xff;
	s6 =	sadd.s32 s4, s30;
	s7 =	sadd.s32 s1, s31;
	s8 =	sor.u32 $0x40, s11;
	v0 =	vimm.f32 $0.0e+00;
	v1 =	vcombine.low v4, v1  }
0xd: {  	s11 =	sor.u32 $0x20, s11;
	s9 =	sadd.s32 $0x200C00, s0;
	s10 =	smax.u32 s3, $0x1;
	v2 =	vand.u32 $0xF, v2;
	v3 =	vand.u32 $0xF, v3;
	v4 =	vand.u32 $0xF, v5  }
.LBB2_1:
0xe: {  	s0 =	simm.s32 $0x10100  }
0xf: {  	[tilespmem:s0], [sflag:$0x5] =	stream.linear.gather [hbm4b:s5+s2], $0x100, $0x38;
	[tilespmem:$0x10480] =	vst v63  }
0x10: {  	_ =	swait.ge [sflag:s13], $0x100  }
0x11: {  	[sflag:s13] =	ssyncset.done $0x0  }
0x12: {  	[sflag:s13] =	ssyncadd.s32 $0xFFFFFF00  }
0x13: {  	v5 =	vld [tilespmem:$0x10100]  }
0x14: {  	v6 =	vld [tilespmem:$0x10180];
	[tilespmem:s2], [sflag:$0x1] =	stream.linear.gather [hbm4b:s6+s2], $0x8000, $0x38  }
0x15: {  	s24 =	simm.s32 $0x0  }
0x16: {  	v7 =	vimm.f32 $0.0e+00;
	v8 =	vimm.f32 $0.0e+00;
	v9 =	vimm.f32 $0.0e+00;
	[tilespmem:s14], [sflag:$0x3] =	stream.linear.gather [hbm4b:s7+s2], $0x20, $0x38;
	[tilespmem:$0x10480] =	vst v63  }
.LBB2_2:
0x17: {  	_ =	swait.ge [sflag:s15], $0x8000  }
0x18: {  	[sflag:s15] =	ssyncset.done $0x0  }
0x19: {  	s25 =	sshll.u32 s24, $0x6;
	[sflag:s15] =	ssyncadd.s32 $0xFFFF8000  }
0x1a: {  	s0 =	sor.u32 s11, s25;
	_ =	swait.ge [sflag:s16], $0x20  }
0x1b: {  	s26 =	simm.s32 $0x0;
	s3 =	sshll.u32 s0, $0x7;
	[sflag:s16] =	ssyncset.done $0x0  }
0x1c: {  	s0 =	sshrl.u32 s0, $0x3;
	s3 =	sadd.s32 s4, s3;
	[sflag:s16] =	ssyncadd.s32 $0xFFFFFFE0  }
0x1d: {  	[tilespmem:s17], [sflag:$0x2] =	stream.linear.gather [hbm4b:s3+s26], $0x8000, $0x38;
	[tilespmem:$0x10480] =	vst v63  }
0x1e: {  	s12 =	sand.u32 $0x6000, s26;
	s22 =	sand.u32 $0x380, s26;
	s0 =	sadd.s32 s1, s0  }
0x1f: {  	[tilespmem:s18], [sflag:$0x4] =	stream.linear.gather [hbm4b:s0+s26], $0x20, $0x38;
	[tilespmem:$0x10480] =	vst v63  }
0x20: {  	s0 =	sor.u32 s22, s12  }
0x21: {  	v10 =	vld [tilespmem:s0+$0x0];
	_ =	sdelay $0x1  }
0x22: {  	v11 =	vld [tilespmem:s0+$0x10];
	_ =	sdelay $0x1  }
0x23: {  	v12 =	vld [tilespmem:s0+$0x20]  }
0x24: {  	v13 =	vmul.f32 $1.442695020e+00, v10  }
0x25: {  	v14 =	vld [tilespmem:s0+$0x30]  }
0x26: {  	v15 =	vmul.f32 $1.442695020e+00, v11;
	(erf) = vpow2.f32 v13;
	v13 =	vld [tilespmem:s0+$0x40];
	_ =	sdelay $0x1  }
0x27: {  	v16 =	vmul.f32 $1.442695020e+00, v12;
	(erf) = vpow2.f32 v15;
	v15 =	vld [tilespmem:s0+$0x50];
	_ =	sdelay $0x1  }
0x28: {  	v17 =	vmul.f32 $1.442695020e+00, v14;
	(erf) = vpow2.f32 v16  }
0x29: {  	v16 =	vld [tilespmem:s0+$0x60];
	v18 =	vmul.f32 $1.442695020e+00, v13  }
0x2a: {  	(erf) = vpow2.f32 v17  }
0x2b: {  	v17 =	vld [tilespmem:s0+$0x70];
	v19 =	vmul.f32 $1.442695020e+00, v15  }
0x2c: {  	v10 =	vmax.f32 v10, $-1.000000020e+30;
	(erf) = vpow2.f32 v18  }
0x2d: {  	v10 =	vmax.f32 v10, v11;
	v11 =	vld [tilespmem:s0+$0x400];
	v18 =	vpop (erf)  }
0x2e: {  	v20 =	vmul.f32 $1.442695020e+00, v16;
	(erf) = vpow2.f32 v19;
	v18 =	vadd.f32 $0.0e+00, v18  }
0x2f: {  	v10 =	vmax.f32 v10, v12;
	v12 =	vld [tilespmem:s0+$0x410];
	v19 =	vpop (erf)  }
0x30: {  	v21 =	vmul.f32 $1.442695020e+00, v17;
	(erf) = vpow2.f32 v20;
	v18 =	vadd.f32 v19, v18  }
0x31: {  	v10 =	vmax.f32 v10, v14;
	v14 =	vld [tilespmem:s0+$0x420];
	v19 =	vpop (erf)  }
0x32: {  	v20 =	vmul.f32 $1.442695020e+00, v11;
	(erf) = vpow2.f32 v21;
	v18 =	vadd.f32 v19, v18  }
0x33: {  	v10 =	vmax.f32 v10, v13;
	v13 =	vld [tilespmem:s0+$0x430];
	v19 =	vpop (erf)  }
0x34: {  	v41 =	vmul.f32 $1.442695020e+00, v12;
	(erf) = vpow2.f32 v20;
	v18 =	vadd.f32 v19, v18  }
0x35: {  	v10 =	vmax.f32 v10, v15;
	v15 =	vld [tilespmem:s0+$0x440];
	v19 =	vpop (erf)  }
0x36: {  	v20 =	vmul.f32 $1.442695020e+00, v14;
	(erf) = vpow2.f32 v41;
	v18 =	vadd.f32 v19, v18  }
0x37: {  	v10 =	vmax.f32 v10, v16;
	v16 =	vld [tilespmem:s0+$0x450];
	v19 =	vpop (erf)  }
0x38: {  	v42 =	vmul.f32 $1.442695020e+00, v13;
	(erf) = vpow2.f32 v20;
	v18 =	vadd.f32 v19, v18  }
0x39: {  	v10 =	vmax.f32 v10, v17;
	v17 =	vld [tilespmem:s0+$0x460];
	v19 =	vpop (erf)  }
0x3a: {  	v20 =	vmul.f32 $1.442695020e+00, v15;
	(erf) = vpow2.f32 v42;
	v18 =	vadd.f32 v19, v18  }
0x3b: {  	v10 =	vmax.f32 v10, v11;
	v11 =	vld [tilespmem:s0+$0x470];
	v19 =	vpop (erf)  }
0x3c: {  	v43 =	vmul.f32 $1.442695020e+00, v16;
	(erf) = vpow2.f32 v20;
	v18 =	vadd.f32 v19, v18  }
0x3d: {  	v10 =	vmax.f32 v10, v12;
	v12 =	vld [tilespmem:s0+$0x800];
	v19 =	vpop (erf)  }
0x3e: {  	v20 =	vmul.f32 $1.442695020e+00, v17;
	(erf) = vpow2.f32 v43;
	v18 =	vadd.f32 v19, v18  }
0x3f: {  	v10 =	vmax.f32 v10, v14;
	v19 =	vpop (erf)  }
0x40: {  	v14 =	vld [tilespmem:s0+$0x810];
	v44 =	vmul.f32 $1.442695020e+00, v11;
	(erf) = vpow2.f32 v20;
	v18 =	vadd.f32 v19, v18  }
0x41: {  	v10 =	vmax.f32 v10, v13;
	v19 =	vpop (erf)  }
0x42: {  	v13 =	vld [tilespmem:s0+$0x820];
	v20 =	vmul.f32 $1.442695020e+00, v12;
	(erf) = vpow2.f32 v44;
	v18 =	vadd.f32 v19, v18  }
0x43: {  	v19 =	vpop (erf)  }
0x44: {  	v10 =	vmax.f32 v10, v15;
	v15 =	vld [tilespmem:s0+$0x830];
	(erf) = vpow2.f32 v20;
	v18 =	vadd.f32 v19, v18  }
0x45: {  	v45 =	vmul.f32 $1.442695020e+00, v14;
	v19 =	vpop (erf)  }
0x46: {  	v10 =	vmax.f32 v10, v16;
	v16 =	vld [tilespmem:s0+$0x840];
	v18 =	vadd.f32 v19, v18  }
0x47: {  	v20 =	vmul.f32 $1.442695020e+00, v13;
	(erf) = vpow2.f32 v45;
	v19 =	vpop (erf)  }
0x48: {  	v10 =	vmax.f32 v10, v17;
	v17 =	vld [tilespmem:s0+$0x850];
	v18 =	vadd.f32 v19, v18  }
0x49: {  	v46 =	vmul.f32 $1.442695020e+00, v15;
	(erf) = vpow2.f32 v20;
	v19 =	vpop (erf)  }
0x4a: {  	v10 =	vmax.f32 v10, v11;
	v11 =	vld [tilespmem:s0+$0x860];
	v18 =	vadd.f32 v19, v18  }
0x4b: {  	v20 =	vmul.f32 $1.442695020e+00, v16;
	(erf) = vpow2.f32 v46;
	v19 =	vpop (erf)  }
0x4c: {  	v10 =	vmax.f32 v10, v12;
	v12 =	vld [tilespmem:s0+$0x870];
	v18 =	vadd.f32 v19, v18  }
0x4d: {  	v47 =	vmul.f32 $1.442695020e+00, v17;
	(erf) = vpow2.f32 v20;
	v19 =	vpop (erf)  }
0x4e: {  	v10 =	vmax.f32 v10, v14;
	v14 =	vld [tilespmem:s0+$0xC00];
	v18 =	vadd.f32 v19, v18  }
0x4f: {  	v10 =	vmax.f32 v10, v13;
	v20 =	vmul.f32 $1.442695020e+00, v11;
	(erf) = vpow2.f32 v47  }
0x50: {  	v10 =	vmax.f32 v10, v15;
	v13 =	vpop (erf);
	v19 =	vld [tilespmem:s0+$0xC10]  }
0x51: {  	v48 =	vmul.f32 $1.442695020e+00, v12;
	(erf) = vpow2.f32 v20;
	v13 =	vadd.f32 v13, v18  }
0x52: {  	v15 =	vld [tilespmem:s0+$0xC20];
	v10 =	vmax.f32 v10, v16;
	v18 =	vpop (erf)  }
0x53: {  	v20 =	vmul.f32 $1.442695020e+00, v14;
	(erf) = vpow2.f32 v48;
	v13 =	vadd.f32 v18, v13  }
0x54: {  	v10 =	vmax.f32 v10, v17;
	v18 =	vld [tilespmem:s0+$0xC30];
	v16 =	vpop (erf)  }
0x55: {  	v49 =	vmul.f32 $1.442695020e+00, v19;
	(erf) = vpow2.f32 v20;
	v13 =	vadd.f32 v16, v13  }
0x56: {  	v10 =	vmax.f32 v10, v11;
	v17 =	vpop (erf);
	v16 =	vld [tilespmem:s0+$0xC40]  }
0x57: {  	v20 =	vmul.f32 $1.442695020e+00, v15;
	(erf) = vpow2.f32 v49;
	v13 =	vadd.f32 v17, v13  }
0x58: {  	v10 =	vmax.f32 v10, v12;
	v11 =	vld [tilespmem:s0+$0xC50];
	v17 =	vpop (erf)  }
0x59: {  	v12 =	vld [tilespmem:s0+$0xC60];
	(erf) = vpow2.f32 v20;
	v50 =	vmul.f32 $1.442695020e+00, v18;
	v13 =	vadd.f32 v17, v13  }
0x5a: {  	v10 =	vmax.f32 v10, v14;
	v17 =	vpop (erf)  }
0x5b: {  	v14 =	vld [tilespmem:s0+$0xC70];
	v20 =	vmul.f32 $1.442695020e+00, v16;
	(erf) = vpow2.f32 v50;
	v13 =	vadd.f32 v17, v13  }
0x5c: {  	v17 =	vpop (erf)  }
0x5d: {  	s12 =	sand.u32 $0x7, s26;
	v51 =	vmul.f32 $1.442695020e+00, v11;
	(erf) = vpow2.f32 v20;
	v13 =	vadd.f32 v17, v13  }
0x5e: {  	s3 =	sshll.u32 s12, $0x7;
	v10 =	vmax.f32 v10, v19;
	v19 =	vpop (erf);
	v20 =	vmul.f32 $1.442695020e+00, v12;
	v17 =	vld [tilespmem:s0+$0x1000]  }
0x5f: {  	s3 =	sadd.s32 $0x0, s3;
	(erf) = vpow2.f32 v51;
	v13 =	vadd.f32 v19, v13  }
0x60: {  	s12 =	sor.u32 $0x1C58, s3;
	v22 =	vmul.f32 $1.442695020e+00, v14;
	v15 =	vmax.f32 v10, v15;
	v52 =	vpop (erf);
	v19 =	vld [tilespmem:s0+$0x1010]  }
0x61: {  	v10 =	vld [tilespmem:s12+$0x0];
	v15 =	vmax.f32 v15, v18;
	(erf) = vpow2.f32 v20;
	v13 =	vadd.f32 v52, v13  }
0x62: {  	v18 =	vld [tilespmem:s0+$0x1020];
	v15 =	vmax.f32 v15, v16;
	v20 =	vpop (erf)  }
0x63: {  	(erf) = vpow2.f32 v22;
	v53 =	vmul.f32 $1.442695020e+00, v17;
	v13 =	vadd.f32 v20, v13  }
0x64: {  	v16 =	vld [tilespmem:s0+$0x1030];
	v11 =	vmax.f32 v15, v11;
	v20 =	vpop (erf)  }
0x65: {  	v15 =	vld [tilespmem:s0+$0x1040];
	v54 =	vmul.f32 $1.442695020e+00, v19;
	(erf) = vpow2.f32 v53;
	v13 =	vadd.f32 v20, v13  }
0x66: {  	v11 =	vmax.f32 v11, v12;
	v20 =	vmul.f32 $1.442695020e+00, v10;
	v55 =	vpop (erf)  }
0x67: {  	v12 =	vld [tilespmem:s0+$0x1050];
	v23 =	vmul.f32 $1.442695020e+00, v18;
	(erf) = vpow2.f32 v54;
	v13 =	vadd.f32 v55, v13  }
0x68: {  	v11 =	vmax.f32 v11, v14;
	v56 =	vpop (erf);
	(erf) = vpow2.f32 v20  }
0x69: {  	v20 =	vmul.f32 $1.442695020e+00, v16;
	(erf) = vpow2.f32 v23;
	v13 =	vadd.f32 v56, v13  }
0x6a: {  	v57 =	vld [tilespmem:s0+$0x1060];
	v58 =	vmul.f32 $1.442695020e+00, v15;
	v11 =	vmax.f32 v11, v17;
	v14 =	vpop (erf)  }
0x6b: {  	v59 =	vld [tilespmem:s0+$0x1070];
	v11 =	vmax.f32 v11, v19;
	(erf) = vpow2.f32 v20;
	v13 =	vadd.f32 v14, v13  }
0x6c: {  	v17 =	vmul.f32 $1.442695020e+00, v12;
	v11 =	vmax.f32 v11, v18;
	v14 =	vpop (erf)  }
0x6d: {  	v11 =	vmax.f32 v11, v16;
	(erf) = vpow2.f32 v58;
	v13 =	vadd.f32 v14, v13  }
0x6e: {  	v15 =	vmax.f32 v11, v15;
	v20 =	vld [tilespmem:s0+$0x1400];
	v19 =	vpop (erf)  }
0x6f: {  	v18 =	vld [tilespmem:s0+$0x1410];
	v14 =	vmul.f32 $1.442695020e+00, v57;
	(erf) = vpow2.f32 v17;
	v13 =	vadd.f32 v19, v13  }
0x70: {  	v16 =	vmul.f32 $1.442695020e+00, v59;
	v17 =	vpop (erf)  }
0x71: {  	v12 =	vmax.f32 v15, v12;
	v19 =	vld [tilespmem:s0+$0x1420];
	(erf) = vpow2.f32 v14;
	v11 =	vpop (erf);
	v13 =	vadd.f32 v17, v13  }
0x72: {  	v12 =	vmax.f32 v12, v57;
	v15 =	vpop (erf)  }
0x73: {  	v14 =	vmul.f32 $1.442695020e+00, v20;
	(erf) = vpow2.f32 v16;
	v17 =	vld [tilespmem:s0+$0x1430];
	v13 =	vadd.f32 v15, v13  }
0x74: {  	v12 =	vmax.f32 v12, v59;
	v16 =	vpop (erf);
	v15 =	vmul.f32 $1.442695020e+00, v18  }
0x75: {  	v60 =	vld [tilespmem:s0+$0x1440];
	v12 =	vmax.f32 v12, v20;
	(erf) = vpow2.f32 v14;
	v13 =	vadd.f32 v16, v13  }
0x76: {  	v12 =	vmax.f32 v12, v18;
	v14 =	vmul.f32 $1.442695020e+00, v19;
	v16 =	vpop (erf)  }
0x77: {  	v18 =	vld [tilespmem:s0+$0x1450];
	v12 =	vmax.f32 v12, v19;
	(erf) = vpow2.f32 v15;
	v13 =	vadd.f32 v16, v13  }
0x78: {  	v12 =	vmax.f32 v12, v17;
	v15 =	vpop (erf)  }
0x79: {  	v17 =	vmul.f32 $1.442695020e+00, v17;
	v16 =	vld [tilespmem:s0+$0x1460];
	(erf) = vpow2.f32 v14;
	v13 =	vadd.f32 v15, v13  }
0x7a: {  	v19 =	vmul.f32 $1.442695020e+00, v60;
	v14 =	vpop (erf)  }
0x7b: {  	v12 =	vmax.f32 v12, v60;
	(erf) = vpow2.f32 v17;
	v15 =	vld [tilespmem:s0+$0x1470];
	v13 =	vadd.f32 v14, v13  }
0x7c: {  	v12 =	vmax.f32 v12, v18;
	v14 =	vpop (erf)  }
0x7d: {  	v17 =	vld [tilespmem:s0+$0x1800];
	v18 =	vmul.f32 $1.442695020e+00, v18;
	(erf) = vpow2.f32 v19;
	v13 =	vadd.f32 v14, v13  }
0x7e: {  	v12 =	vmax.f32 v12, v16;
	v16 =	vmul.f32 $1.442695020e+00, v16;
	v14 =	vpop (erf)  }
0x7f: {  	v19 =	vld [tilespmem:s0+$0x1810];
	(erf) = vpow2.f32 v18;
	v13 =	vadd.f32 v14, v13  }
0x80: {  	v12 =	vmax.f32 v12, v15;
	v14 =	vpop (erf)  }
0x81: {  	v18 =	vld [tilespmem:s0+$0x1820];
	v15 =	vmul.f32 $1.442695020e+00, v15;
	(erf) = vpow2.f32 v16;
	v13 =	vadd.f32 v14, v13  }
0x82: {  	v12 =	vmax.f32 v12, v17;
	v17 =	vmul.f32 $1.442695020e+00, v17;
	v16 =	vpop (erf)  }
0x83: {  	(erf) = vpow2.f32 v15;
	v13 =	vadd.f32 v16, v13  }
0x84: {  	v12 =	vmax.f32 v12, v19;
	v19 =	vmul.f32 $1.442695020e+00, v19;
	v16 =	vpop (erf)  }
0x85: {  	v14 =	vld [tilespmem:s0+$0x1830];
	(erf) = vpow2.f32 v17;
	v13 =	vadd.f32 v16, v13  }
0x86: {  	v17 =	vpop (erf);
	v16 =	vmul.f32 $1.442695020e+00, v18  }
0x87: {  	v20 =	vld [tilespmem:s0+$0x1840];
	(erf) = vpow2.f32 v19;
	v13 =	vadd.f32 v17, v13  }
0x88: {  	v15 =	vld [tilespmem:s0+$0x1850];
	v19 =	vpop (erf)  }
0x89: {  	v61 =	vld [tilespmem:s0+$0x1860];
	v12 =	vmax.f32 v12, v18;
	(erf) = vpow2.f32 v16;
	v13 =	vadd.f32 v19, v13  }
0x8a: {  	s22 =	sor.u32 $0x1C00, s3;
	v18 =	vld [tilespmem:s0+$0x1870];
	v12 =	vmax.f32 v12, v14;
	v14 =	vmul.f32 $1.442695020e+00, v14;
	v16 =	vpop (erf)  }
0x8b: {  	s12 =	sor.u32 $0x1C10, s3;
	v17 =	vld [tilespmem:s22+$0x0];
	v13 =	vadd.f32 v16, v13  }
0x8c: {  	v62 =	vld [tilespmem:s12+$0x0];
	v12 =	vmax.f32 v12, v20;
	s22 =	sor.u32 $0x1C20, s3;
	v20 =	vmul.f32 $1.442695020e+00, v20;
	(erf) = vpow2.f32 v14;
	v16 =	vpop (erf)  }
0x8d: {  	s12 =	sor.u32 $0x1C30, s3;
	v12 =	vmax.f32 v12, v15;
	v19 =	vld [tilespmem:s22+$0x0];
	v13 =	vadd.f32 v16, v13  }
0x8e: {  	v12 =	vmax.f32 v12, v61;
	v14 =	vmul.f32 $1.442695020e+00, v15;
	v15 =	vld [tilespmem:s12+$0x0];
	s22 =	sor.u32 $0x1C40, s3;
	(erf) = vpow2.f32 v20;
	v16 =	vpop (erf)  }
0x8f: {  	s3 =	sor.u32 $0x1C50, s3;
	v12 =	vmax.f32 v12, v18;
	v63 =	vld [tilespmem:s22+$0x0];
	v13 =	vadd.f32 v16, v13  }
0x90: {  	v21 =	vmul.f32 $1.442695020e+00, v61;
	v20 =	vld [tilespmem:s3+$0x0];
	v12 =	vmax.f32 v12, v17;
	(erf) = vpow2.f32 v14;
	v16 =	vpop (erf)  }
0x91: {  	v12 =	vmax.f32 v12, v62;
	v13 =	vadd.f32 v16, v13  }
0x92: {  	v14 =	vmul.f32 $1.442695020e+00, v18;
	v12 =	vmax.f32 v12, v19;
	(erf) = vpow2.f32 v21;
	v16 =	vpop (erf)  }
0x93: {  	v12 =	vmax.f32 v12, v15;
	v13 =	vadd.f32 v16, v13  }
0x94: {  	v17 =	vmul.f32 $1.442695020e+00, v17;
	v12 =	vmax.f32 v12, v63;
	(erf) = vpow2.f32 v14  }
0x95: {  	v10 =	vsel vm0, $0xF149F2CA, v10;
	v14 =	vmul.f32 $1.442695020e+00, v62;
	v12 =	vmax.f32 v12, v20;
	v16 =	vpop (erf)  }
0x96: {  	v10 =	vmax.f32 v12, v10;
	(erf) = vpow2.f32 v17;
	v12 =	vadd.f32 v16, v13  }
0x97: {  	v13 =	vpop (erf)  }
0x98: {  	[tilespmem:$0x10400] =	vst v10;
	v16 =	vmul.f32 $1.442695020e+00, v19;
	(erf) = vpow2.f32 v14;
	v12 =	vadd.f32 v13, v12  }
0x99: {  	v17 =	vld.idx.msk [tilespmem:v1+s19+$0x0], $0xffff;
	v13 =	vpop (erf)  }
0x9a: {  	v14 =	vmul.f32 $1.442695020e+00, v15;
	(erf) = vpow2.f32 v16;
	v12 =	vadd.f32 v13, v12  }
0x9b: {  	v15 =	vmul.f32 $1.442695020e+00, v63;
	v13 =	vpop (erf)  }
0x9c: {  	(erf) = vpow2.f32 v14;
	v12 =	vadd.f32 v13, v12  }
0x9d: {  	v14 =	vmul.f32 $1.442695020e+00, v20;
	v13 =	vpop (erf)  }
0x9e: {  	v10 =	vmax.f32 v10, v17;
	(erf) = vpow2.f32 v15;
	v12 =	vadd.f32 v13, v12  }
0x9f: {  	[tilespmem:$0x10400] =	vst v10;
	v15 =	vpop (erf)  }
0xa0: {  	(erf) = vpow2.f32 v14;
	v13 =	vld.idx.msk [tilespmem:v2+s19+$0x0], $0xffff;
	v12 =	vadd.f32 v15, v12  }
0xa1: {  	v14 =	vpop (erf)  }
0xa2: {  	v12 =	vadd.f32 v14, v12  }
0xa3: {  	v14 =	vpop (erf)  }
0xa4: {  	v12 =	vadd.f32 v14, v12  }
0xa5: {  	v10 =	vmax.f32 v10, v13;
	v13 =	vpop (erf)  }
0xa6: {  	[tilespmem:$0x10400] =	vst v10;
	v12 =	vadd.f32 v13, v12  }
0xa7: {  	v14 =	vld.idx.msk [tilespmem:v3+s19+$0x0], $0xffff;
	v13 =	vpop (erf)  }
0xa8: {  	v12 =	vadd.f32 v13, v12  }
0xa9: {  	v13 =	vpop (erf)  }
0xaa: {  	v12 =	vadd.f32 v13, v12  }
0xab: {  	v11 =	vsel vm0, $0x0, v11  }
0xac: {  	v10 =	vmax.f32 v10, v14;
	v11 =	vadd.f32 v11, v12  }
0xad: {  	[tilespmem:$0x10400] =	vst v10  }
0xae: {  	v12 =	vld.idx.msk [tilespmem:v4+s19+$0x0], $0xffff;
	[tilespmem:$0x10400] =	vst v11  }
0xaf: {  	v13 =	vld.idx.msk [tilespmem:v1+s19+$0x0], $0xffff;
	_ =	sdelay $0x4  }
0xb0: {  	v11 =	vadd.f32 v13, v11;
	_ =	sdelay $0x1  }
0xb1: {  	[tilespmem:$0x10400] =	vst v11  }
0xb2: {  	v13 =	vld.idx.msk [tilespmem:v2+s19+$0x0], $0xffff;
	_ =	sdelay $0x4  }
0xb3: {  	v11 =	vadd.f32 v13, v11;
	_ =	sdelay $0x1  }
0xb4: {  	[tilespmem:$0x10400] =	vst v11  }
0xb5: {  	v13 =	vld.idx.msk [tilespmem:v3+s19+$0x0], $0xffff;
	_ =	sdelay $0x4  }
0xb6: {  	v16 =	vadd.f32 v13, v11  }
0xb7: {  	s31 =	simm.s32 $0x80;
	s29 =	simm.s32 $0x400;
	v15 =	vmov s26  }
0xb8: {  	s12 =	sand.u32 $0x6000, s29;
	s22 =	sand.u32 $0x380, s31;
	[tilespmem:$0x10400] =	vst v16  }
0xb9: {  	s30 =	sor.u32 s22, s12;
	v19 =	vld.idx.msk [tilespmem:v4+s19+$0x0], $0xffff  }
0xba: {  	v18 =	vld [tilespmem:s30+$0x0]  }
0xbb: {  	v17 =	vld [tilespmem:s30+$0x10]  }
0xbc: {  	v10 =	vmax.f32 v10, v12;
	v13 =	vld.idx.msk [tilespmem:v15+s14+$0x0], $0xffff  }
0xbd: {  	s28 =	simm.s32 $0x1;
	s0 =	simm.s32 $0x2;
	v14 =	vshll.u32 v15, $0xA;
	v11 =	vmul.f32 $1.442695020e+00, v10;
	v15 =	vshll.u32 v15, $0x7;
	v12 =	vld [tilespmem:s30+$0x20]  }
.LBB2_3:
0xbe: {  	p0 =	sne.s32 s0, $0x1F  }
0xbf: {  	s26 =	sadd.s32 $0x1, s26;
	s3 =	smov.u32 s0;
	s0 =	sadd.s32 $0x1, s0  }
0xc0: {  	v16 =	vadd.f32 v19, v16;
	v20 =	vmax.f32 v18, $-1.000000020e+30;
	v18 =	vmul.f32 $1.442695020e+00, v18;
	v21 =	vld [tilespmem:s30+$0x30]  }
0xc1: {  	v19 =	vmax.f32 v20, v17;
	v17 =	vmul.f32 $1.442695020e+00, v17;
	(erf) = vpow2.f32 v11  }
0xc2: {  	v15 =	vand.u32 $0x380, v15;
	v11 =	vld [tilespmem:s30+$0x40];
	(erf) = vpow2.f32 v18  }
0xc3: {  	v18 =	vmul.f32 $1.442695020e+00, v12;
	(erf) = vpow2.f32 v17;
	v17 =	vshll.u32 v13, $0x3  }
0xc4: {  	v14 =	vand.u32 $0x6000, v14;
	v20 =	vld [tilespmem:s30+$0x50];
	v17 =	vand.u32 $0xFFFFFC00, v17;
	(erf) = vrcp.f32 v16  }
0xc5: {  	v16 =	vmul.f32 $1.442695020e+00, v21;
	(erf) = vpow2.f32 v18;
	v14 =	vadd.s32 v14, v17  }
0xc6: {  	v13 =	vand.u32 $0x7F, v13;
	v17 =	vld [tilespmem:s30+$0x60];
	v14 =	vor.u32 v15, v14  }
0xc7: {  	v22 =	vmul.f32 $1.442695020e+00, v11;
	(erf) = vpow2.f32 v16;
	v13 =	vor.u32 v13, v14  }
0xc8: {  	v12 =	vmax.f32 v19, v12;
	v14 =	vld [tilespmem:s30+$0x70]  }
0xc9: {  	v12 =	vmax.f32 v12, v21;
	v16 =	vmul.f32 $1.442695020e+00, v20;
	v18 =	vld [tilespmem:s30+$0x420];
	(erf) = vpow2.f32 v22  }
0xca: {  	v11 =	vmax.f32 v12, v11;
	v12 =	vld [tilespmem:s30+$0x400];
	v15 =	vpop (erf)  }
0xcb: {  	v11 =	vmax.f32 v11, v20;
	v22 =	vmul.f32 $1.442695020e+00, v17;
	v20 =	vld [tilespmem:s30+$0x410];
	v21 =	vpop (erf);
	(erf) = vpow2.f32 v16  }
0xcc: {  	v11 =	vmax.f32 v11, v17;
	v16 =	vadd.f32 $0.0e+00, v21;
	v17 =	vpop (erf);
	v13 =	vld.idx.msk [tilespmem:v13+s2+$0x0], $0xffff  }
0xcd: {  	v11 =	vmax.f32 v11, v14;
	v14 =	vmul.f32 $1.442695020e+00, v14;
	(erf) = vpow2.f32 v22;
	v19 =	vpop (erf)  }
0xce: {  	v16 =	vadd.f32 v17, v16;
	v17 =	vmul.f32 $1.442695020e+00, v18;
	v21 =	vpop (erf);
	v15 =	vmul.f32 v19, v15  }
0xcf: {  	v11 =	vmax.f32 v11, v12;
	v12 =	vmul.f32 $1.442695020e+00, v12;
	v19 =	vld [tilespmem:s30+$0x430];
	(erf) = vpow2.f32 v14  }
0xd0: {  	v14 =	vadd.f32 v21, v16;
	v11 =	vmax.f32 v11, v20;
	v16 =	vld [tilespmem:s30+$0xC30];
	v21 =	vpop (erf);
	vm1 =	vgt.f32 v15, v5  }
0xd1: {  	v20 =	vmul.f32 $1.442695020e+00, v20;
	vm2 =	vle.f32 v15, v6;
	v22 =	vld [tilespmem:s30+$0xC10];
	(erf) = vpow2.f32 v12  }
0xd2: {  	vm3 =	veq.f32 v13, v10;
	vm1 =	vmand vm1, vm2;
	v12 =	vadd.f32 v21, v14;
	v14 =	vld [tilespmem:s30+$0x440];
	v21 =	vpop (erf)  }
0xd3: {  	v10 =	vmax.f32 v11, v18;
	v13 =	vsel vm1, $0x3F800000, v0;
	v11 =	vld [tilespmem:s30+$0x450];
	(erf) = vpow2.f32 v20  }
0xd4: {  	v15 =	vmul.f32 v13, v15;
	v12 =	vadd.f32 v21, v12;
	v18 =	vmul.f32 $1.442695020e+00, v19;
	v20 =	vld [tilespmem:s30+$0x460];
	v21 =	vpop (erf)  }
0xd5: {  	v9 =	vadd.f32 v13, v9;
	v13 =	vnsel vm3, $0x0, v13;
	v23 =	vld [tilespmem:s30+$0x470];
	(erf) = vpow2.f32 v17  }
0xd6: {  	v10 =	vmax.f32 v10, v19;
	v8 =	vadd.f32 v15, v8;
	v12 =	vadd.f32 v21, v12;
	v17 =	vld [tilespmem:s30+$0x800];
	v19 =	vpop (erf)  }
0xd7: {  	v10 =	vmax.f32 v10, v14;
	v14 =	vmul.f32 $1.442695020e+00, v14;
	v15 =	vld [tilespmem:s30+$0x810];
	(erf) = vpow2.f32 v18  }
0xd8: {  	v7 =	vadd.f32 v13, v7;
	v12 =	vadd.f32 v19, v12;
	v10 =	vmax.f32 v10, v11;
	v18 =	vld [tilespmem:s30+$0x820];
	v19 =	vpop (erf)  }
0xd9: {  	v11 =	vmul.f32 $1.442695020e+00, v11;
	v10 =	vmax.f32 v10, v20;
	v13 =	vld [tilespmem:s30+$0x830];
	(erf) = vpow2.f32 v14  }
0xda: {  	v14 =	vmul.f32 $1.442695020e+00, v20;
	v12 =	vadd.f32 v19, v12;
	v10 =	vmax.f32 v10, v23;
	v19 =	vld [tilespmem:s30+$0x840];
	v20 =	vpop (erf)  }
0xdb: {  	v10 =	vmax.f32 v10, v17;
	v17 =	vmul.f32 $1.442695020e+00, v17;
	v21 =	vld [tilespmem:s30+$0x850];
	(erf) = vpow2.f32 v11  }
0xdc: {  	v11 =	vadd.f32 v20, v12;
	v10 =	vmax.f32 v10, v15;
	v12 =	vmul.f32 $1.442695020e+00, v15;
	v15 =	vld [tilespmem:s30+$0x860];
	v20 =	vpop (erf)  }
0xdd: {  	v26 =	vmul.f32 $1.442695020e+00, v23;
	v10 =	vmax.f32 v10, v18;
	v24 =	vld [tilespmem:s30+$0x870];
	(erf) = vpow2.f32 v14  }
0xde: {  	v14 =	vmul.f32 $1.442695020e+00, v18;
	v11 =	vadd.f32 v20, v11;
	v10 =	vmax.f32 v10, v13;
	v18 =	vld [tilespmem:s30+$0xC00];
	v20 =	vpop (erf)  }
0xdf: {  	v13 =	vmul.f32 $1.442695020e+00, v13;
	v10 =	vmax.f32 v10, v19;
	v25 =	vld [tilespmem:s30+$0xC40];
	(erf) = vpow2.f32 v26  }
0xe0: {  	v19 =	vmul.f32 $1.442695020e+00, v19;
	v11 =	vadd.f32 v20, v11;
	v10 =	vmax.f32 v10, v21;
	v20 =	vld [tilespmem:s30+$0xC20];
	v23 =	vpop (erf)  }
0xe1: {  	v21 =	vmul.f32 $1.442695020e+00, v21;
	v10 =	vmax.f32 v10, v15;
	v26 =	vld [tilespmem:s30+$0xC50];
	(erf) = vpow2.f32 v17  }
0xe2: {  	v15 =	vmul.f32 $1.442695020e+00, v15;
	v11 =	vadd.f32 v23, v11;
	v10 =	vmax.f32 v10, v24;
	v17 =	vpop (erf)  }
0xe3: {  	v23 =	vmul.f32 $1.442695020e+00, v24;
	v10 =	vmax.f32 v10, v18;
	(erf) = vpow2.f32 v12  }
0xe4: {  	v11 =	vadd.f32 v17, v11;
	v10 =	vmax.f32 v10, v22;
	v12 =	vmul.f32 $1.442695020e+00, v25;
	v17 =	vld [tilespmem:s30+$0xC60];
	v24 =	vpop (erf)  }
0xe5: {  	v18 =	vmul.f32 $1.442695020e+00, v18;
	v10 =	vmax.f32 v10, v20;
	v27 =	vld [tilespmem:s30+$0xC70];
	(erf) = vpow2.f32 v14  }
0xe6: {  	v11 =	vadd.f32 v24, v11;
	v10 =	vmax.f32 v10, v16;
	v14 =	vmul.f32 $1.442695020e+00, v26;
	v24 =	vpop (erf)  }
0xe7: {  	v22 =	vmul.f32 $1.442695020e+00, v22;
	v10 =	vmax.f32 v10, v25;
	v25 =	vld [tilespmem:s30+$0x1000];
	(erf) = vpow2.f32 v13  }
0xe8: {  	v13 =	vmul.f32 $1.442695020e+00, v16;
	v11 =	vadd.f32 v24, v11;
	v10 =	vmax.f32 v10, v26;
	v16 =	vpop (erf)  }
0xe9: {  	v10 =	vmax.f32 v10, v17;
	v17 =	vmul.f32 $1.442695020e+00, v17;
	v24 =	vld [tilespmem:s30+$0x1010];
	(erf) = vpow2.f32 v19  }
0xea: {  	v11 =	vadd.f32 v16, v11;
	v10 =	vmax.f32 v10, v27;
	v16 =	vmul.f32 $1.442695020e+00, v27;
	v19 =	vpop (erf)  }
0xeb: {  	v26 =	vld [tilespmem:s30+$0x1020];
	(erf) = vpow2.f32 v21  }
0xec: {  	v11 =	vadd.f32 v19, v11;
	v10 =	vmax.f32 v10, v25;
	v19 =	vmul.f32 $1.442695020e+00, v25;
	v21 =	vpop (erf)  }
0xed: {  	v25 =	vld [tilespmem:s30+$0x1030];
	(erf) = vpow2.f32 v15  }
0xee: {  	v11 =	vadd.f32 v21, v11;
	v21 =	vmul.f32 $1.442695020e+00, v24;
	v15 =	vpop (erf)  }
0xef: {  	v27 =	vld [tilespmem:s30+$0x1040];
	(erf) = vpow2.f32 v23  }
0xf0: {  	v11 =	vadd.f32 v15, v11;
	v23 =	vmul.f32 $1.442695020e+00, v26;
	v15 =	vpop (erf)  }
0xf1: {  	v28 =	vld [tilespmem:s30+$0x1050];
	(erf) = vpow2.f32 v18  }
0xf2: {  	v11 =	vadd.f32 v15, v11;
	v18 =	vmul.f32 $1.442695020e+00, v25;
	v15 =	vpop (erf)  }
0xf3: {  	v20 =	vmul.f32 $1.442695020e+00, v20;
	v29 =	vld [tilespmem:s30+$0x1060];
	(erf) = vpow2.f32 v22  }
0xf4: {  	v11 =	vadd.f32 v15, v11;
	v22 =	vmul.f32 $1.442695020e+00, v27;
	v15 =	vpop (erf)  }
0xf5: {  	v30 =	vld [tilespmem:s30+$0x1070];
	(erf) = vpow2.f32 v20  }
0xf6: {  	v11 =	vadd.f32 v15, v11;
	v20 =	vmul.f32 $1.442695020e+00, v28;
	v15 =	vpop (erf)  }
0xf7: {  	v31 =	vld [tilespmem:s30+$0x1400];
	(erf) = vpow2.f32 v13  }
0xf8: {  	s12 =	sand.u32 $0x7, s26;
	v10 =	vmax.f32 v10, v24;
	v11 =	vadd.f32 v15, v11;
	v24 =	vmul.f32 $1.442695020e+00, v29;
	v13 =	vpop (erf)  }
0xf9: {  	s12 =	sshll.u32 s12, $0x7;
	v10 =	vmax.f32 v10, v26;
	v15 =	vld [tilespmem:s30+$0x1410];
	(erf) = vpow2.f32 v12  }
0xfa: {  	s12 =	sadd.s32 s12, s29;
	v10 =	vmax.f32 v10, v25;
	v11 =	vadd.f32 v13, v11;
	v25 =	vmul.f32 $1.442695020e+00, v30;
	v12 =	vpop (erf)  }
0xfb: {  	s22 =	sor.u32 $0x1C58, s12;
	v10 =	vmax.f32 v10, v27;
	v13 =	vld [tilespmem:s30+$0x1420];
	(erf) = vpow2.f32 v14  }
0xfc: {  	v10 =	vmax.f32 v10, v28;
	v11 =	vadd.f32 v12, v11;
	v26 =	vmul.f32 $1.442695020e+00, v31;
	v27 =	vld [tilespmem:s22+$0x0];
	v12 =	vpop (erf)  }
0xfd: {  	v10 =	vmax.f32 v10, v29;
	v28 =	vld [tilespmem:s30+$0x1430];
	(erf) = vpow2.f32 v17  }
0xfe: {  	v10 =	vmax.f32 v10, v30;
	v11 =	vadd.f32 v12, v11;
	v17 =	vmul.f32 $1.442695020e+00, v15;
	v12 =	vld [tilespmem:s30+$0x1440];
	v29 =	vpop (erf)  }
0xff: {  	v10 =	vmax.f32 v10, v31;
	v14 =	vld [tilespmem:s30+$0x1450];
	(erf) = vpow2.f32 v16  }
0x100: {  	v10 =	vmax.f32 v10, v15;
	v16 =	vadd.f32 v29, v11;
	v29 =	vmul.f32 $1.442695020e+00, v13;
	v15 =	vld [tilespmem:s30+$0x1460];
	v30 =	vpop (erf)  }
0x101: {  	v10 =	vmax.f32 v10, v13;
	v11 =	vld [tilespmem:s30+$0x1470];
	v13 =	vmul.f32 $1.442695020e+00, v27;
	(erf) = vpow2.f32 v19  }
0x102: {  	v16 =	vadd.f32 v30, v16;
	v10 =	vmax.f32 v10, v28;
	v19 =	vmul.f32 $1.442695020e+00, v28;
	v28 =	vld [tilespmem:s30+$0x1800];
	v30 =	vpop (erf)  }
0x103: {  	v10 =	vmax.f32 v10, v12;
	v31 =	vmul.f32 $1.442695020e+00, v12;
	v32 =	vld [tilespmem:s30+$0x1810];
	(erf) = vpow2.f32 v21  }
0x104: {  	v12 =	vadd.f32 v30, v16;
	v10 =	vmax.f32 v10, v14;
	v16 =	vld [tilespmem:s30+$0x1820];
	v21 =	vpop (erf);
	(erf) = vpow2.f32 v13  }
0x105: {  	v10 =	vmax.f32 v10, v15;
	v30 =	vld [tilespmem:s30+$0x1830];
	(erf) = vpow2.f32 v23  }
0x106: {  	v13 =	vadd.f32 v21, v12;
	v10 =	vmax.f32 v10, v11;
	v12 =	vld [tilespmem:s30+$0x1840];
	v21 =	vpop (erf)  }
0x107: {  	v10 =	vmax.f32 v10, v28;
	v23 =	vmul.f32 $1.442695020e+00, v28;
	v28 =	vld [tilespmem:s30+$0x1850];
	(erf) = vpow2.f32 v18  }
0x108: {  	v18 =	vadd.f32 v21, v13;
	v10 =	vmax.f32 v10, v32;
	v21 =	vmul.f32 $1.442695020e+00, v32;
	v13 =	vld [tilespmem:s30+$0x1860];
	v32 =	vpop (erf)  }
0x109: {  	s22 =	sor.u32 $0x1C00, s12;
	v10 =	vmax.f32 v10, v16;
	v33 =	vmul.f32 $1.442695020e+00, v16;
	v34 =	vld [tilespmem:s30+$0x1870];
	(erf) = vpow2.f32 v22  }
0x10a: {  	v18 =	vadd.f32 v32, v18;
	v10 =	vmax.f32 v10, v30;
	v22 =	vmul.f32 $1.442695020e+00, v30;
	v16 =	vld [tilespmem:s22+$0x0];
	s22 =	sor.u32 $0x1C10, s12;
	v30 =	vpop (erf)  }
0x10b: {  	v35 =	vmax.f32 v10, v12;
	v32 =	vld [tilespmem:s22+$0x0];
	s22 =	sor.u32 $0x1C20, s12;
	(erf) = vpow2.f32 v20  }
0x10c: {  	v18 =	vadd.f32 v30, v18;
	v37 =	vmax.f32 v35, v28;
	v20 =	vmul.f32 $1.442695020e+00, v28;
	v28 =	vld [tilespmem:s22+$0x0];
	s22 =	sor.u32 $0x1C30, s12;
	v30 =	vpop (erf)  }
0x10d: {  	v37 =	vmax.f32 v37, v13;
	v36 =	vld [tilespmem:s22+$0x0];
	s22 =	sor.u32 $0x1C40, s12;
	(erf) = vpow2.f32 v24;
	v10 =	vpop (erf)  }
0x10e: {  	s12 =	sor.u32 $0x1C50, s12;
	v18 =	vadd.f32 v30, v18;
	v24 =	vmax.f32 v37, v34;
	v30 =	vmul.f32 $1.442695020e+00, v34;
	v34 =	vld [tilespmem:s22+$0x0];
	v35 =	vpop (erf)  }
0x10f: {  	v24 =	vmax.f32 v24, v16;
	v37 =	vld [tilespmem:s12+$0x0];
	(erf) = vpow2.f32 v25  }
0x110: {  	v18 =	vadd.f32 v35, v18;
	v24 =	vmax.f32 v24, v32;
	v25 =	vmul.f32 $1.442695020e+00, v32;
	v32 =	vpop (erf)  }
0x111: {  	v24 =	vmax.f32 v24, v28;
	v28 =	vmul.f32 $1.442695020e+00, v28;
	(erf) = vpow2.f32 v26  }
0x112: {  	v18 =	vadd.f32 v32, v18;
	v24 =	vmax.f32 v24, v36;
	v26 =	vmul.f32 $1.442695020e+00, v36;
	v32 =	vpop (erf)  }
0x113: {  	v24 =	vmax.f32 v24, v34;
	v34 =	vmul.f32 $1.442695020e+00, v34;
	(erf) = vpow2.f32 v17  }
0x114: {  	v35 =	vsel vm0, $0xF149F2CA, v27;
	v17 =	vadd.f32 v32, v18;
	v18 =	vmax.f32 v24, v37;
	v27 =	vpop (erf)  }
0x115: {  	v32 =	vmul.f32 $1.442695020e+00, v37;
	v18 =	vmax.f32 v18, v35;
	(erf) = vpow2.f32 v29  }
0x116: {  	v17 =	vadd.f32 v27, v17;
	[tilespmem:$0x10400] =	vst v18;
	v24 =	vpop (erf)  }
0x117: {  	(erf) = vpow2.f32 v19  }
0x118: {  	v17 =	vadd.f32 v24, v17;
	v19 =	vpop (erf)  }
0x119: {  	v14 =	vmul.f32 $1.442695020e+00, v14;
	(erf) = vpow2.f32 v31  }
0x11a: {  	v24 =	vadd.f32 v19, v17;
	v19 =	vpop (erf)  }
0x11b: {  	v27 =	vmul.f32 $1.442695020e+00, v15;
	(erf) = vpow2.f32 v14  }
0x11c: {  	v14 =	vadd.f32 v19, v24;
	v17 =	vpop (erf)  }
0x11d: {  	v11 =	vmul.f32 $1.442695020e+00, v11;
	(erf) = vpow2.f32 v27  }
0x11e: {  	v17 =	vadd.f32 v17, v14;
	v15 =	vpop (erf)  }
0x11f: {  	(erf) = vpow2.f32 v11  }
0x120: {  	v11 =	vadd.f32 v15, v17;
	v14 =	vpop (erf)  }
0x121: {  	(erf) = vpow2.f32 v23  }
0x122: {  	v11 =	vadd.f32 v14, v11;
	v14 =	vpop (erf)  }
0x123: {  	(erf) = vpow2.f32 v21  }
0x124: {  	v11 =	vadd.f32 v14, v11;
	v14 =	vpop (erf)  }
0x125: {  	(erf) = vpow2.f32 v33  }
0x126: {  	v11 =	vadd.f32 v14, v11;
	v14 =	vpop (erf)  }
0x127: {  	v15 =	vmul.f32 $1.442695020e+00, v12;
	(erf) = vpow2.f32 v22  }
0x128: {  	v11 =	vadd.f32 v14, v11;
	v14 =	vpop (erf)  }
0x129: {  	(erf) = vpow2.f32 v15  }
0x12a: {  	v11 =	vadd.f32 v14, v11;
	v12 =	vpop (erf)  }
0x12b: {  	v13 =	vmul.f32 $1.442695020e+00, v13;
	(erf) = vpow2.f32 v20  }
0x12c: {  	v11 =	vadd.f32 v12, v11;
	v12 =	vpop (erf)  }
0x12d: {  	(erf) = vpow2.f32 v13  }
0x12e: {  	v11 =	vadd.f32 v12, v11;
	v12 =	vpop (erf)  }
0x12f: {  	v13 =	vmul.f32 $1.442695020e+00, v16;
	(erf) = vpow2.f32 v30  }
0x130: {  	v11 =	vadd.f32 v12, v11;
	v12 =	vpop (erf)  }
0x131: {  	v14 =	vld.idx.msk [tilespmem:v1+s19+$0x0], $0xffff;
	(erf) = vpow2.f32 v13  }
0x132: {  	v11 =	vadd.f32 v12, v11;
	v12 =	vpop (erf)  }
0x133: {  	(erf) = vpow2.f32 v25  }
0x134: {  	v11 =	vadd.f32 v12, v11;
	v12 =	vpop (erf)  }
0x135: {  	(erf) = vpow2.f32 v28  }
0x136: {  	v11 =	vadd.f32 v12, v11;
	v12 =	vpop (erf)  }
0x137: {  	v13 =	vmax.f32 v18, v14;
	(erf) = vpow2.f32 v26  }
0x138: {  	v11 =	vadd.f32 v12, v11;
	[tilespmem:$0x10400] =	vst v13;
	v12 =	vpop (erf)  }
0x139: {  	v14 =	vld.idx.msk [tilespmem:v2+s19+$0x0], $0xffff;
	(erf) = vpow2.f32 v34  }
0x13a: {  	v11 =	vadd.f32 v12, v11;
	v12 =	vpop (erf)  }
0x13b: {  	(erf) = vpow2.f32 v32  }
0x13c: {  	v11 =	vadd.f32 v12, v11;
	v12 =	vpop (erf);
	_ =	sdelay $0x1  }
0x13d: {  	v11 =	vadd.f32 v12, v11;
	v12 =	vpop (erf)  }
0x13e: {  	v13 =	vmax.f32 v13, v14  }
0x13f: {  	v11 =	vadd.f32 v12, v11;
	[tilespmem:$0x10400] =	vst v13;
	v12 =	vpop (erf)  }
0x140: {  	v14 =	vld.idx.msk [tilespmem:v3+s19+$0x0], $0xffff  }
0x141: {  	v11 =	vadd.f32 v12, v11;
	v12 =	vpop (erf);
	_ =	sdelay $0x1  }
0x142: {  	v11 =	vadd.f32 v12, v11;
	v12 =	vpop (erf);
	_ =	sdelay $0x1  }
0x143: {  	v10 =	vsel vm0, $0x0, v10;
	v11 =	vadd.f32 v12, v11  }
0x144: {  	v12 =	vmax.f32 v13, v14  }
0x145: {  	v13 =	vadd.f32 v10, v11;
	[tilespmem:$0x10400] =	vst v12  }
0x146: {  	v10 =	vld.idx.msk [tilespmem:v4+s19+$0x0], $0xffff  }
0x147: {  	[tilespmem:$0x10400] =	vst v13  }
0x148: {  	v14 =	vld.idx.msk [tilespmem:v1+s19+$0x0], $0xffff;
	_ =	sdelay $0x3  }
0x149: {  	v10 =	vmax.f32 v12, v10  }
0x14a: {  	s31 =	sadd.s32 $0x80, s31;
	s29 =	sadd.s32 $0x400, s29;
	v11 =	vmul.f32 $1.442695020e+00, v10  }
0x14b: {  	s22 =	sand.u32 $0x380, s31;
	s12 =	sand.u32 $0x6000, s29;
	v12 =	vadd.f32 v14, v13  }
0x14c: {  	s30 =	sor.u32 s22, s12  }
0x14d: {  	[tilespmem:$0x10400] =	vst v12  }
0x14e: {  	v13 =	vld.idx.msk [tilespmem:v2+s19+$0x0], $0xffff;
	_ =	sdelay $0x5  }
0x14f: {  	v12 =	vadd.f32 v13, v12;
	_ =	sdelay $0x1  }
0x150: {  	[tilespmem:$0x10400] =	vst v12  }
0x151: {  	v13 =	vld.idx.msk [tilespmem:v3+s19+$0x0], $0xffff;
	_ =	sdelay $0x5  }
0x152: {  	v16 =	vadd.f32 v13, v12  }
0x153: {  	v12 =	vmov s28;
	s28 =	smov.u32 s3  }
0x154: {  	v14 =	vshll.u32 v12, $0xA;
	v15 =	vshll.u32 v12, $0x7;
	[tilespmem:$0x10400] =	vst v16  }
.Ltmp0:
0x155: {  	v19 =	vld.idx.msk [tilespmem:v4+s19+$0x0], $0xffff;
	(pc) =	sbr.rel @p0 .LBB2_3-.Ltmp0, $4  }
0x156: {  	v18 =	vld [tilespmem:s30+$0x0]  }
0x157: {  	v17 =	vld [tilespmem:s30+$0x10]  }
0x158: {  	v13 =	vld.idx.msk [tilespmem:v12+s14+$0x0], $0xffff  }
0x159: {  	v12 =	vld [tilespmem:s30+$0x20]  }
0x15a: {  	_ = 	snop  }
0x15b: {  	v20 =	vmul.f32 $1.442695020e+00, v18  }
0x15c: {  	v21 =	vld [tilespmem:s30+$0x30];
	(erf) = vpow2.f32 v11  }
0x15d: {  	v16 =	vadd.f32 v19, v16;
	v19 =	vld [tilespmem:s30+$0x40];
	v11 =	vmul.f32 $1.442695020e+00, v17;
	(erf) = vpow2.f32 v20;
	_ =	sdelay $0x1  }
0x15e: {  	v20 =	vmul.f32 $1.442695020e+00, v12;
	(erf) = vpow2.f32 v11  }
0x15f: {  	v22 =	vld [tilespmem:s30+$0x50];
	(erf) = vrcp.f32 v16  }
0x160: {  	v11 =	vmul.f32 $1.442695020e+00, v21;
	(erf) = vpow2.f32 v20  }
0x161: {  	v16 =	vld [tilespmem:s30+$0x60];
	v20 =	vmul.f32 $1.442695020e+00, v19  }
0x162: {  	(erf) = vpow2.f32 v11  }
0x163: {  	v23 =	vld [tilespmem:s30+$0x70]  }
0x164: {  	v18 =	vmax.f32 v18, $-1.000000020e+30;
	v24 =	vmul.f32 $1.442695020e+00, v22;
	(erf) = vpow2.f32 v20;
	v11 =	vpop (erf)  }
0x165: {  	v17 =	vmax.f32 v18, v17;
	v18 =	vld [tilespmem:s30+$0x400];
	v20 =	vpop (erf)  }
0x166: {  	v25 =	vmul.f32 $1.442695020e+00, v16;
	(erf) = vpow2.f32 v24;
	v20 =	vadd.f32 $0.0e+00, v20  }
0x167: {  	v42 =	vld [tilespmem:s30+$0x410];
	v17 =	vmax.f32 v17, v12;
	v26 =	vpop (erf)  }
0x168: {  	v43 =	vld [tilespmem:s30+$0x420];
	v27 =	vmul.f32 $1.442695020e+00, v23;
	(erf) = vpow2.f32 v25;
	v12 =	vpop (erf);
	v20 =	vadd.f32 v26, v20  }
0x169: {  	v17 =	vmax.f32 v17, v21;
	v44 =	vpop (erf)  }
0x16a: {  	v45 =	vmul.f32 $1.442695020e+00, v18;
	(erf) = vpow2.f32 v27;
	v20 =	vadd.f32 v44, v20  }
0x16b: {  	v17 =	vmax.f32 v17, v19;
	v19 =	vld [tilespmem:s30+$0x430];
	v46 =	vpop (erf)  }
0x16c: {  	v48 =	vld [tilespmem:s30+$0x440];
	v47 =	vmul.f32 $1.442695020e+00, v42;
	(erf) = vpow2.f32 v45;
	v20 =	vadd.f32 v46, v20  }
0x16d: {  	v50 =	vmul.f32 $1.442695020e+00, v43;
	v49 =	vpop (erf)  }
0x16e: {  	v17 =	vmax.f32 v17, v22;
	(erf) = vpow2.f32 v47;
	v20 =	vadd.f32 v49, v20  }
0x16f: {  	v16 =	vmax.f32 v17, v16;
	v17 =	vld [tilespmem:s30+$0x450];
	v51 =	vpop (erf)  }
0x170: {  	v53 =	vld [tilespmem:s30+$0x460];
	v52 =	vmul.f32 $1.442695020e+00, v19;
	(erf) = vpow2.f32 v50;
	v20 =	vadd.f32 v51, v20  }
0x171: {  	v55 =	vmul.f32 $1.442695020e+00, v48;
	v54 =	vpop (erf)  }
0x172: {  	v16 =	vmax.f32 v16, v23;
	(erf) = vpow2.f32 v52;
	v20 =	vadd.f32 v54, v20  }
0x173: {  	v16 =	vmax.f32 v16, v18;
	v18 =	vld [tilespmem:s30+$0x470];
	v56 =	vpop (erf)  }
0x174: {  	v57 =	vmul.f32 $1.442695020e+00, v17;
	(erf) = vpow2.f32 v55;
	v20 =	vadd.f32 v56, v20  }
0x175: {  	v58 =	vld [tilespmem:s30+$0x800];
	v60 =	vmul.f32 $1.442695020e+00, v53;
	v59 =	vpop (erf)  }
0x176: {  	v61 =	vld [tilespmem:s30+$0x810];
	v16 =	vmax.f32 v16, v42;
	(erf) = vpow2.f32 v57;
	v20 =	vadd.f32 v59, v20  }
0x177: {  	v16 =	vmax.f32 v16, v43;
	v62 =	vpop (erf)  }
0x178: {  	v63 =	vmul.f32 $1.442695020e+00, v18;
	(erf) = vpow2.f32 v60;
	v20 =	vadd.f32 v62, v20  }
0x179: {  	v16 =	vmax.f32 v16, v19;
	v19 =	vld [tilespmem:s30+$0x820];
	v29 =	vpop (erf)  }
0x17a: {  	v31 =	vld [tilespmem:s30+$0x830];
	v30 =	vmul.f32 $1.442695020e+00, v58;
	(erf) = vpow2.f32 v63;
	v20 =	vadd.f32 v29, v20  }
0x17b: {  	v33 =	vmul.f32 $1.442695020e+00, v61;
	v32 =	vpop (erf)  }
0x17c: {  	v16 =	vmax.f32 v16, v48;
	(erf) = vpow2.f32 v30;
	v20 =	vadd.f32 v32, v20  }
0x17d: {  	v16 =	vmax.f32 v16, v17;
	v17 =	vld [tilespmem:s30+$0x840];
	v34 =	vpop (erf)  }
0x17e: {  	v36 =	vld [tilespmem:s30+$0x850];
	v35 =	vmul.f32 $1.442695020e+00, v19;
	(erf) = vpow2.f32 v33;
	v20 =	vadd.f32 v34, v20  }
0x17f: {  	v38 =	vmul.f32 $1.442695020e+00, v31;
	v37 =	vpop (erf)  }
0x180: {  	v16 =	vmax.f32 v16, v53;
	(erf) = vpow2.f32 v35;
	v20 =	vadd.f32 v37, v20  }
0x181: {  	v16 =	vmax.f32 v16, v18;
	v18 =	vld [tilespmem:s30+$0x860];
	v39 =	vpop (erf)  }
0x182: {  	v40 =	vmul.f32 $1.442695020e+00, v17;
	(erf) = vpow2.f32 v38;
	v20 =	vadd.f32 v39, v20  }
0x183: {  	v41 =	vld [tilespmem:s30+$0x870];
	v43 =	vmul.f32 $1.442695020e+00, v36;
	v42 =	vpop (erf)  }
0x184: {  	v44 =	vld [tilespmem:s30+$0xC00];
	v16 =	vmax.f32 v16, v58;
	(erf) = vpow2.f32 v40;
	v20 =	vadd.f32 v42, v20  }
0x185: {  	v16 =	vmax.f32 v16, v61;
	v45 =	vpop (erf)  }
0x186: {  	v46 =	vmul.f32 $1.442695020e+00, v18;
	(erf) = vpow2.f32 v43;
	v20 =	vadd.f32 v45, v20  }
0x187: {  	v47 =	vld [tilespmem:s30+$0xC10];
	v16 =	vmax.f32 v16, v19;
	v19 =	vpop (erf)  }
0x188: {  	v48 =	vmul.f32 $1.442695020e+00, v41;
	(erf) = vpow2.f32 v46;
	v19 =	vadd.f32 v19, v20  }
0x189: {  	v50 =	vmul.f32 $1.442695020e+00, v44;
	v49 =	vpop (erf);
	v20 =	vld [tilespmem:s30+$0xC20]  }
0x18a: {  	v16 =	vmax.f32 v16, v31;
	(erf) = vpow2.f32 v48;
	v19 =	vadd.f32 v49, v19  }
0x18b: {  	v51 =	vld [tilespmem:s30+$0xC30];
	v16 =	vmax.f32 v16, v17;
	v17 =	vpop (erf)  }
0x18c: {  	v52 =	vmul.f32 $1.442695020e+00, v47;
	(erf) = vpow2.f32 v50;
	v17 =	vadd.f32 v17, v19  }
0x18d: {  	v16 =	vmax.f32 v16, v36;
	v53 =	vpop (erf);
	v19 =	vld [tilespmem:s30+$0xC40]  }
0x18e: {  	(erf) = vpow2.f32 v52;
	v54 =	vmul.f32 $1.442695020e+00, v20;
	v17 =	vadd.f32 v53, v17  }
0x18f: {  	v16 =	vmax.f32 v16, v18;
	v18 =	vld [tilespmem:s30+$0xC50];
	v55 =	vpop (erf)  }
0x190: {  	v56 =	vmul.f32 $1.442695020e+00, v51;
	(erf) = vpow2.f32 v54;
	v17 =	vadd.f32 v55, v17  }
0x191: {  	v57 =	vld [tilespmem:s30+$0xC60];
	v58 =	vpop (erf)  }
0x192: {  	(erf) = vpow2.f32 v56;
	v59 =	vmul.f32 $1.442695020e+00, v19;
	v17 =	vadd.f32 v58, v17  }
0x193: {  	v60 =	vld [tilespmem:s30+$0xC70];
	v16 =	vmax.f32 v16, v41;
	v61 =	vpop (erf)  }
0x194: {  	s0 =	sadd.s32 $0x1, s26;
	v62 =	vmul.f32 $1.442695020e+00, v18;
	(erf) = vpow2.f32 v59;
	v17 =	vadd.f32 v61, v17  }
0x195: {  	s0 =	sand.u32 $0x7, s0;
	v63 =	vld [tilespmem:s30+$0x1000];
	v16 =	vmax.f32 v16, v44;
	v32 =	vpop (erf)  }
0x196: {  	s0 =	sshll.u32 s0, $0x7;
	v33 =	vmul.f32 $1.442695020e+00, v57;
	(erf) = vpow2.f32 v62;
	v17 =	vadd.f32 v32, v17  }
0x197: {  	s0 =	sadd.s32 s0, s29;
	v16 =	vmax.f32 v16, v47;
	v35 =	vpop (erf)  }
0x198: {  	s3 =	sor.u32 $0x1C58, s0;
	v28 =	vmul.f32 $1.442695020e+00, v60;
	v34 =	vld [tilespmem:s30+$0x1010];
	(erf) = vpow2.f32 v33;
	v17 =	vadd.f32 v35, v17  }
0x199: {  	v20 =	vmax.f32 v16, v20;
	v16 =	vld [tilespmem:s3+$0x0];
	v37 =	vpop (erf)  }
0x19a: {  	v36 =	vld [tilespmem:s30+$0x1020];
	v38 =	vmul.f32 $1.442695020e+00, v63;
	(erf) = vpow2.f32 v28;
	v17 =	vadd.f32 v37, v17  }
0x19b: {  	v20 =	vmax.f32 v20, v51;
	v39 =	vpop (erf)  }
0x19c: {  	v19 =	vmax.f32 v20, v19;
	v20 =	vld [tilespmem:s30+$0x1030];
	(erf) = vpow2.f32 v38;
	v17 =	vadd.f32 v39, v17  }
0x19d: {  	v40 =	vmul.f32 $1.442695020e+00, v34;
	v42 =	vpop (erf)  }
0x19e: {  	v18 =	vmax.f32 v19, v18;
	v19 =	vld [tilespmem:s30+$0x1040];
	v41 =	vmul.f32 $1.442695020e+00, v16;
	v17 =	vadd.f32 v42, v17  }
0x19f: {  	v29 =	vmul.f32 $1.442695020e+00, v36;
	(erf) = vpow2.f32 v40;
	v44 =	vpop (erf)  }
0x1a0: {  	v43 =	vld [tilespmem:s30+$0x1050];
	(erf) = vpow2.f32 v41;
	v17 =	vadd.f32 v44, v17  }
0x1a1: {  	v18 =	vmax.f32 v18, v57;
	v45 =	vmul.f32 $1.442695020e+00, v20;
	(erf) = vpow2.f32 v29;
	v47 =	vpop (erf)  }
0x1a2: {  	v46 =	vld [tilespmem:s30+$0x1060];
	v18 =	vmax.f32 v18, v60;
	v17 =	vadd.f32 v47, v17  }
0x1a3: {  	v49 =	vld [tilespmem:s30+$0x1070];
	v18 =	vmax.f32 v18, v63;
	v48 =	vmul.f32 $1.442695020e+00, v19;
	(erf) = vpow2.f32 v45;
	v50 =	vpop (erf)  }
0x1a4: {  	v18 =	vmax.f32 v18, v34;
	v17 =	vadd.f32 v50, v17  }
0x1a5: {  	v51 =	vmul.f32 $1.442695020e+00, v43;
	v18 =	vmax.f32 v18, v36;
	(erf) = vpow2.f32 v48;
	v54 =	vpop (erf)  }
0x1a6: {  	v52 =	vld [tilespmem:s30+$0x1400];
	v56 =	vadd.f32 v54, v17;
	v17 =	vmax.f32 v18, v20  }
0x1a7: {  	v53 =	vmul.f32 $1.442695020e+00, v46;
	v55 =	vld [tilespmem:s30+$0x1410];
	(erf) = vpow2.f32 v51  }
0x1a8: {  	v18 =	vmul.f32 $1.442695020e+00, v49;
	v20 =	vpop (erf)  }
0x1a9: {  	(erf) = vpow2.f32 v53;
	v19 =	vmax.f32 v17, v19;
	v20 =	vadd.f32 v20, v56;
	v17 =	vpop (erf)  }
0x1aa: {  	v57 =	vld [tilespmem:s30+$0x1420];
	v59 =	vpop (erf)  }
0x1ab: {  	v58 =	vmul.f32 $1.442695020e+00, v52;
	v60 =	vld [tilespmem:s30+$0x1430];
	(erf) = vpow2.f32 v18;
	v18 =	vadd.f32 v59, v20  }
0x1ac: {  	v20 =	vmul.f32 $1.442695020e+00, v55;
	v61 =	vpop (erf)  }
0x1ad: {  	v62 =	vld [tilespmem:s30+$0x1440];
	(erf) = vpow2.f32 v58;
	v18 =	vadd.f32 v61, v18  }
0x1ae: {  	v28 =	vpop (erf)  }
0x1af: {  	v63 =	vmul.f32 $1.442695020e+00, v57;
	v29 =	vld [tilespmem:s30+$0x1450];
	(erf) = vpow2.f32 v20;
	v18 =	vadd.f32 v28, v18  }
0x1b0: {  	v24 =	vmul.f32 $1.442695020e+00, v60;
	v19 =	vmax.f32 v19, v43;
	v20 =	vpop (erf)  }
0x1b1: {  	v30 =	vld [tilespmem:s30+$0x1460];
	v19 =	vmax.f32 v19, v46;
	(erf) = vpow2.f32 v63;
	v18 =	vadd.f32 v20, v18  }
0x1b2: {  	v32 =	vmul.f32 $1.442695020e+00, v62;
	v19 =	vmax.f32 v19, v49;
	v20 =	vpop (erf)  }
0x1b3: {  	v31 =	vld [tilespmem:s30+$0x1470];
	v19 =	vmax.f32 v19, v52;
	(erf) = vpow2.f32 v24;
	v18 =	vadd.f32 v20, v18  }
0x1b4: {  	v23 =	vmul.f32 $1.442695020e+00, v29;
	v19 =	vmax.f32 v19, v55;
	v20 =	vpop (erf)  }
0x1b5: {  	v33 =	vld [tilespmem:s30+$0x1800];
	v19 =	vmax.f32 v19, v57;
	(erf) = vpow2.f32 v32;
	v18 =	vadd.f32 v20, v18  }
0x1b6: {  	v22 =	vmul.f32 $1.442695020e+00, v30;
	v19 =	vmax.f32 v19, v60;
	v20 =	vpop (erf)  }
0x1b7: {  	v34 =	vld [tilespmem:s30+$0x1810];
	v19 =	vmax.f32 v19, v62;
	(erf) = vpow2.f32 v23;
	v18 =	vadd.f32 v20, v18  }
0x1b8: {  	v21 =	vmul.f32 $1.442695020e+00, v31;
	v35 =	vld [tilespmem:s30+$0x1820];
	v19 =	vmax.f32 v19, v29;
	v20 =	vpop (erf)  }
0x1b9: {  	v19 =	vmax.f32 v19, v30;
	(erf) = vpow2.f32 v22;
	v18 =	vadd.f32 v20, v18;
	v20 =	vld [tilespmem:s30+$0x1830]  }
0x1ba: {  	v37 =	vld [tilespmem:s30+$0x1840];
	v24 =	vmul.f32 $1.442695020e+00, v33;
	v19 =	vmax.f32 v19, v31;
	v36 =	vpop (erf)  }
0x1bb: {  	v38 =	vld [tilespmem:s30+$0x1850];
	v19 =	vmax.f32 v19, v33;
	(erf) = vpow2.f32 v21;
	v18 =	vadd.f32 v36, v18  }
0x1bc: {  	v25 =	vmul.f32 $1.442695020e+00, v34;
	v40 =	vld [tilespmem:s30+$0x1860];
	v19 =	vmax.f32 v19, v34;
	v39 =	vpop (erf)  }
0x1bd: {  	s31 =	sor.u32 $0x1C00, s0;
	v43 =	vld [tilespmem:s30+$0x1870];
	v19 =	vmax.f32 v19, v35;
	(erf) = vpow2.f32 v24;
	v18 =	vadd.f32 v39, v18  }
0x1be: {  	v14 =	vand.u32 $0x6000, v14;
	v41 =	vmul.f32 $1.442695020e+00, v35;
	v45 =	vld [tilespmem:s31+$0x0];
	v42 =	vpop (erf);
	v19 =	vmax.f32 v19, v20  }
0x1bf: {  	(erf) = vpow2.f32 v25;
	v18 =	vadd.f32 v42, v18;
	v19 =	vmax.f32 v19, v37  }
0x1c0: {  	s12 =	sor.u32 $0x1C10, s0;
	v44 =	vshll.u32 v13, $0x3;
	v20 =	vmul.f32 $1.442695020e+00, v20;
	v46 =	vpop (erf);
	v19 =	vmax.f32 v19, v38  }
0x1c1: {  	v47 =	vld [tilespmem:s12+$0x0];
	(erf) = vpow2.f32 v41;
	v18 =	vadd.f32 v46, v18;
	v19 =	vmax.f32 v19, v40  }
0x1c2: {  	v26 =	vmul.f32 $1.442695020e+00, v37;
	v48 =	vand.u32 $0xFFFFFC00, v44;
	v49 =	vpop (erf);
	v19 =	vmax.f32 v19, v43  }
0x1c3: {  	s22 =	sor.u32 $0x1C20, s0;
	(erf) = vpow2.f32 v20;
	v18 =	vadd.f32 v49, v18;
	v19 =	vmax.f32 v19, v45  }
0x1c4: {  	v15 =	vand.u32 $0x380, v15;
	s26 =	sor.u32 $0x1C30, s0;
	v14 =	vadd.s32 v14, v48;
	v50 =	vld [tilespmem:s22+$0x0];
	v52 =	vpop (erf)  }
0x1c5: {  	s31 =	sor.u32 $0x1C40, s0;
	v51 =	vld [tilespmem:s26+$0x0];
	v20 =	vmul.f32 $1.442695020e+00, v38;
	(erf) = vpow2.f32 v26;
	v18 =	vadd.f32 v52, v18  }
0x1c6: {  	s0 =	sor.u32 $0x1C50, s0;
	v13 =	vand.u32 $0x7F, v13;
	v14 =	vor.u32 v15, v14;
	v53 =	vld [tilespmem:s31+$0x0];
	v15 =	vmax.f32 v19, v47;
	v19 =	vpop (erf)  }
0x1c7: {  	v54 =	vld [tilespmem:s0+$0x0];
	v55 =	vmul.f32 $1.442695020e+00, v40;
	(erf) = vpow2.f32 v20;
	v18 =	vadd.f32 v19, v18  }
0x1c8: {  	v13 =	vor.u32 v13, v14;
	v14 =	vmul.f32 $1.442695020e+00, v43;
	v19 =	vpop (erf)  }
0x1c9: {  	v15 =	vmax.f32 v15, v50;
	(erf) = vpow2.f32 v55;
	v18 =	vadd.f32 v19, v18  }
0x1ca: {  	v16 =	vsel vm0, $0xF149F2CA, v16;
	v15 =	vmax.f32 v15, v51;
	v20 =	vmul.f32 $1.442695020e+00, v45;
	v19 =	vpop (erf)  }
0x1cb: {  	v15 =	vmax.f32 v15, v53;
	(erf) = vpow2.f32 v14;
	v14 =	vadd.f32 v19, v18  }
0x1cc: {  	v15 =	vmax.f32 v15, v54;
	v19 =	vpop (erf)  }
0x1cd: {  	v18 =	vmul.f32 $1.442695020e+00, v47;
	(erf) = vpow2.f32 v20;
	v14 =	vadd.f32 v19, v14  }
0x1ce: {  	v15 =	vmax.f32 v15, v16;
	v16 =	vpop (erf)  }
0x1cf: {  	v13 =	vld.idx.msk [tilespmem:v13+s2+$0x0], $0xffff;
	[tilespmem:$0x10400] =	vst v15;
	v19 =	vmul.f32 $1.442695020e+00, v50;
	(erf) = vpow2.f32 v18;
	v14 =	vadd.f32 v16, v14  }
0x1d0: {  	v20 =	vld.idx.msk [tilespmem:v1+s19+$0x0], $0xffff;
	v16 =	vpop (erf)  }
0x1d1: {  	v18 =	vmul.f32 $1.442695020e+00, v51;
	(erf) = vpow2.f32 v19;
	v14 =	vadd.f32 v16, v14  }
0x1d2: {  	v19 =	vmul.f32 $1.442695020e+00, v53;
	v16 =	vpop (erf)  }
0x1d3: {  	(erf) = vpow2.f32 v18;
	v14 =	vadd.f32 v16, v14  }
0x1d4: {  	v18 =	vmul.f32 $1.442695020e+00, v54;
	v16 =	vpop (erf)  }
0x1d5: {  	v15 =	vmax.f32 v15, v20;
	(erf) = vpow2.f32 v19;
	v14 =	vadd.f32 v16, v14  }
0x1d6: {  	[tilespmem:$0x10400] =	vst v15;
	v19 =	vpop (erf)  }
0x1d7: {  	(erf) = vpow2.f32 v18;
	v16 =	vld.idx.msk [tilespmem:v2+s19+$0x0], $0xffff;
	v14 =	vadd.f32 v19, v14  }
0x1d8: {  	v18 =	vpop (erf)  }
0x1d9: {  	v14 =	vadd.f32 v18, v14  }
0x1da: {  	v18 =	vpop (erf)  }
0x1db: {  	v14 =	vadd.f32 v18, v14  }
0x1dc: {  	v15 =	vmax.f32 v15, v16;
	v16 =	vpop (erf)  }
0x1dd: {  	[tilespmem:$0x10400] =	vst v15;
	v14 =	vadd.f32 v16, v14  }
0x1de: {  	v18 =	vld.idx.msk [tilespmem:v3+s19+$0x0], $0xffff;
	v16 =	vpop (erf)  }
0x1df: {  	v14 =	vadd.f32 v16, v14  }
0x1e0: {  	v16 =	vpop (erf)  }
0x1e1: {  	v14 =	vadd.f32 v16, v14  }
0x1e2: {  	v16 =	vsel vm0, $0x0, v17  }
0x1e3: {  	v15 =	vmax.f32 v15, v18;
	v14 =	vadd.f32 v16, v14  }
0x1e4: {  	[tilespmem:$0x10400] =	vst v15  }
0x1e5: {  	v16 =	vld.idx.msk [tilespmem:v4+s19+$0x0], $0xffff;
	[tilespmem:$0x10400] =	vst v14  }
0x1e6: {  	v17 =	vld.idx.msk [tilespmem:v1+s19+$0x0], $0xffff;
	_ =	sdelay $0x4  }
0x1e7: {  	v14 =	vadd.f32 v17, v14;
	_ =	sdelay $0x1  }
0x1e8: {  	[tilespmem:$0x10400] =	vst v14  }
0x1e9: {  	v17 =	vld.idx.msk [tilespmem:v2+s19+$0x0], $0xffff;
	_ =	sdelay $0x4  }
0x1ea: {  	v14 =	vadd.f32 v17, v14;
	_ =	sdelay $0x1  }
0x1eb: {  	[tilespmem:$0x10400] =	vst v14  }
0x1ec: {  	v17 =	vld.idx.msk [tilespmem:v3+s19+$0x0], $0xffff;
	_ =	sdelay $0x4  }
0x1ed: {  	v17 =	vadd.f32 v17, v14  }
0x1ee: {  	v18 =	vmov s28  }
0x1ef: {  	[tilespmem:$0x10400] =	vst v17  }
0x1f0: {  	v19 =	vld.idx.msk [tilespmem:v4+s19+$0x0], $0xffff;
	_ =	sdelay $0x2  }
0x1f1: {  	v14 =	vmax.f32 v15, v16;
	v20 =	vld.idx.msk [tilespmem:v18+s14+$0x0], $0xffff  }
0x1f2: {  	v15 =	vmul.f32 $1.442695020e+00, v14  }
0x1f3: {  	v16 =	vadd.f32 v19, v17  }
0x1f4: {  	(erf) = vpow2.f32 v15  }
0x1f5: {  	(erf) = vrcp.f32 v16  }
0x1f6: {  	v15 =	vshll.u32 v18, $0xA;
	v17 =	vshll.u32 v20, $0x3  }
0x1f7: {  	v15 =	vand.u32 $0x6000, v15;
	v17 =	vand.u32 $0xFFFFFC00, v17;
	v16 =	vshll.u32 v18, $0x7  }
0x1f8: {  	v15 =	vadd.s32 v15, v17;
	v16 =	vand.u32 $0x380, v16  }
0x1f9: {  	v17 =	vand.u32 $0x7F, v20;
	v15 =	vor.u32 v16, v15  }
0x1fa: {  	v15 =	vor.u32 v17, v15;
	_ =	sdelay $0x2  }
0x1fb: {  	v16 =	vpop (erf)  }
0x1fc: {  	v17 =	vpop (erf)  }
0x1fd: {  	v15 =	vld.idx.msk [tilespmem:v15+s2+$0x0], $0xffff;
	_ =	swait.ge [sflag:s20], $0x8000  }
0x1fe: {  	[sflag:s20] =	ssyncset.done $0x0  }
0x1ff: {  	p0 =	seq.s32 s24, $0x3;
	[sflag:s20] =	ssyncadd.s32 $0xFFFF8000  }
0x200: {  	s0 =	sadd.s32 @!p0 s25, s8;
	_ =	swait.ge [sflag:s21], $0x20  }
0x201: {  	s12 =	simm.s32 @!p0 $0x0;
	s3 =	sshll.u32 @!p0 s0, $0x7;
	[sflag:s21] =	ssyncset.done $0x0  }
0x202: {  	s0 =	sshrl.u32 @!p0 s0, $0x3;
	s3 =	sadd.s32 @!p0 s4, s3;
	[sflag:s21] =	ssyncadd.s32 $0xFFFFFFE0  }
0x203: {  	[tilespmem:s12], [sflag:$0x1] =	stream.linear.gather @!p0 [hbm4b:s3+s12], $0x8000, $0x38;
	[tilespmem:$0x10480] =	vst v63  }
0x204: {  	s25 =	simm.s32 $0x0;
	s0 =	sadd.s32 @!p0 s1, s0;
	s3 =	simm.s32 @!p0 $0x10000  }
0x205: {  	[tilespmem:s3], [sflag:$0x3] =	stream.linear.gather @!p0 [hbm4b:s0+s12], $0x20, $0x38;
	[tilespmem:$0x10480] =	vst v63  }
0x206: {  	s22 =	sand.u32 $0x380, s25;
	s12 =	sand.u32 $0x6000, s25  }
0x207: {  	s0 =	sor.u32 s22, s12  }
0x208: {  	v18 =	vld [tilespmem:s0+$0x8000];
	_ =	sdelay $0x1  }
0x209: {  	v19 =	vld [tilespmem:s0+$0x8010];
	_ =	sdelay $0x1  }
0x20a: {  	v20 =	vld [tilespmem:s0+$0x8020]  }
0x20b: {  	v56 =	vmul.f32 $1.442695020e+00, v18  }
0x20c: {  	v57 =	vld [tilespmem:s0+$0x8030]  }
0x20d: {  	v58 =	vmul.f32 $1.442695020e+00, v19;
	(erf) = vpow2.f32 v56  }
0x20e: {  	v59 =	vld [tilespmem:s0+$0x8040]  }
0x20f: {  	v60 =	vmul.f32 $1.442695020e+00, v20;
	(erf) = vpow2.f32 v58  }
0x210: {  	v61 =	vld [tilespmem:s0+$0x8050]  }
0x211: {  	v62 =	vmul.f32 $1.442695020e+00, v57;
	(erf) = vpow2.f32 v60  }
0x212: {  	v63 =	vld [tilespmem:s0+$0x8060]  }
0x213: {  	v31 =	vmul.f32 $1.442695020e+00, v59;
	(erf) = vpow2.f32 v62  }
0x214: {  	v32 =	vld [tilespmem:s0+$0x8070]  }
0x215: {  	v18 =	vmax.f32 v18, $-1.000000020e+30;
	v33 =	vmul.f32 $1.442695020e+00, v61;
	(erf) = vpow2.f32 v31  }
0x216: {  	v18 =	vmax.f32 v18, v19;
	v19 =	vld [tilespmem:s0+$0x8400];
	v34 =	vpop (erf)  }
0x217: {  	v35 =	vmul.f32 $1.442695020e+00, v63;
	(erf) = vpow2.f32 v33;
	v26 =	vadd.f32 $0.0e+00, v34  }
0x218: {  	v18 =	vmax.f32 v18, v20;
	v20 =	vld [tilespmem:s0+$0x8410];
	v36 =	vpop (erf)  }
0x219: {  	v38 =	vld [tilespmem:s0+$0x8420];
	v37 =	vmul.f32 $1.442695020e+00, v32;
	(erf) = vpow2.f32 v35;
	v26 =	vadd.f32 v36, v26  }
0x21a: {  	v39 =	vpop (erf)  }
0x21b: {  	v41 =	vld [tilespmem:s0+$0x8430];
	v40 =	vmul.f32 $1.442695020e+00, v19;
	(erf) = vpow2.f32 v37;
	v26 =	vadd.f32 v39, v26  }
0x21c: {  	v42 =	vpop (erf)  }
0x21d: {  	v44 =	vld [tilespmem:s0+$0x8440];
	v43 =	vmul.f32 $1.442695020e+00, v20;
	(erf) = vpow2.f32 v40;
	v26 =	vadd.f32 v42, v26  }
0x21e: {  	v46 =	vmul.f32 $1.442695020e+00, v38;
	v45 =	vpop (erf)  }
0x21f: {  	v18 =	vmax.f32 v18, v57;
	(erf) = vpow2.f32 v43;
	v26 =	vadd.f32 v45, v26  }
0x220: {  	v47 =	vld [tilespmem:s0+$0x8450];
	v49 =	vmul.f32 $1.442695020e+00, v41;
	v18 =	vmax.f32 v18, v59;
	v48 =	vpop (erf)  }
0x221: {  	v18 =	vmax.f32 v18, v61;
	(erf) = vpow2.f32 v46;
	v26 =	vadd.f32 v48, v26  }
0x222: {  	v50 =	vld [tilespmem:s0+$0x8460];
	v52 =	vmul.f32 $1.442695020e+00, v44;
	v18 =	vmax.f32 v18, v63;
	v51 =	vpop (erf)  }
0x223: {  	v18 =	vmax.f32 v18, v32;
	(erf) = vpow2.f32 v49;
	v26 =	vadd.f32 v51, v26  }
0x224: {  	v18 =	vmax.f32 v18, v19;
	v19 =	vld [tilespmem:s0+$0x8470];
	v53 =	vpop (erf)  }
0x225: {  	v54 =	vmul.f32 $1.442695020e+00, v47;
	(erf) = vpow2.f32 v52;
	v26 =	vadd.f32 v53, v26  }
0x226: {  	v18 =	vmax.f32 v18, v20;
	v20 =	vld [tilespmem:s0+$0x8800];
	v55 =	vpop (erf)  }
0x227: {  	v56 =	vmul.f32 $1.442695020e+00, v50;
	v57 =	vld [tilespmem:s0+$0x8810];
	(erf) = vpow2.f32 v54;
	v26 =	vadd.f32 v55, v26  }
0x228: {  	v58 =	vpop (erf)  }
0x229: {  	v59 =	vmul.f32 $1.442695020e+00, v19;
	(erf) = vpow2.f32 v56;
	v26 =	vadd.f32 v58, v26  }
0x22a: {  	v60 =	vld [tilespmem:s0+$0x8820];
	v18 =	vmax.f32 v18, v38;
	v61 =	vpop (erf)  }
0x22b: {  	v62 =	vmul.f32 $1.442695020e+00, v20;
	(erf) = vpow2.f32 v59;
	v26 =	vadd.f32 v61, v26  }
0x22c: {  	v63 =	vld [tilespmem:s0+$0x8830];
	v33 =	vmul.f32 $1.442695020e+00, v57;
	v18 =	vmax.f32 v18, v41;
	v32 =	vpop (erf)  }
0x22d: {  	v18 =	vmax.f32 v18, v44;
	(erf) = vpow2.f32 v62;
	v26 =	vadd.f32 v32, v26  }
0x22e: {  	v34 =	vld [tilespmem:s0+$0x8840];
	v18 =	vmax.f32 v18, v47;
	v35 =	vpop (erf)  }
0x22f: {  	v36 =	vmul.f32 $1.442695020e+00, v60;
	(erf) = vpow2.f32 v33;
	v26 =	vadd.f32 v35, v26  }
0x230: {  	v37 =	vld [tilespmem:s0+$0x8850];
	v18 =	vmax.f32 v18, v50;
	v38 =	vpop (erf)  }
0x231: {  	v39 =	vmul.f32 $1.442695020e+00, v63;
	(erf) = vpow2.f32 v36;
	v26 =	vadd.f32 v38, v26  }
0x232: {  	v18 =	vmax.f32 v18, v19;
	v19 =	vld [tilespmem:s0+$0x8860];
	v40 =	vpop (erf)  }
0x233: {  	v41 =	vmul.f32 $1.442695020e+00, v34;
	(erf) = vpow2.f32 v39;
	v26 =	vadd.f32 v40, v26  }
0x234: {  	v18 =	vmax.f32 v18, v20;
	v20 =	vld [tilespmem:s0+$0x8870];
	v42 =	vpop (erf)  }
0x235: {  	v43 =	vmul.f32 $1.442695020e+00, v37;
	(erf) = vpow2.f32 v41;
	v26 =	vadd.f32 v42, v26  }
0x236: {  	v44 =	vld [tilespmem:s0+$0x8C00];
	v18 =	vmax.f32 v18, v57;
	v45 =	vpop (erf)  }
0x237: {  	v46 =	vmul.f32 $1.442695020e+00, v19;
	(erf) = vpow2.f32 v43;
	v26 =	vadd.f32 v45, v26  }
0x238: {  	v47 =	vld [tilespmem:s0+$0x8C10];
	v18 =	vmax.f32 v18, v60;
	v48 =	vpop (erf)  }
0x239: {  	v49 =	vmul.f32 $1.442695020e+00, v20;
	(erf) = vpow2.f32 v46;
	v21 =	vadd.f32 v48, v26  }
0x23a: {  	v50 =	vld [tilespmem:s0+$0x8C20];
	v18 =	vmax.f32 v18, v63;
	v51 =	vpop (erf)  }
0x23b: {  	v52 =	vmul.f32 $1.442695020e+00, v44;
	(erf) = vpow2.f32 v49;
	v21 =	vadd.f32 v51, v21  }
0x23c: {  	v18 =	vmax.f32 v18, v34;
	v53 =	vld [tilespmem:s0+$0x8C30];
	v54 =	vpop (erf)  }
0x23d: {  	v55 =	vmul.f32 $1.442695020e+00, v47;
	(erf) = vpow2.f32 v52;
	v21 =	vadd.f32 v54, v21  }
0x23e: {  	v18 =	vmax.f32 v18, v37;
	v56 =	vld [tilespmem:s0+$0x8C40];
	v57 =	vpop (erf)  }
0x23f: {  	v58 =	vmul.f32 $1.442695020e+00, v50;
	(erf) = vpow2.f32 v55;
	v21 =	vadd.f32 v57, v21  }
0x240: {  	v18 =	vmax.f32 v18, v19;
	v19 =	vld [tilespmem:s0+$0x8C50];
	v59 =	vpop (erf)  }
0x241: {  	v60 =	vmul.f32 $1.442695020e+00, v53;
	(erf) = vpow2.f32 v58;
	v21 =	vadd.f32 v59, v21  }
0x242: {  	v18 =	vmax.f32 v18, v20;
	v20 =	vld [tilespmem:s0+$0x8C60];
	v61 =	vpop (erf)  }
0x243: {  	v63 =	vld [tilespmem:s0+$0x8C70];
	v62 =	vmul.f32 $1.442695020e+00, v56;
	(erf) = vpow2.f32 v60;
	v21 =	vadd.f32 v61, v21  }
0x244: {  	v18 =	vmax.f32 v18, v44;
	v33 =	vpop (erf)  }
0x245: {  	s26 =	sand.u32 $0x7, s25;
	v34 =	vmul.f32 $1.442695020e+00, v19;
	(erf) = vpow2.f32 v62;
	v21 =	vadd.f32 v33, v21  }
0x246: {  	s3 =	sshll.u32 s26, $0x7;
	v18 =	vmax.f32 v18, v47;
	v35 =	vld [tilespmem:s0+$0x9000];
	v36 =	vpop (erf)  }
0x247: {  	s3 =	sadd.s32 $0x0, s3;
	v37 =	vmul.f32 $1.442695020e+00, v20;
	(erf) = vpow2.f32 v34;
	v21 =	vadd.f32 v36, v21  }
0x248: {  	s31 =	sor.u32 $0x1C58, s3;
	v30 =	vmul.f32 $1.442695020e+00, v63;
	v23 =	vmax.f32 v18, v50;
	v38 =	vld [tilespmem:s0+$0x9010];
	v39 =	vpop (erf)  }
0x249: {  	v18 =	vld [tilespmem:s31+$0x8000];
	v23 =	vmax.f32 v23, v53;
	(erf) = vpow2.f32 v37;
	v21 =	vadd.f32 v39, v21  }
0x24a: {  	v23 =	vmax.f32 v23, v56;
	v40 =	vld [tilespmem:s0+$0x9020];
	v41 =	vpop (erf)  }
0x24b: {  	v42 =	vmul.f32 $1.442695020e+00, v35;
	(erf) = vpow2.f32 v30;
	v21 =	vadd.f32 v41, v21  }
0x24c: {  	v19 =	vmax.f32 v23, v19;
	v43 =	vld [tilespmem:s0+$0x9030];
	v44 =	vpop (erf)  }
0x24d: {  	v45 =	vmul.f32 $1.442695020e+00, v38;
	(erf) = vpow2.f32 v42;
	v21 =	vadd.f32 v44, v21  }
0x24e: {  	v47 =	vmul.f32 $1.442695020e+00, v18;
	v19 =	vmax.f32 v19, v20;
	v46 =	vld [tilespmem:s0+$0x9040];
	v48 =	vpop (erf)  }
0x24f: {  	v20 =	vld [tilespmem:s0+$0x9050];
	v31 =	vmul.f32 $1.442695020e+00, v40;
	(erf) = vpow2.f32 v45;
	v21 =	vadd.f32 v48, v21  }
0x250: {  	v19 =	vmax.f32 v19, v63;
	(erf) = vpow2.f32 v47;
	v49 =	vpop (erf)  }
0x251: {  	v50 =	vmul.f32 $1.442695020e+00, v43;
	(erf) = vpow2.f32 v31;
	v21 =	vadd.f32 v49, v21  }
0x252: {  	v19 =	vmax.f32 v19, v35;
	v51 =	vld [tilespmem:s0+$0x9060];
	v52 =	vpop (erf)  }
0x253: {  	v53 =	vmul.f32 $1.442695020e+00, v46;
	(erf) = vpow2.f32 v50;
	v21 =	vadd.f32 v52, v21  }
0x254: {  	v56 =	vmul.f32 $1.442695020e+00, v20;
	v19 =	vmax.f32 v19, v38;
	v54 =	vld [tilespmem:s0+$0x9070];
	v55 =	vpop (erf)  }
0x255: {  	v19 =	vmax.f32 v19, v40;
	(erf) = vpow2.f32 v53;
	v21 =	vadd.f32 v55, v21  }
0x256: {  	v19 =	vmax.f32 v19, v43;
	v57 =	vld [tilespmem:s0+$0x9400];
	v59 =	vpop (erf)  }
0x257: {  	v58 =	vmul.f32 $1.442695020e+00, v51;
	(erf) = vpow2.f32 v56;
	v21 =	vadd.f32 v59, v21  }
0x258: {  	v23 =	vmax.f32 v19, v46;
	v60 =	vld [tilespmem:s0+$0x9410];
	v62 =	vpop (erf)  }
0x259: {  	v63 =	vld [tilespmem:s0+$0x9420];
	v61 =	vmul.f32 $1.442695020e+00, v54;
	(erf) = vpow2.f32 v58;
	v19 =	vpop (erf);
	v21 =	vadd.f32 v62, v21  }
0x25a: {  	v33 =	vpop (erf)  }
0x25b: {  	v34 =	vld [tilespmem:s0+$0x9430];
	v32 =	vmul.f32 $1.442695020e+00, v57;
	(erf) = vpow2.f32 v61;
	v21 =	vadd.f32 v33, v21  }
0x25c: {  	v36 =	vpop (erf)  }
0x25d: {  	v37 =	vld [tilespmem:s0+$0x9440];
	v35 =	vmul.f32 $1.442695020e+00, v60;
	(erf) = vpow2.f32 v32;
	v21 =	vadd.f32 v36, v21  }
0x25e: {  	v38 =	vmul.f32 $1.442695020e+00, v63;
	v20 =	vmax.f32 v23, v20;
	v39 =	vpop (erf)  }
0x25f: {  	v40 =	vld [tilespmem:s0+$0x9450];
	v20 =	vmax.f32 v20, v51;
	(erf) = vpow2.f32 v35;
	v21 =	vadd.f32 v39, v21  }
0x260: {  	v20 =	vmax.f32 v20, v54;
	v25 =	vmul.f32 $1.442695020e+00, v34;
	v41 =	vpop (erf)  }
0x261: {  	v20 =	vmax.f32 v20, v57;
	(erf) = vpow2.f32 v38;
	v21 =	vadd.f32 v41, v21  }
0x262: {  	v42 =	vld [tilespmem:s0+$0x9460];
	v20 =	vmax.f32 v20, v60;
	v45 =	vmul.f32 $1.442695020e+00, v37;
	v43 =	vpop (erf)  }
0x263: {  	v20 =	vmax.f32 v20, v63;
	(erf) = vpow2.f32 v25;
	v21 =	vadd.f32 v43, v21  }
0x264: {  	v26 =	vmul.f32 $1.442695020e+00, v40;
	v20 =	vmax.f32 v20, v34;
	v44 =	vld [tilespmem:s0+$0x9470];
	v46 =	vpop (erf)  }
0x265: {  	v20 =	vmax.f32 v20, v37;
	(erf) = vpow2.f32 v45;
	v21 =	vadd.f32 v46, v21  }
0x266: {  	v47 =	vld [tilespmem:s0+$0x9800];
	v20 =	vmax.f32 v20, v40;
	v48 =	vpop (erf)  }
0x267: {  	v24 =	vmul.f32 $1.442695020e+00, v42;
	(erf) = vpow2.f32 v26;
	v21 =	vadd.f32 v48, v21  }
0x268: {  	v20 =	vmax.f32 v20, v42;
	v49 =	vld [tilespmem:s0+$0x9810];
	v50 =	vpop (erf)  }
0x269: {  	v51 =	vld [tilespmem:s0+$0x9820];
	v23 =	vmul.f32 $1.442695020e+00, v44;
	(erf) = vpow2.f32 v24;
	v21 =	vadd.f32 v50, v21  }
0x26a: {  	v20 =	vmax.f32 v20, v44;
	v53 =	vpop (erf)  }
0x26b: {  	v52 =	vld [tilespmem:s0+$0x9830];
	v25 =	vmul.f32 $1.442695020e+00, v47;
	(erf) = vpow2.f32 v23;
	v21 =	vadd.f32 v53, v21  }
0x26c: {  	v20 =	vmax.f32 v20, v47;
	v56 =	vpop (erf)  }
0x26d: {  	v54 =	vld [tilespmem:s0+$0x9840];
	v27 =	vmul.f32 $1.442695020e+00, v49;
	(erf) = vpow2.f32 v25;
	v21 =	vadd.f32 v56, v21  }
0x26e: {  	v58 =	vmul.f32 $1.442695020e+00, v51;
	v55 =	vld [tilespmem:s0+$0x9850];
	v20 =	vmax.f32 v20, v49;
	v59 =	vpop (erf)  }
0x26f: {  	v57 =	vld [tilespmem:s0+$0x9860];
	v20 =	vmax.f32 v20, v51;
	(erf) = vpow2.f32 v27;
	v21 =	vadd.f32 v59, v21  }
0x270: {  	s12 =	sor.u32 $0x1C00, s3;
	v60 =	vld [tilespmem:s0+$0x9870];
	v20 =	vmax.f32 v20, v52;
	v62 =	vpop (erf)  }
0x271: {  	s22 =	sor.u32 $0x1C10, s3;
	v61 =	vld [tilespmem:s12+$0x8000];
	v22 =	vmul.f32 $1.442695020e+00, v52;
	(erf) = vpow2.f32 v58;
	v21 =	vadd.f32 v62, v21  }
0x272: {  	s26 =	sor.u32 $0x1C20, s3;
	v63 =	vld [tilespmem:s22+$0x8000];
	v28 =	vmul.f32 $1.442695020e+00, v54;
	v20 =	vmax.f32 v20, v54;
	v33 =	vpop (erf)  }
0x273: {  	v34 =	vld [tilespmem:s26+$0x8000];
	v20 =	vmax.f32 v20, v55;
	(erf) = vpow2.f32 v22;
	v21 =	vadd.f32 v33, v21  }
0x274: {  	s31 =	sor.u32 $0x1C30, s3;
	v35 =	vmul.f32 $1.442695020e+00, v55;
	v20 =	vmax.f32 v20, v57;
	v37 =	vpop (erf)  }
0x275: {  	s12 =	sor.u32 $0x1C40, s3;
	v20 =	vmax.f32 v20, v60;
	v36 =	vld [tilespmem:s31+$0x8000];
	(erf) = vpow2.f32 v28;
	v21 =	vadd.f32 v37, v21  }
0x276: {  	s22 =	sor.u32 $0x1C50, s3;
	v29 =	vmul.f32 $1.442695020e+00, v57;
	v38 =	vld [tilespmem:s12+$0x8000];
	v20 =	vmax.f32 v20, v61;
	v39 =	vpop (erf)  }
0x277: {  	v40 =	vld [tilespmem:s22+$0x8000];
	v20 =	vmax.f32 v20, v63;
	(erf) = vpow2.f32 v35;
	v21 =	vadd.f32 v39, v21  }
0x278: {  	v20 =	vmax.f32 v20, v34;
	v42 =	vpop (erf)  }
0x279: {  	v41 =	vmul.f32 $1.442695020e+00, v60;
	(erf) = vpow2.f32 v29;
	v21 =	vadd.f32 v42, v21  }
0x27a: {  	v25 =	vmul.f32 $1.442695020e+00, v61;
	v20 =	vmax.f32 v20, v36;
	v43 =	vpop (erf)  }
0x27b: {  	v20 =	vmax.f32 v20, v38;
	(erf) = vpow2.f32 v41;
	v21 =	vadd.f32 v43, v21  }
0x27c: {  	v18 =	vsel vm0, $0xF149F2CA, v18;
	v44 =	vmul.f32 $1.442695020e+00, v63;
	v20 =	vmax.f32 v20, v40;
	v45 =	vpop (erf)  }
0x27d: {  	v18 =	vmax.f32 v20, v18;
	(erf) = vpow2.f32 v25;
	v20 =	vadd.f32 v45, v21  }
0x27e: {  	v46 =	vpop (erf)  }
0x27f: {  	v47 =	vmul.f32 $1.442695020e+00, v34;
	[tilespmem:$0x10400] =	vst v18;
	(erf) = vpow2.f32 v44;
	v20 =	vadd.f32 v46, v20  }
0x280: {  	v48 =	vld.idx.msk [tilespmem:v1+s19+$0x0], $0xffff;
	v49 =	vpop (erf)  }
0x281: {  	v50 =	vmul.f32 $1.442695020e+00, v36;
	(erf) = vpow2.f32 v47;
	v20 =	vadd.f32 v49, v20  }
0x282: {  	v51 =	vpop (erf)  }
0x283: {  	v52 =	vmul.f32 $1.442695020e+00, v38;
	(erf) = vpow2.f32 v50;
	v20 =	vadd.f32 v51, v20  }
0x284: {  	v54 =	vmul.f32 $1.442695020e+00, v40;
	v53 =	vpop (erf)  }
0x285: {  	v18 =	vmax.f32 v18, v48;
	(erf) = vpow2.f32 v52;
	v20 =	vadd.f32 v53, v20  }
0x286: {  	[tilespmem:$0x10400] =	vst v18;
	v56 =	vpop (erf)  }
0x287: {  	v55 =	vld.idx.msk [tilespmem:v2+s19+$0x0], $0xffff;
	(erf) = vpow2.f32 v54;
	v20 =	vadd.f32 v56, v20  }
0x288: {  	v57 =	vpop (erf)  }
0x289: {  	v20 =	vadd.f32 v57, v20  }
0x28a: {  	v58 =	vpop (erf)  }
0x28b: {  	v20 =	vadd.f32 v58, v20  }
0x28c: {  	v18 =	vmax.f32 v18, v55;
	v59 =	vpop (erf)  }
0x28d: {  	[tilespmem:$0x10400] =	vst v18;
	v20 =	vadd.f32 v59, v20  }
0x28e: {  	v60 =	vld.idx.msk [tilespmem:v3+s19+$0x0], $0xffff;
	v61 =	vpop (erf)  }
0x28f: {  	v20 =	vadd.f32 v61, v20  }
0x290: {  	v62 =	vpop (erf)  }
0x291: {  	v20 =	vadd.f32 v62, v20  }
0x292: {  	v19 =	vsel vm0, $0x0, v19  }
0x293: {  	v63 =	vmax.f32 v18, v60;
	v18 =	vadd.f32 v19, v20  }
0x294: {  	[tilespmem:$0x10400] =	vst v63  }
0x295: {  	v20 =	vld.idx.msk [tilespmem:v4+s19+$0x0], $0xffff;
	[tilespmem:$0x10400] =	vst v18  }
0x296: {  	v19 =	vld.idx.msk [tilespmem:v1+s19+$0x0], $0xffff;
	_ =	sdelay $0x4  }
0x297: {  	v18 =	vadd.f32 v19, v18;
	_ =	sdelay $0x1  }
0x298: {  	[tilespmem:$0x10400] =	vst v18  }
0x299: {  	v19 =	vld.idx.msk [tilespmem:v2+s19+$0x0], $0xffff;
	_ =	sdelay $0x4  }
0x29a: {  	v18 =	vadd.f32 v19, v18;
	_ =	sdelay $0x1  }
0x29b: {  	[tilespmem:$0x10400] =	vst v18  }
0x29c: {  	v11 =	vmul.f32 v12, v11;
	v12 =	vld.idx.msk [tilespmem:v3+s19+$0x0], $0xffff;
	_ =	sdelay $0x2  }
0x29d: {  	vm1 =	vgt.f32 v11, v5;
	vm2 =	vle.f32 v11, v6;
	v17 =	vmul.f32 v17, v16  }
0x29e: {  	vm1 =	vmand vm1, vm2  }
0x29f: {  	vm3 =	veq.f32 v13, v10;
	vm2 =	vle.f32 v17, v6;
	v16 =	vadd.f32 v12, v18  }
0x2a0: {  	s30 =	simm.s32 $0x80;
	s28 =	simm.s32 $0x400;
	v19 =	vsel vm1, $0x3F800000, v0;
	vm1 =	vgt.f32 v17, v5;
	v12 =	vmov s25  }
0x2a1: {  	s26 =	sand.u32 $0x6000, s28;
	s31 =	sand.u32 $0x380, s30;
	v11 =	vmul.f32 v19, v11;
	vm1 =	vmand vm1, vm2;
	v10 =	vnsel vm3, $0x0, v19;
	[tilespmem:$0x10400] =	vst v16  }
0x2a2: {  	s29 =	sor.u32 s31, s26;
	v9 =	vadd.f32 v19, v9;
	v13 =	vsel vm1, $0x3F800000, v0;
	v7 =	vadd.f32 v10, v7;
	v19 =	vld.idx.msk [tilespmem:v4+s19+$0x0], $0xffff  }
0x2a3: {  	vm1 =	veq.f32 v15, v14;
	v11 =	vadd.f32 v11, v8;
	v10 =	vmul.f32 v13, v17;
	v18 =	vld [tilespmem:s29+$0x8000]  }
0x2a4: {  	v8 =	vadd.f32 v13, v9;
	v13 =	vnsel vm1, $0x0, v13;
	v17 =	vld [tilespmem:s29+$0x8010]  }
0x2a5: {  	v7 =	vadd.f32 v13, v7;
	v9 =	vadd.f32 v10, v11;
	v10 =	vmax.f32 v63, v20;
	v13 =	vld.idx.msk [tilespmem:v12+s18+$0x0], $0xffff  }
0x2a6: {  	s0 =	simm.s32 $0x2;
	s26 =	simm.s32 $0x1;
	v11 =	vmul.f32 $1.442695020e+00, v10;
	v14 =	vshll.u32 v12, $0xA;
	v15 =	vshll.u32 v12, $0x7;
	v12 =	vld [tilespmem:s29+$0x8020]  }
.LBB2_5:
0x2a7: {  	p0 =	sne.s32 s0, $0x1F  }
0x2a8: {  	s25 =	sadd.s32 $0x1, s25;
	s3 =	smov.u32 s0;
	s0 =	sadd.s32 $0x1, s0  }
0x2a9: {  	v16 =	vadd.f32 v19, v16;
	v20 =	vmax.f32 v18, $-1.000000020e+30;
	v18 =	vmul.f32 $1.442695020e+00, v18;
	v21 =	vld [tilespmem:s29+$0x8030]  }
0x2aa: {  	v19 =	vmax.f32 v20, v17;
	v17 =	vmul.f32 $1.442695020e+00, v17;
	(erf) = vpow2.f32 v11  }
0x2ab: {  	v15 =	vand.u32 $0x380, v15;
	v11 =	vld [tilespmem:s29+$0x8040];
	(erf) = vpow2.f32 v18  }
0x2ac: {  	v18 =	vmul.f32 $1.442695020e+00, v12;
	(erf) = vpow2.f32 v17;
	v17 =	vshll.u32 v13, $0x3  }
0x2ad: {  	v14 =	vand.u32 $0x6000, v14;
	v20 =	vld [tilespmem:s29+$0x8050];
	v17 =	vand.u32 $0xFFFFFC00, v17;
	(erf) = vrcp.f32 v16  }
0x2ae: {  	v16 =	vmul.f32 $1.442695020e+00, v21;
	(erf) = vpow2.f32 v18;
	v14 =	vadd.s32 v14, v17  }
0x2af: {  	v13 =	vand.u32 $0x7F, v13;
	v17 =	vld [tilespmem:s29+$0x8060];
	v14 =	vor.u32 v15, v14  }
0x2b0: {  	v22 =	vmul.f32 $1.442695020e+00, v11;
	(erf) = vpow2.f32 v16;
	v13 =	vor.u32 v13, v14  }
0x2b1: {  	v12 =	vmax.f32 v19, v12;
	v14 =	vld [tilespmem:s29+$0x8070]  }
0x2b2: {  	v12 =	vmax.f32 v12, v21;
	v16 =	vmul.f32 $1.442695020e+00, v20;
	v18 =	vld [tilespmem:s29+$0x8420];
	(erf) = vpow2.f32 v22  }
0x2b3: {  	v11 =	vmax.f32 v12, v11;
	v12 =	vld [tilespmem:s29+$0x8400];
	v15 =	vpop (erf)  }
0x2b4: {  	v11 =	vmax.f32 v11, v20;
	v22 =	vmul.f32 $1.442695020e+00, v17;
	v20 =	vld [tilespmem:s29+$0x8410];
	v21 =	vpop (erf);
	(erf) = vpow2.f32 v16  }
0x2b5: {  	v11 =	vmax.f32 v11, v17;
	v16 =	vadd.f32 $0.0e+00, v21;
	v17 =	vpop (erf);
	v13 =	vld.idx.msk [tilespmem:v13+s17+$0x0], $0xffff  }
0x2b6: {  	v11 =	vmax.f32 v11, v14;
	v14 =	vmul.f32 $1.442695020e+00, v14;
	(erf) = vpow2.f32 v22;
	v19 =	vpop (erf)  }
0x2b7: {  	v16 =	vadd.f32 v17, v16;
	v17 =	vmul.f32 $1.442695020e+00, v18;
	v21 =	vpop (erf);
	v15 =	vmul.f32 v19, v15  }
0x2b8: {  	v11 =	vmax.f32 v11, v12;
	v12 =	vmul.f32 $1.442695020e+00, v12;
	v19 =	vld [tilespmem:s29+$0x8430];
	(erf) = vpow2.f32 v14  }
0x2b9: {  	v14 =	vadd.f32 v21, v16;
	v11 =	vmax.f32 v11, v20;
	v16 =	vld [tilespmem:s29+$0x8C30];
	v21 =	vpop (erf);
	vm1 =	vgt.f32 v15, v5  }
0x2ba: {  	v20 =	vmul.f32 $1.442695020e+00, v20;
	vm2 =	vle.f32 v15, v6;
	v22 =	vld [tilespmem:s29+$0x8C10];
	(erf) = vpow2.f32 v12  }
0x2bb: {  	vm3 =	veq.f32 v13, v10;
	vm1 =	vmand vm1, vm2;
	v12 =	vadd.f32 v21, v14;
	v14 =	vld [tilespmem:s29+$0x8440];
	v21 =	vpop (erf)  }
0x2bc: {  	v10 =	vmax.f32 v11, v18;
	v13 =	vsel vm1, $0x3F800000, v0;
	v11 =	vld [tilespmem:s29+$0x8450];
	(erf) = vpow2.f32 v20  }
0x2bd: {  	v15 =	vmul.f32 v13, v15;
	v12 =	vadd.f32 v21, v12;
	v18 =	vmul.f32 $1.442695020e+00, v19;
	v20 =	vld [tilespmem:s29+$0x8460];
	v21 =	vpop (erf)  }
0x2be: {  	v8 =	vadd.f32 v13, v8;
	v13 =	vnsel vm3, $0x0, v13;
	v23 =	vld [tilespmem:s29+$0x8470];
	(erf) = vpow2.f32 v17  }
0x2bf: {  	v10 =	vmax.f32 v10, v19;
	v9 =	vadd.f32 v15, v9;
	v12 =	vadd.f32 v21, v12;
	v17 =	vld [tilespmem:s29+$0x8800];
	v19 =	vpop (erf)  }
0x2c0: {  	v10 =	vmax.f32 v10, v14;
	v14 =	vmul.f32 $1.442695020e+00, v14;
	v15 =	vld [tilespmem:s29+$0x8810];
	(erf) = vpow2.f32 v18  }
0x2c1: {  	v7 =	vadd.f32 v13, v7;
	v12 =	vadd.f32 v19, v12;
	v10 =	vmax.f32 v10, v11;
	v18 =	vld [tilespmem:s29+$0x8820];
	v19 =	vpop (erf)  }
0x2c2: {  	v11 =	vmul.f32 $1.442695020e+00, v11;
	v10 =	vmax.f32 v10, v20;
	v13 =	vld [tilespmem:s29+$0x8830];
	(erf) = vpow2.f32 v14  }
0x2c3: {  	v14 =	vmul.f32 $1.442695020e+00, v20;
	v12 =	vadd.f32 v19, v12;
	v10 =	vmax.f32 v10, v23;
	v19 =	vld [tilespmem:s29+$0x8840];
	v20 =	vpop (erf)  }
0x2c4: {  	v10 =	vmax.f32 v10, v17;
	v17 =	vmul.f32 $1.442695020e+00, v17;
	v21 =	vld [tilespmem:s29+$0x8850];
	(erf) = vpow2.f32 v11  }
0x2c5: {  	v11 =	vadd.f32 v20, v12;
	v10 =	vmax.f32 v10, v15;
	v12 =	vmul.f32 $1.442695020e+00, v15;
	v15 =	vld [tilespmem:s29+$0x8860];
	v20 =	vpop (erf)  }
0x2c6: {  	v26 =	vmul.f32 $1.442695020e+00, v23;
	v10 =	vmax.f32 v10, v18;
	v24 =	vld [tilespmem:s29+$0x8870];
	(erf) = vpow2.f32 v14  }
0x2c7: {  	v14 =	vmul.f32 $1.442695020e+00, v18;
	v11 =	vadd.f32 v20, v11;
	v10 =	vmax.f32 v10, v13;
	v18 =	vld [tilespmem:s29+$0x8C00];
	v20 =	vpop (erf)  }
0x2c8: {  	v13 =	vmul.f32 $1.442695020e+00, v13;
	v10 =	vmax.f32 v10, v19;
	v25 =	vld [tilespmem:s29+$0x8C40];
	(erf) = vpow2.f32 v26  }
0x2c9: {  	v19 =	vmul.f32 $1.442695020e+00, v19;
	v11 =	vadd.f32 v20, v11;
	v10 =	vmax.f32 v10, v21;
	v20 =	vld [tilespmem:s29+$0x8C20];
	v23 =	vpop (erf)  }
0x2ca: {  	v21 =	vmul.f32 $1.442695020e+00, v21;
	v10 =	vmax.f32 v10, v15;
	v26 =	vld [tilespmem:s29+$0x8C50];
	(erf) = vpow2.f32 v17  }
0x2cb: {  	v15 =	vmul.f32 $1.442695020e+00, v15;
	v11 =	vadd.f32 v23, v11;
	v10 =	vmax.f32 v10, v24;
	v17 =	vpop (erf)  }
0x2cc: {  	v23 =	vmul.f32 $1.442695020e+00, v24;
	v10 =	vmax.f32 v10, v18;
	(erf) = vpow2.f32 v12  }
0x2cd: {  	v11 =	vadd.f32 v17, v11;
	v10 =	vmax.f32 v10, v22;
	v12 =	vmul.f32 $1.442695020e+00, v25;
	v17 =	vld [tilespmem:s29+$0x8C60];
	v24 =	vpop (erf)  }
0x2ce: {  	v18 =	vmul.f32 $1.442695020e+00, v18;
	v10 =	vmax.f32 v10, v20;
	v27 =	vld [tilespmem:s29+$0x8C70];
	(erf) = vpow2.f32 v14  }
0x2cf: {  	v11 =	vadd.f32 v24, v11;
	v10 =	vmax.f32 v10, v16;
	v14 =	vmul.f32 $1.442695020e+00, v26;
	v24 =	vpop (erf)  }
0x2d0: {  	v22 =	vmul.f32 $1.442695020e+00, v22;
	v10 =	vmax.f32 v10, v25;
	v25 =	vld [tilespmem:s29+$0x9000];
	(erf) = vpow2.f32 v13  }
0x2d1: {  	v13 =	vmul.f32 $1.442695020e+00, v16;
	v11 =	vadd.f32 v24, v11;
	v10 =	vmax.f32 v10, v26;
	v16 =	vpop (erf)  }
0x2d2: {  	v10 =	vmax.f32 v10, v17;
	v17 =	vmul.f32 $1.442695020e+00, v17;
	v24 =	vld [tilespmem:s29+$0x9010];
	(erf) = vpow2.f32 v19  }
0x2d3: {  	v11 =	vadd.f32 v16, v11;
	v10 =	vmax.f32 v10, v27;
	v16 =	vmul.f32 $1.442695020e+00, v27;
	v19 =	vpop (erf)  }
0x2d4: {  	v26 =	vld [tilespmem:s29+$0x9020];
	(erf) = vpow2.f32 v21  }
0x2d5: {  	v11 =	vadd.f32 v19, v11;
	v10 =	vmax.f32 v10, v25;
	v19 =	vmul.f32 $1.442695020e+00, v25;
	v21 =	vpop (erf)  }
0x2d6: {  	v25 =	vld [tilespmem:s29+$0x9030];
	(erf) = vpow2.f32 v15  }
0x2d7: {  	v11 =	vadd.f32 v21, v11;
	v21 =	vmul.f32 $1.442695020e+00, v24;
	v15 =	vpop (erf)  }
0x2d8: {  	v27 =	vld [tilespmem:s29+$0x9040];
	(erf) = vpow2.f32 v23  }
0x2d9: {  	v11 =	vadd.f32 v15, v11;
	v23 =	vmul.f32 $1.442695020e+00, v26;
	v15 =	vpop (erf)  }
0x2da: {  	v28 =	vld [tilespmem:s29+$0x9050];
	(erf) = vpow2.f32 v18  }
0x2db: {  	v11 =	vadd.f32 v15, v11;
	v18 =	vmul.f32 $1.442695020e+00, v25;
	v15 =	vpop (erf)  }
0x2dc: {  	v20 =	vmul.f32 $1.442695020e+00, v20;
	v29 =	vld [tilespmem:s29+$0x9060];
	(erf) = vpow2.f32 v22  }
0x2dd: {  	v11 =	vadd.f32 v15, v11;
	v22 =	vmul.f32 $1.442695020e+00, v27;
	v15 =	vpop (erf)  }
0x2de: {  	v30 =	vld [tilespmem:s29+$0x9070];
	(erf) = vpow2.f32 v20  }
0x2df: {  	v11 =	vadd.f32 v15, v11;
	v20 =	vmul.f32 $1.442695020e+00, v28;
	v15 =	vpop (erf)  }
0x2e0: {  	v31 =	vld [tilespmem:s29+$0x9400];
	(erf) = vpow2.f32 v13  }
0x2e1: {  	s12 =	sand.u32 $0x7, s25;
	v10 =	vmax.f32 v10, v24;
	v11 =	vadd.f32 v15, v11;
	v24 =	vmul.f32 $1.442695020e+00, v29;
	v13 =	vpop (erf)  }
0x2e2: {  	s12 =	sshll.u32 s12, $0x7;
	v10 =	vmax.f32 v10, v26;
	v15 =	vld [tilespmem:s29+$0x9410];
	(erf) = vpow2.f32 v12  }
0x2e3: {  	s12 =	sadd.s32 s12, s28;
	v10 =	vmax.f32 v10, v25;
	v11 =	vadd.f32 v13, v11;
	v25 =	vmul.f32 $1.442695020e+00, v30;
	v12 =	vpop (erf)  }
0x2e4: {  	s22 =	sor.u32 $0x1C58, s12;
	v10 =	vmax.f32 v10, v27;
	v13 =	vld [tilespmem:s29+$0x9420];
	(erf) = vpow2.f32 v14  }
0x2e5: {  	v10 =	vmax.f32 v10, v28;
	v11 =	vadd.f32 v12, v11;
	v26 =	vmul.f32 $1.442695020e+00, v31;
	v27 =	vld [tilespmem:s22+$0x8000];
	v12 =	vpop (erf)  }
0x2e6: {  	v10 =	vmax.f32 v10, v29;
	v28 =	vld [tilespmem:s29+$0x9430];
	(erf) = vpow2.f32 v17  }
0x2e7: {  	v10 =	vmax.f32 v10, v30;
	v11 =	vadd.f32 v12, v11;
	v17 =	vmul.f32 $1.442695020e+00, v15;
	v12 =	vld [tilespmem:s29+$0x9440];
	v29 =	vpop (erf)  }
0x2e8: {  	v10 =	vmax.f32 v10, v31;
	v14 =	vld [tilespmem:s29+$0x9450];
	(erf) = vpow2.f32 v16  }
0x2e9: {  	v10 =	vmax.f32 v10, v15;
	v16 =	vadd.f32 v29, v11;
	v29 =	vmul.f32 $1.442695020e+00, v13;
	v15 =	vld [tilespmem:s29+$0x9460];
	v30 =	vpop (erf)  }
0x2ea: {  	v10 =	vmax.f32 v10, v13;
	v11 =	vld [tilespmem:s29+$0x9470];
	v13 =	vmul.f32 $1.442695020e+00, v27;
	(erf) = vpow2.f32 v19  }
0x2eb: {  	v16 =	vadd.f32 v30, v16;
	v10 =	vmax.f32 v10, v28;
	v19 =	vmul.f32 $1.442695020e+00, v28;
	v28 =	vld [tilespmem:s29+$0x9800];
	v30 =	vpop (erf)  }
0x2ec: {  	v10 =	vmax.f32 v10, v12;
	v31 =	vmul.f32 $1.442695020e+00, v12;
	v32 =	vld [tilespmem:s29+$0x9810];
	(erf) = vpow2.f32 v21  }
0x2ed: {  	v12 =	vadd.f32 v30, v16;
	v10 =	vmax.f32 v10, v14;
	v16 =	vld [tilespmem:s29+$0x9820];
	v21 =	vpop (erf);
	(erf) = vpow2.f32 v13  }
0x2ee: {  	v10 =	vmax.f32 v10, v15;
	v30 =	vld [tilespmem:s29+$0x9830];
	(erf) = vpow2.f32 v23  }
0x2ef: {  	v13 =	vadd.f32 v21, v12;
	v10 =	vmax.f32 v10, v11;
	v12 =	vld [tilespmem:s29+$0x9840];
	v21 =	vpop (erf)  }
0x2f0: {  	v10 =	vmax.f32 v10, v28;
	v23 =	vmul.f32 $1.442695020e+00, v28;
	v28 =	vld [tilespmem:s29+$0x9850];
	(erf) = vpow2.f32 v18  }
0x2f1: {  	v18 =	vadd.f32 v21, v13;
	v10 =	vmax.f32 v10, v32;
	v21 =	vmul.f32 $1.442695020e+00, v32;
	v13 =	vld [tilespmem:s29+$0x9860];
	v32 =	vpop (erf)  }
0x2f2: {  	s22 =	sor.u32 $0x1C00, s12;
	v10 =	vmax.f32 v10, v16;
	v33 =	vmul.f32 $1.442695020e+00, v16;
	v34 =	vld [tilespmem:s29+$0x9870];
	(erf) = vpow2.f32 v22  }
0x2f3: {  	v18 =	vadd.f32 v32, v18;
	v10 =	vmax.f32 v10, v30;
	v22 =	vmul.f32 $1.442695020e+00, v30;
	v16 =	vld [tilespmem:s22+$0x8000];
	s22 =	sor.u32 $0x1C10, s12;
	v30 =	vpop (erf)  }
0x2f4: {  	v35 =	vmax.f32 v10, v12;
	v32 =	vld [tilespmem:s22+$0x8000];
	s22 =	sor.u32 $0x1C20, s12;
	(erf) = vpow2.f32 v20  }
0x2f5: {  	v18 =	vadd.f32 v30, v18;
	v37 =	vmax.f32 v35, v28;
	v20 =	vmul.f32 $1.442695020e+00, v28;
	v28 =	vld [tilespmem:s22+$0x8000];
	s22 =	sor.u32 $0x1C30, s12;
	v30 =	vpop (erf)  }
0x2f6: {  	v37 =	vmax.f32 v37, v13;
	v36 =	vld [tilespmem:s22+$0x8000];
	s22 =	sor.u32 $0x1C40, s12;
	(erf) = vpow2.f32 v24;
	v10 =	vpop (erf)  }
0x2f7: {  	s12 =	sor.u32 $0x1C50, s12;
	v18 =	vadd.f32 v30, v18;
	v24 =	vmax.f32 v37, v34;
	v30 =	vmul.f32 $1.442695020e+00, v34;
	v34 =	vld [tilespmem:s22+$0x8000];
	v35 =	vpop (erf)  }
0x2f8: {  	v24 =	vmax.f32 v24, v16;
	v37 =	vld [tilespmem:s12+$0x8000];
	(erf) = vpow2.f32 v25  }
0x2f9: {  	v18 =	vadd.f32 v35, v18;
	v24 =	vmax.f32 v24, v32;
	v25 =	vmul.f32 $1.442695020e+00, v32;
	v32 =	vpop (erf)  }
0x2fa: {  	v24 =	vmax.f32 v24, v28;
	v28 =	vmul.f32 $1.442695020e+00, v28;
	(erf) = vpow2.f32 v26  }
0x2fb: {  	v18 =	vadd.f32 v32, v18;
	v24 =	vmax.f32 v24, v36;
	v26 =	vmul.f32 $1.442695020e+00, v36;
	v32 =	vpop (erf)  }
0x2fc: {  	v24 =	vmax.f32 v24, v34;
	v34 =	vmul.f32 $1.442695020e+00, v34;
	(erf) = vpow2.f32 v17  }
0x2fd: {  	v35 =	vsel vm0, $0xF149F2CA, v27;
	v17 =	vadd.f32 v32, v18;
	v18 =	vmax.f32 v24, v37;
	v27 =	vpop (erf)  }
0x2fe: {  	v32 =	vmul.f32 $1.442695020e+00, v37;
	v18 =	vmax.f32 v18, v35;
	(erf) = vpow2.f32 v29  }
0x2ff: {  	v17 =	vadd.f32 v27, v17;
	[tilespmem:$0x10400] =	vst v18;
	v24 =	vpop (erf)  }
0x300: {  	(erf) = vpow2.f32 v19  }
0x301: {  	v17 =	vadd.f32 v24, v17;
	v19 =	vpop (erf)  }
0x302: {  	v14 =	vmul.f32 $1.442695020e+00, v14;
	(erf) = vpow2.f32 v31  }
0x303: {  	v24 =	vadd.f32 v19, v17;
	v19 =	vpop (erf)  }
0x304: {  	v27 =	vmul.f32 $1.442695020e+00, v15;
	(erf) = vpow2.f32 v14  }
0x305: {  	v14 =	vadd.f32 v19, v24;
	v17 =	vpop (erf)  }
0x306: {  	v11 =	vmul.f32 $1.442695020e+00, v11;
	(erf) = vpow2.f32 v27  }
0x307: {  	v17 =	vadd.f32 v17, v14;
	v15 =	vpop (erf)  }
0x308: {  	(erf) = vpow2.f32 v11  }
0x309: {  	v11 =	vadd.f32 v15, v17;
	v14 =	vpop (erf)  }
0x30a: {  	(erf) = vpow2.f32 v23  }
0x30b: {  	v11 =	vadd.f32 v14, v11;
	v14 =	vpop (erf)  }
0x30c: {  	(erf) = vpow2.f32 v21  }
0x30d: {  	v11 =	vadd.f32 v14, v11;
	v14 =	vpop (erf)  }
0x30e: {  	(erf) = vpow2.f32 v33  }
0x30f: {  	v11 =	vadd.f32 v14, v11;
	v14 =	vpop (erf)  }
0x310: {  	v15 =	vmul.f32 $1.442695020e+00, v12;
	(erf) = vpow2.f32 v22  }
0x311: {  	v11 =	vadd.f32 v14, v11;
	v14 =	vpop (erf)  }
0x312: {  	(erf) = vpow2.f32 v15  }
0x313: {  	v11 =	vadd.f32 v14, v11;
	v12 =	vpop (erf)  }
0x314: {  	v13 =	vmul.f32 $1.442695020e+00, v13;
	(erf) = vpow2.f32 v20  }
0x315: {  	v11 =	vadd.f32 v12, v11;
	v12 =	vpop (erf)  }
0x316: {  	(erf) = vpow2.f32 v13  }
0x317: {  	v11 =	vadd.f32 v12, v11;
	v12 =	vpop (erf)  }
0x318: {  	v13 =	vmul.f32 $1.442695020e+00, v16;
	(erf) = vpow2.f32 v30  }
0x319: {  	v11 =	vadd.f32 v12, v11;
	v12 =	vpop (erf)  }
0x31a: {  	v14 =	vld.idx.msk [tilespmem:v1+s19+$0x0], $0xffff;
	(erf) = vpow2.f32 v13  }
0x31b: {  	v11 =	vadd.f32 v12, v11;
	v12 =	vpop (erf)  }
0x31c: {  	(erf) = vpow2.f32 v25  }
0x31d: {  	v11 =	vadd.f32 v12, v11;
	v12 =	vpop (erf)  }
0x31e: {  	(erf) = vpow2.f32 v28  }
0x31f: {  	v11 =	vadd.f32 v12, v11;
	v12 =	vpop (erf)  }
0x320: {  	v13 =	vmax.f32 v18, v14;
	(erf) = vpow2.f32 v26  }
0x321: {  	v11 =	vadd.f32 v12, v11;
	[tilespmem:$0x10400] =	vst v13;
	v12 =	vpop (erf)  }
0x322: {  	v14 =	vld.idx.msk [tilespmem:v2+s19+$0x0], $0xffff;
	(erf) = vpow2.f32 v34  }
0x323: {  	v11 =	vadd.f32 v12, v11;
	v12 =	vpop (erf)  }
0x324: {  	(erf) = vpow2.f32 v32  }
0x325: {  	v11 =	vadd.f32 v12, v11;
	v12 =	vpop (erf);
	_ =	sdelay $0x1  }
0x326: {  	v11 =	vadd.f32 v12, v11;
	v12 =	vpop (erf)  }
0x327: {  	v13 =	vmax.f32 v13, v14  }
0x328: {  	v11 =	vadd.f32 v12, v11;
	[tilespmem:$0x10400] =	vst v13;
	v12 =	vpop (erf)  }
0x329: {  	v14 =	vld.idx.msk [tilespmem:v3+s19+$0x0], $0xffff  }
0x32a: {  	v11 =	vadd.f32 v12, v11;
	v12 =	vpop (erf);
	_ =	sdelay $0x1  }
0x32b: {  	v11 =	vadd.f32 v12, v11;
	v12 =	vpop (erf);
	_ =	sdelay $0x1  }
0x32c: {  	v10 =	vsel vm0, $0x0, v10;
	v11 =	vadd.f32 v12, v11  }
0x32d: {  	v12 =	vmax.f32 v13, v14  }
0x32e: {  	v13 =	vadd.f32 v10, v11;
	[tilespmem:$0x10400] =	vst v12  }
0x32f: {  	v10 =	vld.idx.msk [tilespmem:v4+s19+$0x0], $0xffff  }
0x330: {  	[tilespmem:$0x10400] =	vst v13  }
0x331: {  	v14 =	vld.idx.msk [tilespmem:v1+s19+$0x0], $0xffff;
	_ =	sdelay $0x3  }
0x332: {  	v10 =	vmax.f32 v12, v10  }
0x333: {  	s30 =	sadd.s32 $0x80, s30;
	s28 =	sadd.s32 $0x400, s28;
	v11 =	vmul.f32 $1.442695020e+00, v10  }
0x334: {  	s22 =	sand.u32 $0x380, s30;
	s12 =	sand.u32 $0x6000, s28;
	v12 =	vadd.f32 v14, v13  }
0x335: {  	s29 =	sor.u32 s22, s12  }
0x336: {  	[tilespmem:$0x10400] =	vst v12  }
0x337: {  	v13 =	vld.idx.msk [tilespmem:v2+s19+$0x0], $0xffff;
	_ =	sdelay $0x5  }
0x338: {  	v12 =	vadd.f32 v13, v12;
	_ =	sdelay $0x1  }
0x339: {  	[tilespmem:$0x10400] =	vst v12  }
0x33a: {  	v13 =	vld.idx.msk [tilespmem:v3+s19+$0x0], $0xffff;
	_ =	sdelay $0x5  }
0x33b: {  	v16 =	vadd.f32 v13, v12  }
0x33c: {  	v12 =	vmov s26;
	s26 =	smov.u32 s3  }
0x33d: {  	v14 =	vshll.u32 v12, $0xA;
	v15 =	vshll.u32 v12, $0x7;
	[tilespmem:$0x10400] =	vst v16  }
.Ltmp1:
0x33e: {  	v19 =	vld.idx.msk [tilespmem:v4+s19+$0x0], $0xffff;
	(pc) =	sbr.rel @p0 .LBB2_5-.Ltmp1, $4  }
0x33f: {  	v18 =	vld [tilespmem:s29+$0x8000]  }
0x340: {  	v17 =	vld [tilespmem:s29+$0x8010]  }
0x341: {  	v13 =	vld.idx.msk [tilespmem:v12+s18+$0x0], $0xffff  }
0x342: {  	v12 =	vld [tilespmem:s29+$0x8020]  }
0x343: {  	_ = 	snop  }
0x344: {  	v20 =	vmul.f32 $1.442695020e+00, v18  }
0x345: {  	v21 =	vld [tilespmem:s29+$0x8030];
	(erf) = vpow2.f32 v11  }
0x346: {  	v11 =	vmul.f32 $1.442695020e+00, v17;
	(erf) = vpow2.f32 v20  }
0x347: {  	v16 =	vadd.f32 v19, v16;
	v46 =	vld [tilespmem:s29+$0x8040]  }
0x348: {  	v47 =	vmul.f32 $1.442695020e+00, v12;
	(erf) = vpow2.f32 v11  }
0x349: {  	v22 =	vld [tilespmem:s29+$0x8050];
	(erf) = vrcp.f32 v16  }
0x34a: {  	v11 =	vmul.f32 $1.442695020e+00, v21;
	(erf) = vpow2.f32 v47  }
0x34b: {  	v48 =	vld [tilespmem:s29+$0x8060]  }
0x34c: {  	v49 =	vmul.f32 $1.442695020e+00, v46;
	(erf) = vpow2.f32 v11  }
0x34d: {  	v23 =	vld [tilespmem:s29+$0x8070]  }
0x34e: {  	v50 =	vmax.f32 v18, $-1.000000020e+30;
	v24 =	vmul.f32 $1.442695020e+00, v22;
	(erf) = vpow2.f32 v49;
	v11 =	vpop (erf)  }
0x34f: {  	v52 =	vld [tilespmem:s29+$0x8400];
	v51 =	vmax.f32 v50, v17;
	v53 =	vpop (erf)  }
0x350: {  	v25 =	vmul.f32 $1.442695020e+00, v48;
	(erf) = vpow2.f32 v24;
	v20 =	vadd.f32 $0.0e+00, v53  }
0x351: {  	v54 =	vld [tilespmem:s29+$0x8410];
	v17 =	vmax.f32 v51, v12;
	v26 =	vpop (erf)  }
0x352: {  	v27 =	vmul.f32 $1.442695020e+00, v23;
	(erf) = vpow2.f32 v25;
	v12 =	vpop (erf);
	v20 =	vadd.f32 v26, v20  }
0x353: {  	v55 =	vld [tilespmem:s29+$0x8420];
	v56 =	vpop (erf)  }
0x354: {  	v57 =	vmul.f32 $1.442695020e+00, v52;
	(erf) = vpow2.f32 v27;
	v20 =	vadd.f32 v56, v20  }
0x355: {  	v58 =	vld [tilespmem:s29+$0x8430];
	v59 =	vpop (erf)  }
0x356: {  	v60 =	vmul.f32 $1.442695020e+00, v54;
	(erf) = vpow2.f32 v57;
	v20 =	vadd.f32 v59, v20  }
0x357: {  	v61 =	vld [tilespmem:s29+$0x8440];
	v62 =	vpop (erf)  }
0x358: {  	v63 =	vmul.f32 $1.442695020e+00, v55;
	(erf) = vpow2.f32 v60;
	v20 =	vadd.f32 v62, v20  }
0x359: {  	v30 =	vld [tilespmem:s29+$0x8450];
	v31 =	vpop (erf)  }
0x35a: {  	v33 =	vld [tilespmem:s29+$0x8460];
	v32 =	vmul.f32 $1.442695020e+00, v58;
	(erf) = vpow2.f32 v63;
	v20 =	vadd.f32 v31, v20  }
0x35b: {  	v34 =	vpop (erf)  }
0x35c: {  	v36 =	vld [tilespmem:s29+$0x8470];
	v35 =	vmul.f32 $1.442695020e+00, v61;
	(erf) = vpow2.f32 v32;
	v20 =	vadd.f32 v34, v20  }
0x35d: {  	v37 =	vpop (erf)  }
0x35e: {  	v39 =	vld [tilespmem:s29+$0x8800];
	v38 =	vmul.f32 $1.442695020e+00, v30;
	(erf) = vpow2.f32 v35;
	v20 =	vadd.f32 v37, v20  }
0x35f: {  	v17 =	vmax.f32 v17, v21;
	v41 =	vmul.f32 $1.442695020e+00, v33;
	v40 =	vpop (erf)  }
0x360: {  	v42 =	vld [tilespmem:s29+$0x8810];
	v17 =	vmax.f32 v17, v46;
	(erf) = vpow2.f32 v38;
	v20 =	vadd.f32 v40, v20  }
0x361: {  	v44 =	vmul.f32 $1.442695020e+00, v36;
	v17 =	vmax.f32 v17, v22;
	v43 =	vpop (erf)  }
0x362: {  	v45 =	vld [tilespmem:s29+$0x8820];
	v16 =	vmax.f32 v17, v48;
	(erf) = vpow2.f32 v41;
	v20 =	vadd.f32 v43, v20  }
0x363: {  	v47 =	vmul.f32 $1.442695020e+00, v39;
	v16 =	vmax.f32 v16, v23;
	v46 =	vpop (erf)  }
0x364: {  	v16 =	vmax.f32 v16, v52;
	(erf) = vpow2.f32 v44;
	v20 =	vadd.f32 v46, v20  }
0x365: {  	v50 =	vmul.f32 $1.442695020e+00, v42;
	v48 =	vld [tilespmem:s29+$0x8830];
	v16 =	vmax.f32 v16, v54;
	v49 =	vpop (erf)  }
0x366: {  	v16 =	vmax.f32 v16, v55;
	(erf) = vpow2.f32 v47;
	v20 =	vadd.f32 v49, v20  }
0x367: {  	v51 =	vld [tilespmem:s29+$0x8840];
	v16 =	vmax.f32 v16, v58;
	v53 =	vmul.f32 $1.442695020e+00, v45;
	v52 =	vpop (erf)  }
0x368: {  	v16 =	vmax.f32 v16, v61;
	(erf) = vpow2.f32 v50;
	v20 =	vadd.f32 v52, v20  }
0x369: {  	v54 =	vld [tilespmem:s29+$0x8850];
	v16 =	vmax.f32 v16, v30;
	v55 =	vpop (erf)  }
0x36a: {  	v56 =	vmul.f32 $1.442695020e+00, v48;
	(erf) = vpow2.f32 v53;
	v20 =	vadd.f32 v55, v20  }
0x36b: {  	v57 =	vld [tilespmem:s29+$0x8860];
	v16 =	vmax.f32 v16, v33;
	v58 =	vpop (erf)  }
0x36c: {  	v59 =	vmul.f32 $1.442695020e+00, v51;
	(erf) = vpow2.f32 v56;
	v20 =	vadd.f32 v58, v20  }
0x36d: {  	v60 =	vld [tilespmem:s29+$0x8870];
	v16 =	vmax.f32 v16, v36;
	v61 =	vpop (erf)  }
0x36e: {  	v62 =	vmul.f32 $1.442695020e+00, v54;
	(erf) = vpow2.f32 v59;
	v20 =	vadd.f32 v61, v20  }
0x36f: {  	v63 =	vld [tilespmem:s29+$0x8C00];
	v16 =	vmax.f32 v16, v39;
	v29 =	vpop (erf)  }
0x370: {  	v30 =	vmul.f32 $1.442695020e+00, v57;
	(erf) = vpow2.f32 v62;
	v20 =	vadd.f32 v29, v20  }
0x371: {  	v16 =	vmax.f32 v16, v42;
	v31 =	vld [tilespmem:s29+$0x8C10];
	v32 =	vpop (erf)  }
0x372: {  	v33 =	vmul.f32 $1.442695020e+00, v60;
	(erf) = vpow2.f32 v30;
	v19 =	vadd.f32 v32, v20  }
0x373: {  	v16 =	vmax.f32 v16, v45;
	v34 =	vld [tilespmem:s29+$0x8C20];
	v35 =	vpop (erf)  }
0x374: {  	v36 =	vmul.f32 $1.442695020e+00, v63;
	(erf) = vpow2.f32 v33;
	v19 =	vadd.f32 v35, v19  }
0x375: {  	v16 =	vmax.f32 v16, v48;
	v37 =	vld [tilespmem:s29+$0x8C30];
	v38 =	vpop (erf)  }
0x376: {  	v39 =	vmul.f32 $1.442695020e+00, v31;
	(erf) = vpow2.f32 v36;
	v17 =	vadd.f32 v38, v19  }
0x377: {  	v16 =	vmax.f32 v16, v51;
	v40 =	vld [tilespmem:s29+$0x8C40];
	v41 =	vpop (erf)  }
0x378: {  	v42 =	vmul.f32 $1.442695020e+00, v34;
	(erf) = vpow2.f32 v39;
	v17 =	vadd.f32 v41, v17  }
0x379: {  	v16 =	vmax.f32 v16, v54;
	v43 =	vld [tilespmem:s29+$0x8C50];
	v44 =	vpop (erf)  }
0x37a: {  	v45 =	vmul.f32 $1.442695020e+00, v37;
	(erf) = vpow2.f32 v42;
	v17 =	vadd.f32 v44, v17  }
0x37b: {  	v16 =	vmax.f32 v16, v57;
	v46 =	vld [tilespmem:s29+$0x8C60];
	v47 =	vpop (erf)  }
0x37c: {  	v48 =	vmul.f32 $1.442695020e+00, v40;
	v49 =	vld [tilespmem:s29+$0x8C70];
	(erf) = vpow2.f32 v45;
	v17 =	vadd.f32 v47, v17  }
0x37d: {  	s0 =	sadd.s32 $0x1, s25;
	v16 =	vmax.f32 v16, v60;
	v50 =	vpop (erf)  }
0x37e: {  	s0 =	sand.u32 $0x7, s0;
	v51 =	vmul.f32 $1.442695020e+00, v43;
	(erf) = vpow2.f32 v48;
	v17 =	vadd.f32 v50, v17  }
0x37f: {  	s0 =	sshll.u32 s0, $0x7;
	v16 =	vmax.f32 v16, v63;
	v52 =	vld [tilespmem:s29+$0x9000];
	v53 =	vpop (erf)  }
0x380: {  	s0 =	sadd.s32 s0, s28;
	v54 =	vmul.f32 $1.442695020e+00, v46;
	(erf) = vpow2.f32 v51;
	v17 =	vadd.f32 v53, v17  }
0x381: {  	s3 =	sor.u32 $0x1C58, s0;
	v16 =	vmax.f32 v16, v31;
	v55 =	vld [tilespmem:s29+$0x9010];
	v28 =	vmul.f32 $1.442695020e+00, v49;
	v56 =	vpop (erf)  }
0x382: {  	v20 =	vmax.f32 v16, v34;
	v16 =	vld [tilespmem:s3+$0x8000];
	(erf) = vpow2.f32 v54;
	v17 =	vadd.f32 v56, v17  }
0x383: {  	v57 =	vld [tilespmem:s29+$0x9020];
	v58 =	vpop (erf)  }
0x384: {  	v60 =	vld [tilespmem:s29+$0x9030];
	v59 =	vmul.f32 $1.442695020e+00, v52;
	(erf) = vpow2.f32 v28;
	v17 =	vadd.f32 v58, v17  }
0x385: {  	v61 =	vpop (erf)  }
0x386: {  	v63 =	vld [tilespmem:s29+$0x9040];
	v62 =	vmul.f32 $1.442695020e+00, v55;
	(erf) = vpow2.f32 v59;
	v17 =	vadd.f32 v61, v17  }
0x387: {  	v32 =	vmul.f32 $1.442695020e+00, v16;
	v33 =	vpop (erf)  }
0x388: {  	v29 =	vmul.f32 $1.442695020e+00, v57;
	v34 =	vld [tilespmem:s29+$0x9050];
	(erf) = vpow2.f32 v62;
	v17 =	vadd.f32 v33, v17  }
0x389: {  	v36 =	vmul.f32 $1.442695020e+00, v60;
	(erf) = vpow2.f32 v32;
	v35 =	vpop (erf)  }
0x38a: {  	v20 =	vmax.f32 v20, v37;
	(erf) = vpow2.f32 v29;
	v17 =	vadd.f32 v35, v17  }
0x38b: {  	v39 =	vmul.f32 $1.442695020e+00, v63;
	v37 =	vld [tilespmem:s29+$0x9060];
	v19 =	vmax.f32 v20, v40;
	v38 =	vpop (erf)  }
0x38c: {  	v18 =	vmax.f32 v19, v43;
	(erf) = vpow2.f32 v36;
	v17 =	vadd.f32 v38, v17  }
0x38d: {  	v40 =	vld [tilespmem:s29+$0x9070];
	v42 =	vmul.f32 $1.442695020e+00, v34;
	v18 =	vmax.f32 v18, v46;
	v41 =	vpop (erf)  }
0x38e: {  	v18 =	vmax.f32 v18, v49;
	(erf) = vpow2.f32 v39;
	v17 =	vadd.f32 v41, v17  }
0x38f: {  	v43 =	vld [tilespmem:s29+$0x9400];
	v18 =	vmax.f32 v18, v52;
	v45 =	vpop (erf)  }
0x390: {  	v44 =	vmul.f32 $1.442695020e+00, v37;
	(erf) = vpow2.f32 v42;
	v47 =	vadd.f32 v45, v17  }
0x391: {  	v46 =	vld [tilespmem:s29+$0x9410];
	v18 =	vmax.f32 v18, v55;
	v50 =	vpop (erf)  }
0x392: {  	v51 =	vld [tilespmem:s29+$0x9420];
	v49 =	vmul.f32 $1.442695020e+00, v40;
	(erf) = vpow2.f32 v44;
	v17 =	vpop (erf);
	v20 =	vadd.f32 v50, v47  }
0x393: {  	v18 =	vmax.f32 v18, v57;
	v53 =	vpop (erf)  }
0x394: {  	v54 =	vld [tilespmem:s29+$0x9430];
	v52 =	vmul.f32 $1.442695020e+00, v43;
	(erf) = vpow2.f32 v49;
	v55 =	vadd.f32 v53, v20  }
0x395: {  	v48 =	vmax.f32 v18, v60;
	v57 =	vpop (erf)  }
0x396: {  	v56 =	vmul.f32 $1.442695020e+00, v46;
	(erf) = vpow2.f32 v52;
	v18 =	vadd.f32 v57, v55  }
0x397: {  	v59 =	vmul.f32 $1.442695020e+00, v51;
	v19 =	vmax.f32 v48, v63;
	v58 =	vld [tilespmem:s29+$0x9440];
	v60 =	vpop (erf)  }
0x398: {  	v19 =	vmax.f32 v19, v34;
	(erf) = vpow2.f32 v56;
	v18 =	vadd.f32 v60, v18  }
0x399: {  	v24 =	vmul.f32 $1.442695020e+00, v54;
	v19 =	vmax.f32 v19, v37;
	v61 =	vld [tilespmem:s29+$0x9450];
	v62 =	vpop (erf)  }
0x39a: {  	v63 =	vld [tilespmem:s29+$0x9460];
	v19 =	vmax.f32 v19, v40;
	(erf) = vpow2.f32 v59;
	v18 =	vadd.f32 v62, v18  }
0x39b: {  	v19 =	vmax.f32 v19, v43;
	v28 =	vpop (erf)  }
0x39c: {  	v29 =	vld [tilespmem:s29+$0x9470];
	v30 =	vmul.f32 $1.442695020e+00, v58;
	(erf) = vpow2.f32 v24;
	v18 =	vadd.f32 v28, v18  }
0x39d: {  	v19 =	vmax.f32 v19, v46;
	v31 =	vpop (erf)  }
0x39e: {  	v23 =	vmul.f32 $1.442695020e+00, v61;
	(erf) = vpow2.f32 v30;
	v18 =	vadd.f32 v31, v18  }
0x39f: {  	v32 =	vld [tilespmem:s29+$0x9800];
	v22 =	vmul.f32 $1.442695020e+00, v63;
	v19 =	vmax.f32 v19, v51;
	v33 =	vpop (erf)  }
0x3a0: {  	v34 =	vld [tilespmem:s29+$0x9810];
	v19 =	vmax.f32 v19, v54;
	(erf) = vpow2.f32 v23;
	v18 =	vadd.f32 v33, v18  }
0x3a1: {  	v21 =	vmul.f32 $1.442695020e+00, v29;
	v19 =	vmax.f32 v19, v58;
	v35 =	vpop (erf)  }
0x3a2: {  	v36 =	vld [tilespmem:s29+$0x9820];
	v19 =	vmax.f32 v19, v61;
	(erf) = vpow2.f32 v22;
	v18 =	vadd.f32 v35, v18  }
0x3a3: {  	v19 =	vmax.f32 v19, v63;
	v38 =	vpop (erf)  }
0x3a4: {  	v37 =	vld [tilespmem:s29+$0x9830];
	v24 =	vmul.f32 $1.442695020e+00, v32;
	(erf) = vpow2.f32 v21;
	v18 =	vadd.f32 v38, v18  }
0x3a5: {  	v25 =	vmul.f32 $1.442695020e+00, v34;
	v19 =	vmax.f32 v19, v29;
	v41 =	vpop (erf)  }
0x3a6: {  	v39 =	vld [tilespmem:s29+$0x9840];
	v19 =	vmax.f32 v19, v32;
	(erf) = vpow2.f32 v24;
	v18 =	vadd.f32 v41, v18  }
0x3a7: {  	v40 =	vld [tilespmem:s29+$0x9850];
	v43 =	vmul.f32 $1.442695020e+00, v36;
	v19 =	vmax.f32 v19, v34;
	v44 =	vpop (erf)  }
0x3a8: {  	v42 =	vld [tilespmem:s29+$0x9860];
	v19 =	vmax.f32 v19, v36;
	(erf) = vpow2.f32 v25;
	v18 =	vadd.f32 v44, v18  }
0x3a9: {  	v15 =	vand.u32 $0x380, v15;
	v14 =	vand.u32 $0x6000, v14;
	s25 =	sor.u32 $0x1C00, s0;
	v45 =	vld [tilespmem:s29+$0x9870];
	v19 =	vmax.f32 v19, v37;
	v48 =	vpop (erf)  }
0x3aa: {  	s28 =	sor.u32 $0x1C10, s0;
	v47 =	vld [tilespmem:s25+$0x8000];
	v20 =	vmul.f32 $1.442695020e+00, v37;
	(erf) = vpow2.f32 v43;
	v18 =	vadd.f32 v48, v18  }
0x3ab: {  	v46 =	vshll.u32 v13, $0x3;
	v26 =	vmul.f32 $1.442695020e+00, v39;
	s29 =	sor.u32 $0x1C20, s0;
	v19 =	vmax.f32 v19, v39;
	v49 =	vld [tilespmem:s28+$0x8000];
	v51 =	vpop (erf)  }
0x3ac: {  	v19 =	vmax.f32 v19, v40;
	v52 =	vld [tilespmem:s29+$0x8000];
	(erf) = vpow2.f32 v20;
	v18 =	vadd.f32 v51, v18  }
0x3ad: {  	s30 =	sor.u32 $0x1C30, s0;
	v50 =	vand.u32 $0xFFFFFC00, v46;
	v19 =	vmax.f32 v19, v42;
	v53 =	vmul.f32 $1.442695020e+00, v40;
	v55 =	vpop (erf)  }
0x3ae: {  	v54 =	vld [tilespmem:s30+$0x8000];
	v19 =	vmax.f32 v19, v45;
	(erf) = vpow2.f32 v26;
	v18 =	vadd.f32 v55, v18  }
0x3af: {  	s31 =	sor.u32 $0x1C40, s0;
	v61 =	vmul.f32 $1.442695020e+00, v42;
	v14 =	vadd.s32 v14, v50;
	v19 =	vmax.f32 v19, v47;
	v59 =	vpop (erf)  }
0x3b0: {  	s0 =	sor.u32 $0x1C50, s0;
	v56 =	vld [tilespmem:s31+$0x8000];
	v58 =	vmax.f32 v19, v49;
	(erf) = vpow2.f32 v53;
	v18 =	vadd.f32 v59, v18  }
0x3b1: {  	v14 =	vor.u32 v15, v14;
	v57 =	vand.u32 $0x7F, v13;
	v60 =	vld [tilespmem:s0+$0x8000];
	v15 =	vmax.f32 v58, v52;
	v63 =	vpop (erf)  }
0x3b2: {  	v62 =	vmul.f32 $1.442695020e+00, v45;
	(erf) = vpow2.f32 v61;
	v18 =	vadd.f32 v63, v18  }
0x3b3: {  	v13 =	vor.u32 v57, v14;
	v15 =	vmax.f32 v15, v54;
	v24 =	vpop (erf)  }
0x3b4: {  	v26 =	vmul.f32 $1.442695020e+00, v47;
	(erf) = vpow2.f32 v62;
	v27 =	vadd.f32 v24, v18  }
0x3b5: {  	v16 =	vsel vm0, $0xF149F2CA, v16;
	v29 =	vmul.f32 $1.442695020e+00, v49;
	v15 =	vmax.f32 v15, v56;
	v30 =	vpop (erf)  }
0x3b6: {  	v15 =	vmax.f32 v15, v60;
	(erf) = vpow2.f32 v26;
	v14 =	vadd.f32 v30, v27  }
0x3b7: {  	v15 =	vmax.f32 v15, v16;
	v31 =	vpop (erf)  }
0x3b8: {  	v32 =	vmul.f32 $1.442695020e+00, v52;
	v13 =	vld.idx.msk [tilespmem:v13+s17+$0x0], $0xffff;
	[tilespmem:$0x10400] =	vst v15;
	(erf) = vpow2.f32 v29;
	v14 =	vadd.f32 v31, v14  }
0x3b9: {  	v33 =	vld.idx.msk [tilespmem:v1+s19+$0x0], $0xffff;
	v34 =	vpop (erf)  }
0x3ba: {  	v35 =	vmul.f32 $1.442695020e+00, v54;
	(erf) = vpow2.f32 v32;
	v14 =	vadd.f32 v34, v14  }
0x3bb: {  	v36 =	vpop (erf)  }
0x3bc: {  	v37 =	vmul.f32 $1.442695020e+00, v56;
	(erf) = vpow2.f32 v35;
	v14 =	vadd.f32 v36, v14  }
0x3bd: {  	v39 =	vmul.f32 $1.442695020e+00, v60;
	v38 =	vpop (erf)  }
0x3be: {  	v15 =	vmax.f32 v15, v33;
	(erf) = vpow2.f32 v37;
	v14 =	vadd.f32 v38, v14  }
0x3bf: {  	[tilespmem:$0x10400] =	vst v15;
	v41 =	vpop (erf)  }
0x3c0: {  	v40 =	vld.idx.msk [tilespmem:v2+s19+$0x0], $0xffff;
	(erf) = vpow2.f32 v39;
	v14 =	vadd.f32 v41, v14  }
0x3c1: {  	v42 =	vpop (erf)  }
0x3c2: {  	v14 =	vadd.f32 v42, v14  }
0x3c3: {  	v43 =	vpop (erf)  }
0x3c4: {  	v14 =	vadd.f32 v43, v14  }
0x3c5: {  	v15 =	vmax.f32 v15, v40;
	v44 =	vpop (erf)  }
0x3c6: {  	[tilespmem:$0x10400] =	vst v15;
	v14 =	vadd.f32 v44, v14  }
0x3c7: {  	v45 =	vld.idx.msk [tilespmem:v3+s19+$0x0], $0xffff;
	v46 =	vpop (erf)  }
0x3c8: {  	v14 =	vadd.f32 v46, v14  }
0x3c9: {  	v47 =	vpop (erf)  }
0x3ca: {  	v14 =	vadd.f32 v47, v14  }
0x3cb: {  	v48 =	vsel vm0, $0x0, v17  }
0x3cc: {  	v15 =	vmax.f32 v15, v45;
	v14 =	vadd.f32 v48, v14  }
0x3cd: {  	[tilespmem:$0x10400] =	vst v15  }
0x3ce: {  	v49 =	vld.idx.msk [tilespmem:v4+s19+$0x0], $0xffff;
	[tilespmem:$0x10400] =	vst v14  }
0x3cf: {  	v50 =	vld.idx.msk [tilespmem:v1+s19+$0x0], $0xffff;
	_ =	sdelay $0x4  }
0x3d0: {  	v14 =	vadd.f32 v50, v14;
	_ =	sdelay $0x1  }
0x3d1: {  	[tilespmem:$0x10400] =	vst v14  }
0x3d2: {  	v51 =	vld.idx.msk [tilespmem:v2+s19+$0x0], $0xffff;
	_ =	sdelay $0x4  }
0x3d3: {  	v14 =	vadd.f32 v51, v14;
	_ =	sdelay $0x1  }
0x3d4: {  	[tilespmem:$0x10400] =	vst v14  }
0x3d5: {  	v52 =	vld.idx.msk [tilespmem:v3+s19+$0x0], $0xffff;
	_ =	sdelay $0x4  }
0x3d6: {  	v14 =	vadd.f32 v52, v14  }
0x3d7: {  	v53 =	vmov s26  }
0x3d8: {  	[tilespmem:$0x10400] =	vst v14  }
0x3d9: {  	v54 =	vld.idx.msk [tilespmem:v4+s19+$0x0], $0xffff;
	_ =	sdelay $0x2  }
0x3da: {  	v15 =	vmax.f32 v15, v49;
	v55 =	vld.idx.msk [tilespmem:v53+s18+$0x0], $0xffff  }
0x3db: {  	v56 =	vmul.f32 $1.442695020e+00, v15  }
0x3dc: {  	v14 =	vadd.f32 v54, v14  }
0x3dd: {  	(erf) = vpow2.f32 v56  }
0x3de: {  	(erf) = vrcp.f32 v14  }
0x3df: {  	v57 =	vshll.u32 v53, $0xA;
	v58 =	vshll.u32 v55, $0x3  }
0x3e0: {  	v17 =	vshll.u32 v53, $0x7;
	v18 =	vand.u32 $0xFFFFFC00, v58;
	v14 =	vand.u32 $0x6000, v57  }
0x3e1: {  	v17 =	vand.u32 $0x380, v17;
	v14 =	vadd.s32 v14, v18  }
0x3e2: {  	v16 =	vand.u32 $0x7F, v55;
	v14 =	vor.u32 v17, v14  }
0x3e3: {  	v14 =	vor.u32 v16, v14;
	_ =	sdelay $0x2  }
0x3e4: {  	v11 =	vmul.f32 v12, v11;
	v59 =	vpop (erf)  }
0x3e5: {  	v60 =	vpop (erf)  }
0x3e6: {  	vm1 =	vgt.f32 v11, v5;
	vm2 =	vle.f32 v11, v6;
	v14 =	vld.idx.msk [tilespmem:v14+s17+$0x0], $0xffff;
	v12 =	vmul.f32 v60, v59  }
0x3e7: {  	s24 =	sadd.s32 $0x1, s24;
	vm1 =	vmand vm1, vm2;
	vm3 =	veq.f32 v13, v10  }
0x3e8: {  	p0 =	sne.s32 s24, $0x4;
	v61 =	vsel vm1, $0x3F800000, v0;
	vm1 =	vgt.f32 v12, v5;
	vm2 =	vle.f32 v12, v6  }
.Ltmp2:
0x3e9: {  	v11 =	vmul.f32 v61, v11;
	v10 =	vnsel vm3, $0x0, v61;
	vm1 =	vmand vm1, vm2;
	(pc) =	sbr.rel @p0 .LBB2_2-.Ltmp2, $4  }
0x3ea: {  	v8 =	vadd.f32 v61, v8;
	v7 =	vadd.f32 v10, v7;
	v62 =	vsel vm1, $0x3F800000, v0  }
0x3eb: {  	v11 =	vadd.f32 v11, v9;
	vm1 =	veq.f32 v14, v15;
	v10 =	vmul.f32 v62, v12  }
0x3ec: {  	v9 =	vadd.f32 v62, v8;
	v63 =	vnsel vm1, $0x0, v62  }
0x3ed: {  	v7 =	vadd.f32 v63, v7;
	v8 =	vadd.f32 v10, v11  }
0x3ee: {  	[tilespmem:$0x10200] =	vst v9;
	s23 =	sadd.s32 $0x1, s23  }
0x3ef: {  	[tilespmem:$0x10280] =	vst v8;
	p0 =	sne.s32 s23, s10  }
.Ltmp3:
0x3f0: {  	s0 =	simm.s32 $0x10200;
	[tilespmem:$0x10300] =	vst v7;
	(pc) =	sbr.rel @p0 .LBB2_1-.Ltmp3, $4  }
0x3f1: {  	[hbm4b:s9+s2] =	stream.linear.scatter [tilespmem:s0], [sflag:$0x5], $0x180, $0x38;
	[tilespmem:$0x10480] =	vst v63  }
0x3f2: {  	_ =	swait.ge [sflag:s13], $0x180  }
0x3f3: {  	[sflag:s13] =	ssyncset.done $0x0  }
0x3f4: {  	[sflag:s13] =	ssyncadd.s32 $0xFFFFFE80  }
0x3f5: {  	_ =	sfence.sel $0x180000  }
0x3f6: {  	[bflag:$0x0] =	sbarrier.arrive $0xFFFF  }
0x3f7: {  	_ =	strace $0x90000047  }
0x3f8: {  	s0 =	stileid.u32;
	[bflag:$0x2] =	sbarrier.arrive $0xFFFF  }
0x3f9: {  	p0 =	sne.s32 s0, $0x0;
	s0 =	rddreg [dreg:$0x2]  }
0x3fa: {  	s0 =	sadd.s32 @!p0 $0x100000, s0  }
0x3fb: {  	[sflag:s0] =	ssyncadd.tile.s32 @!p0 $0x1;
	_ =	shalt  }
.Lfunc_end2:
_tile_overlayer_lowered:
.L_overlay_start_2:
0x3fc: {  	(tag) =	ssettag $0x2  }
0x3fd: {  	s0 =	rddreg [dreg:$0x0];
	s2 =	stileid.u32  }
0x3fe: {  	s1 =	rddreg [dreg:$0x1];
	p0 =	sne.s32 s2, $0x0  }
0x3ff: {  	s3 =	rddreg [dreg:$0x2];
	[bflag:$0x3] =	sbarrier.arrive $0xFFFF;
	s2 =	simm.s32 @!p0 $0x1C05  }
0x400: {  	[timem:s3], [sflag:s2] =	dma.local @!p0 [hbm:s0], s1  }
0x401: {  	s0 =	simm.s32 @!p0 $0x5  }
0x402: {  	_ =	swait.ge @!p0 [sflag:s0], s1  }
0x403: {  	s1 =	ssub.s32 @!p0 $0x0, s1;
	[sflag:s0] =	ssyncset.done @!p0 $0x0  }
0x404: {  	[sflag:s0] =	ssyncadd.s32 @!p0 s1  }
0x405: {  	[bflag:$0x3] =	sbarrier.arrive $0xFFFF  }
0x406: {  	_ =	shalt  }

</sc_bundles>
